<compile_context>
chip_gen: v7x
topology: tpu7x:2x2x1
jax: 0.10.2.dev20260603
libtpu: 0.0.44.dev20260713+nightly
codegen_flags: <defaults>
</compile_context>

<pallas_src>
import functools

import jax
import jax.numpy as jnp
from jax import lax
from jax.experimental import pallas as pl
from jax.experimental.pallas import tpu as pltpu
from jax.experimental.pallas import tpu_sc as plsc

N = 10000
E = 320000
DIM = 128
K = 4

NUM_CORES = 2
NUM_SUBCORES = 16
NUM_TILES = NUM_CORES * NUM_SUBCORES
EDGES_PER_TILE = E // NUM_TILES
BATCH = 80
NUM_BLOCKS = EDGES_PER_TILE // BATCH
ROW_CHUNK = 80
NUM_ROW_CHUNKS = N // ROW_CHUNK


def _build_tables_body(x_ref, eps_ref, out_ref):
    xb = x_ref[...]
    rb = jnp.maximum(xb, 0.0)
    out_ref[0] = xb
    for j in range(1, K):
        out_ref[j] = rb * (1.0 + eps_ref[j + 1])[None, :]


def _build_tables(x, eps):
    blk = 1000
    return pl.pallas_call(
        _build_tables_body,
        grid=(N // blk,),
        in_specs=[
            pl.BlockSpec((blk, DIM), lambda i: (i, 0)),
            pl.BlockSpec((K + 1, DIM), lambda i: (0, 0)),
        ],
        out_specs=pl.BlockSpec((K, blk, DIM), lambda i: (0, i, 0)),
        out_shape=jax.ShapeDtypeStruct((K, N, DIM), jnp.float32),
    )(x, eps)


def _sc_edges_body(u_hbm, src_hbm, dst_hbm, dist_hbm, attr_hbm, eps_hbm,
                   out_hbm,
                   srcv_a, srcv_b, distv_a, distv_b, dstv_a, dstv_b,
                   gidx_a, gidx_b, rows_a, rows_b, attrv_a, attrv_b,
                   dchk_a, dchk_b, epsv, s_ref, acc,
                   isem_a, isem_b, dsem_a, dsem_b, gsem_a, gsem_b,
                   asem_a, asem_b, ssem_a, ssem_b):
    core = lax.axis_index("c")
    sub = lax.axis_index("s")
    tile = core * NUM_SUBCORES + sub

    pltpu.sync_copy(eps_hbm, epsv)
    for j in range(DIM // 16):
        s_ref[pl.ds(16 * j, 16)] = epsv[pl.ds(DIM + 16 * j, 16)] + 1.0

    zeros16 = jnp.zeros((16,), jnp.float32)

    def _zero_row(r, _):
        for j in range(DIM // 16):
            rows_a[r, pl.ds(16 * j, 16)] = zeros16
        return 0

    lax.fori_loop(0, ROW_CHUNK, _zero_row, 0)

    def _zero_chunk(t, _):
        c = sub + NUM_SUBCORES * t

        @pl.when(c < NUM_ROW_CHUNKS)
        def _():
            r0 = pl.multiple_of(c * ROW_CHUNK, 8)
            pltpu.sync_copy(rows_a, acc.at[pl.ds(r0, ROW_CHUNK)])
        return 0

    lax.fori_loop(0, pl.cdiv(NUM_ROW_CHUNKS, NUM_SUBCORES), _zero_chunk, 0)
    plsc.subcore_barrier()

    def _off(j):
        return pl.multiple_of(tile * BATCH + j * (NUM_TILES * BATCH), 8)

    bufs = (
        (srcv_a, distv_a, dstv_a, gidx_a, rows_a, attrv_a, dchk_a,
         isem_a, dsem_a, gsem_a, asem_a, ssem_a),
        (srcv_b, distv_b, dstv_b, gidx_b, rows_b, attrv_b, dchk_b,
         isem_b, dsem_b, gsem_b, asem_b, ssem_b),
    )

    def idx_start(j, p):
        srcv, distv = bufs[p][0], bufs[p][1]
        off = _off(j)
        pltpu.async_copy(src_hbm.at[pl.ds(off, BATCH)], srcv, bufs[p][7])
        pltpu.async_copy(dist_hbm.at[pl.ds(off, BATCH)], distv, bufs[p][7])

    def dst_start(j, p):
        off = _off(j)
        pltpu.async_copy(dst_hbm.at[pl.ds(off, BATCH)], bufs[p][2],
                         bufs[p][8])

    def launch(j, p):
        srcv, distv, _, gidx, rows, attrv, dchk = bufs[p][:7]
        off = _off(j)
        pltpu.make_async_copy(src_hbm.at[pl.ds(off, BATCH)], srcv,
                              bufs[p][7]).wait()
        pltpu.make_async_copy(dist_hbm.at[pl.ds(off, BATCH)], distv,
                              bufs[p][7]).wait()
        for i in range(BATCH // 16):
            sl = pl.ds(16 * i, 16)
            gidx[sl] = (distv[sl] - 1) * N + srcv[sl]
        dchk[pl.ds(0, 16)] = distv[pl.ds(0, 16)]
        dchk[pl.ds(16, 16)] = distv[pl.ds(BATCH - 16, 16)]
        d1 = jnp.min(distv[pl.ds(0, 16)])

        @pl.when(d1 == 1)
        def _():
            pltpu.async_copy(attr_hbm.at[pl.ds(off, BATCH)], attrv,
                             bufs[p][10])

        pltpu.async_copy(u_hbm.at[gidx], rows, bufs[p][9])

    def process(j, p):
        _, _, dstv, gidx, rows, attrv, dchk = bufs[p][:7]
        off = _off(j)
        pltpu.make_async_copy(u_hbm.at[gidx], rows, bufs[p][9]).wait()
        d1 = jnp.min(dchk[pl.ds(0, 16)])
        dl = jnp.max(dchk[pl.ds(16, 16)])

        @pl.when(d1 == 1)
        def _():
            pltpu.make_async_copy(attr_hbm.at[pl.ds(off, BATCH)], attrv,
                                  bufs[p][10]).wait()

        @pl.when(dl == 1)
        def _pure_hop1():
            def _edge(e, _):
                for jj in range(DIM // 16):
                    sl = pl.ds(16 * jj, 16)
                    rows[e, sl] = (jnp.maximum(rows[e, sl] + attrv[e, sl],
                                               0.0) * s_ref[sl])
                return 0

            lax.fori_loop(0, BATCH, _edge, 0)

        @pl.when((d1 == 1) & (dl > 1))
        def _mixed():
            distv = bufs[p][1]

            def _edge(e, _):
                esplat = jnp.full((16,), e, jnp.int32)
                dsplat = plsc.load_gather(distv, [esplat])
                m = dsplat == 1
                for jj in range(DIM // 16):
                    sl = pl.ds(16 * jj, 16)
                    u = rows[e, sl]
                    t = jnp.maximum(u + attrv[e, sl], 0.0) * s_ref[sl]
                    rows[e, sl] = jnp.where(m, t, u)
                return 0

            lax.fori_loop(0, BATCH, _edge, 0)

        pltpu.make_async_copy(dst_hbm.at[pl.ds(off, BATCH)], dstv,
                              bufs[p][8]).wait()
        pltpu.async_copy(rows, acc.at[dstv], bufs[p][11], add=True)

    def scat_wait(p):
        pltpu.make_async_copy(bufs[p][4], acc.at[bufs[p][2]],
                              bufs[p][11]).wait()


    idx_start(0, 0)
    idx_start(1, 1)
    dst_start(0, 0)
    launch(0, 0)

    def _pair(i, _):
        k0 = 2 * i

        @pl.when(k0 > 0)
        def _():
            scat_wait(1)
        dst_start(k0 + 1, 1)
        launch(k0 + 1, 1)
        process(k0, 0)
        idx_start(k0 + 2, 0)

        scat_wait(0)
        dst_start(k0 + 2, 0)
        launch(k0 + 2, 0)
        process(k0 + 1, 1)

        @pl.when(k0 + 3 < NUM_BLOCKS)
        def _():
            idx_start(k0 + 3, 1)
        return 0

    lax.fori_loop(0, (NUM_BLOCKS - 1) // 2, _pair, 0)

    scat_wait(1)
    process(NUM_BLOCKS - 1, 0)
    scat_wait(0)
    plsc.subcore_barrier()

    rbufs = (rows_a, rows_b)
    rsems = (gsem_a, gsem_b)

    def _ro_pull(t, q):
        c = sub + NUM_SUBCORES * t

        @pl.when(c < NUM_ROW_CHUNKS)
        def _():
            r0 = pl.multiple_of(c * ROW_CHUNK, 8)
            pltpu.async_copy(acc.at[pl.ds(r0, ROW_CHUNK)], rbufs[q],
                             rsems[q])

    def _ro_push(t, q):
        c = sub + NUM_SUBCORES * t

        @pl.when(c < NUM_ROW_CHUNKS)
        def _():
            r0 = pl.multiple_of(c * ROW_CHUNK, 8)
            pltpu.make_async_copy(acc.at[pl.ds(r0, ROW_CHUNK)], rbufs[q],
                                  rsems[q]).wait()
            pltpu.sync_copy(rbufs[q], out_hbm.at[core, pl.ds(r0, ROW_CHUNK)])

    _ro_pull(0, 0)

    def _ro_pair(t2, _):
        t0 = 2 * t2
        _ro_pull(t0 + 1, 1)
        _ro_push(t0, 0)
        _ro_pull(t0 + 2, 0)
        _ro_push(t0 + 1, 1)
        return 0

    lax.fori_loop(0, pl.cdiv(NUM_ROW_CHUNKS, NUM_SUBCORES) // 2, _ro_pair, 0)


def _sc_edges(u4, src, dst, dist, edge_attr, eps_flat):
    mesh = plsc.VectorSubcoreMesh(core_axis_name="c", subcore_axis_name="s")
    ivec = pltpu.VMEM((BATCH,), jnp.int32)
    fmat = pltpu.VMEM((BATCH, DIM), jnp.float32)
    sem = pltpu.SemaphoreType.DMA
    return pl.kernel(
        _sc_edges_body,
        out_type=jax.ShapeDtypeStruct((NUM_CORES, N, DIM), jnp.float32),
        mesh=mesh,
        compiler_params=pltpu.CompilerParams(needs_layout_passes=False),
        scratch_types=[
            ivec, ivec,
            ivec, ivec,
            ivec, ivec,
            ivec, ivec,
            fmat, fmat,
            fmat, fmat,
            pltpu.VMEM((32,), jnp.int32),
            pltpu.VMEM((32,), jnp.int32),
            pltpu.VMEM(((K + 1) * DIM,), jnp.float32),
            pltpu.VMEM((DIM,), jnp.float32),
            pltpu.VMEM_SHARED((N, DIM), jnp.float32),
            sem, sem, sem, sem, sem, sem, sem, sem, sem, sem,
        ],
    )(u4, src, dst, dist, edge_attr, eps_flat)


def _mlp_head_body(x_ref, part_ref, eps_ref, w1_ref, b1_ref, gamma_ref,
                   beta_ref, w2_ref, b2_ref, out_ref):
    result = ((1.0 + eps_ref[0])[None, :] * x_ref[...]
              + part_ref[0] + part_ref[1])
    h = jnp.dot(result, w1_ref[...],
                preferred_element_type=jnp.float32) + b1_ref[...][None, :]
    mean = jnp.mean(h, axis=0)
    var = jnp.mean((h - mean[None, :]) ** 2, axis=0)
    h = (h - mean[None, :]) / jnp.sqrt(var + 1e-5)
    h = h * gamma_ref[...][None, :] + beta_ref[...][None, :]
    h = jnp.maximum(h, 0.0)
    out_ref[...] = jnp.dot(h, w2_ref[...],
                           preferred_element_type=jnp.float32) \
        + b2_ref[...][None, :]


def _mlp_head(x, part, eps, W1, b1, gamma, beta, W2, b2):
    return pl.pallas_call(
        _mlp_head_body,
        out_shape=jax.ShapeDtypeStruct((N, DIM), jnp.float32),
    )(x, part, eps, W1, b1, gamma, beta, W2, b2)


def kernel(x, multihop_edge_index, distance, edge_attr, eps,
           W1, b1, gamma, beta, W2, b2):
    u4 = _build_tables(x, eps).reshape(K * N, DIM)
    part = _sc_edges(u4, multihop_edge_index[0], multihop_edge_index[1],
                     distance, edge_attr, eps.reshape(-1))
    return _mlp_head(x, part, eps, W1, b1, gamma, beta, W2, b2)

# --- scband reference (transcript-rebuilt; emitter-appended) ---
"""Pipeline reference for scband-classifier-network-14242111554128 (READ-ONLY COPY).

The authoritative reference and input builder live on the scoring server;
editing this copy changes nothing except your own understanding.
"""

import jax, jax.numpy as jnp
import numpy as np

N = 10000
E = 320000
DIM = 128
K = 4


def setup_inputs(seed: int = 0) -> dict:
    key = jax.random.key(seed)
    ks = jax.random.split(key, 8)
    x = jax.random.normal(ks[0], (N, DIM), dtype=jnp.float32)
    multihop_edge_index = jax.random.randint(ks[1], (2, E), 0, N, dtype=jnp.int32)
    # distance values in 1..K, sorted (edges grouped by hop distance)
    distance = jnp.sort(jax.random.randint(ks[2], (E,), 1, K + 1, dtype=jnp.int32))
    edge_attr = jax.random.normal(ks[3], (E, DIM), dtype=jnp.float32)
    # learned parameters
    eps = jnp.zeros((K + 1, DIM), dtype=jnp.float32)  # GINE+ per-hop eps
    W1 = jax.random.normal(ks[4], (DIM, 2 * DIM), dtype=jnp.float32) * 0.05
    b1 = jnp.zeros((2 * DIM,), dtype=jnp.float32)
    gamma = jnp.ones((2 * DIM,), dtype=jnp.float32)
    beta = jnp.zeros((2 * DIM,), dtype=jnp.float32)
    W2 = jax.random.normal(ks[5], (2 * DIM, DIM), dtype=jnp.float32) * 0.05
    b2 = jnp.zeros((DIM,), dtype=jnp.float32)
    return {
        'x': x,
        'multihop_edge_index': multihop_edge_index,
        'distance': distance,
        'edge_attr': edge_attr,
        'eps': eps,
        'W1': W1,
        'b1': b1,
        'gamma': gamma,
        'beta': beta,
        'W2': W2,
        'b2': b2,
    }


def reference(x, multihop_edge_index, distance, edge_attr, eps, W1, b1, gamma, beta, W2, b2):
    # NAIVEGINEPLUS forward: result = (1+eps[0])*x + sum_i (1+eps[i+1]) * aggr_i
    # aggr_i = scatter-add over edges with distance == i+1 of relu(x_src (+ edge_attr if i==0))
    src = multihop_edge_index[0]
    dst = multihop_edge_index[1]
    result = (1.0 + eps[0]) * x
    for i in range(K):
        mask = (distance == (i + 1)).astype(x.dtype)[:, None]
        if i == 0:
            msg = jax.nn.relu(x[src] + edge_attr)
        else:
            msg = jax.nn.relu(x[src])
        # masking after relu is equivalent to edge filtering since aggregation is add
        out = jax.ops.segment_sum(msg * mask, dst, num_segments=N)
        result = result + (1.0 + eps[i + 1]) * out
    # self.nn = MLP(dim, dim): Linear(dim, 2dim) -> BatchNorm1d -> ReLU -> Linear(2dim, dim)
    h = result @ W1 + b1
    mean = jnp.mean(h, axis=0)
    var = jnp.var(h, axis=0)
    h = (h - mean) / jnp.sqrt(var + 1e-5) * gamma + beta
    h = jax.nn.relu(h)
    h = h @ W2 + b2
    return h

if __name__ == "__main__":
    import jax
    _d = setup_inputs()
    print(jax.jit(kernel)(*tuple(_d.values())))

</pallas_src>

<mosaic_0001>
#map = affine_map<(d0, d1) -> (0, 0)>
#map1 = affine_map<(d0, d1) -> (0)>
#map2 = affine_map<(d0, d1) -> (0, 0, 0)>
module attributes {stable_mosaic.version = 14 : i64} {
  func.func @_sc_edges_body(%arg0: i32, %arg1: i32, %arg2: memref<40000x128xf32, #tpu.memory_space<hbm>>, %arg3: memref<320000xi32, #tpu.memory_space<hbm>>, %arg4: memref<320000xi32, #tpu.memory_space<hbm>>, %arg5: memref<320000xi32, #tpu.memory_space<hbm>>, %arg6: memref<320000x128xf32, #tpu.memory_space<hbm>>, %arg7: memref<640xf32, #tpu.memory_space<hbm>>, %arg8: memref<2x10000x128xf32, #tpu.memory_space<hbm>>, %arg9: memref<80xi32, #tpu.memory_space<vmem>>, %arg10: memref<80xi32, #tpu.memory_space<vmem>>, %arg11: memref<80xi32, #tpu.memory_space<vmem>>, %arg12: memref<80xi32, #tpu.memory_space<vmem>>, %arg13: memref<80xi32, #tpu.memory_space<vmem>>, %arg14: memref<80xi32, #tpu.memory_space<vmem>>, %arg15: memref<80xi32, #tpu.memory_space<vmem>>, %arg16: memref<80xi32, #tpu.memory_space<vmem>>, %arg17: memref<80x128xf32, #tpu.memory_space<vmem>>, %arg18: memref<80x128xf32, #tpu.memory_space<vmem>>, %arg19: memref<80x128xf32, #tpu.memory_space<vmem>>, %arg20: memref<80x128xf32, #tpu.memory_space<vmem>>, %arg21: memref<32xi32, #tpu.memory_space<vmem>>, %arg22: memref<32xi32, #tpu.memory_space<vmem>>, %arg23: memref<640xf32, #tpu.memory_space<vmem>>, %arg24: memref<128xf32, #tpu.memory_space<vmem>>, %arg25: memref<10000x128xf32, #tpu.memory_space<vmem_shared>>, %arg26: memref<!tpu.dma_semaphore, #tpu.memory_space<semaphore_mem>>, %arg27: memref<!tpu.dma_semaphore, #tpu.memory_space<semaphore_mem>>, %arg28: memref<!tpu.dma_semaphore, #tpu.memory_space<semaphore_mem>>, %arg29: memref<!tpu.dma_semaphore, #tpu.memory_space<semaphore_mem>>, %arg30: memref<!tpu.dma_semaphore, #tpu.memory_space<semaphore_mem>>, %arg31: memref<!tpu.dma_semaphore, #tpu.memory_space<semaphore_mem>>, %arg32: memref<!tpu.dma_semaphore, #tpu.memory_space<semaphore_mem>>, %arg33: memref<!tpu.dma_semaphore, #tpu.memory_space<semaphore_mem>>, %arg34: memref<!tpu.dma_semaphore, #tpu.memory_space<semaphore_mem>>, %arg35: memref<!tpu.dma_semaphore, #tpu.memory_space<semaphore_mem>>) attributes {dimension_semantics = [#tpu.dimension_semantics<core_parallel>, #tpu.dimension_semantics<subcore_parallel>], iteration_bounds = array<i64: 2, 16>, scalar_prefetch = 0 : i64, scratch_operands = 27 : i64, tpu.core_type = #tpu.core_type<sc_vector_subcore>, window_params = [{transform_indices = #map}, {transform_indices = #map1}, {transform_indices = #map1}, {transform_indices = #map1}, {transform_indices = #map}, {transform_indices = #map1}, {transform_indices = #map2}]} {
    %mul3A = arith.constant 16 : i32
    %mul3A_0 = arith.muli %arg0, %mul3A : i32
    %add3A = arith.addi %mul3A_0, %arg1 : i32
    "tpu.region"() ({
      %run_scoped3A = tpu.sem_alloc : memref<!tpu.dma_semaphore, #tpu.memory_space<semaphore_mem>>
      tpu.enqueue_dma source(%arg7 : memref<640xf32, #tpu.memory_space<hbm>>) target(%arg23 : memref<640xf32, #tpu.memory_space<vmem>>) target_semaphore(%run_scoped3A : memref<!tpu.dma_semaphore, #tpu.memory_space<semaphore_mem>>)
      tpu.wait_dma2 semaphore(%run_scoped3A : memref<!tpu.dma_semaphore, #tpu.memory_space<semaphore_mem>>) src(%arg7 : memref<640xf32, #tpu.memory_space<hbm>>) dst(%arg23 : memref<640xf32, #tpu.memory_space<vmem>>)
      tpu.yield
    }) : () -> ()
    %get3A = arith.constant 128 : index
    %get3A_1 = tpu.vector_load %arg23[%get3A] {strides = array<i32>} : memref<640xf32, #tpu.memory_space<vmem>>, vector<16xf32>,
    %add3A_2 = arith.constant 1.000000e+00 : f32
    %add3A_3 = vector.broadcast %add3A_2 : f32 to vector<16xf32>
    %add3A_4 = arith.addf %get3A_1, %add3A_3 : vector<16xf32>
    %swap3A = arith.constant 0 : index
    %swap3A_5 = tpu.vector_load %arg24[%swap3A] {strides = array<i32>} : memref<128xf32, #tpu.memory_space<vmem>>, vector<16xf32>,
    tpu.vector_store %arg24[%swap3A], %add3A_4 {strides = array<i32>} : memref<128xf32, #tpu.memory_space<vmem>>, vector<16xf32>,
    %get3A_6 = arith.constant 144 : index
    %get3A_7 = tpu.vector_load %arg23[%get3A_6] {strides = array<i32>} : memref<640xf32, #tpu.memory_space<vmem>>, vector<16xf32>,
    %add3A_8 = arith.constant 1.000000e+00 : f32
    %add3A_9 = vector.broadcast %add3A_8 : f32 to vector<16xf32>
    %add3A_10 = arith.addf %get3A_7, %add3A_9 : vector<16xf32>
    %swap3A_11 = arith.constant 16 : index
    %swap3A_12 = tpu.vector_load %arg24[%swap3A_11] {strides = array<i32>} : memref<128xf32, #tpu.memory_space<vmem>>, vector<16xf32>,
    tpu.vector_store %arg24[%swap3A_11], %add3A_10 {strides = array<i32>} : memref<128xf32, #tpu.memory_space<vmem>>, vector<16xf32>,
    %get3A_13 = arith.constant 160 : index
    %get3A_14 = tpu.vector_load %arg23[%get3A_13] {strides = array<i32>} : memref<640xf32, #tpu.memory_space<vmem>>, vector<16xf32>,
    %add3A_15 = arith.constant 1.000000e+00 : f32
    %add3A_16 = vector.broadcast %add3A_15 : f32 to vector<16xf32>
    %add3A_17 = arith.addf %get3A_14, %add3A_16 : vector<16xf32>
    %swap3A_18 = arith.constant 32 : index
    %swap3A_19 = tpu.vector_load %arg24[%swap3A_18] {strides = array<i32>} : memref<128xf32, #tpu.memory_space<vmem>>, vector<16xf32>,
    tpu.vector_store %arg24[%swap3A_18], %add3A_17 {strides = array<i32>} : memref<128xf32, #tpu.memory_space<vmem>>, vector<16xf32>,
    %get3A_20 = arith.constant 176 : index
    %get3A_21 = tpu.vector_load %arg23[%get3A_20] {strides = array<i32>} : memref<640xf32, #tpu.memory_space<vmem>>, vector<16xf32>,
    %add3A_22 = arith.constant 1.000000e+00 : f32
    %add3A_23 = vector.broadcast %add3A_22 : f32 to vector<16xf32>
    %add3A_24 = arith.addf %get3A_21, %add3A_23 : vector<16xf32>
    %swap3A_25 = arith.constant 48 : index
    %swap3A_26 = tpu.vector_load %arg24[%swap3A_25] {strides = array<i32>} : memref<128xf32, #tpu.memory_space<vmem>>, vector<16xf32>,
    tpu.vector_store %arg24[%swap3A_25], %add3A_24 {strides = array<i32>} : memref<128xf32, #tpu.memory_space<vmem>>, vector<16xf32>,
    %get3A_27 = arith.constant 192 : index
    %get3A_28 = tpu.vector_load %arg23[%get3A_27] {strides = array<i32>} : memref<640xf32, #tpu.memory_space<vmem>>, vector<16xf32>,
    %add3A_29 = arith.constant 1.000000e+00 : f32
    %add3A_30 = vector.broadcast %add3A_29 : f32 to vector<16xf32>
    %add3A_31 = arith.addf %get3A_28, %add3A_30 : vector<16xf32>
    %swap3A_32 = arith.constant 64 : index
    %swap3A_33 = tpu.vector_load %arg24[%swap3A_32] {strides = array<i32>} : memref<128xf32, #tpu.memory_space<vmem>>, vector<16xf32>,
    tpu.vector_store %arg24[%swap3A_32], %add3A_31 {strides = array<i32>} : memref<128xf32, #tpu.memory_space<vmem>>, vector<16xf32>,
    %get3A_34 = arith.constant 208 : index
    %get3A_35 = tpu.vector_load %arg23[%get3A_34] {strides = array<i32>} : memref<640xf32, #tpu.memory_space<vmem>>, vector<16xf32>,
    %add3A_36 = arith.constant 1.000000e+00 : f32
    %add3A_37 = vector.broadcast %add3A_36 : f32 to vector<16xf32>
    %add3A_38 = arith.addf %get3A_35, %add3A_37 : vector<16xf32>
    %swap3A_39 = arith.constant 80 : index
    %swap3A_40 = tpu.vector_load %arg24[%swap3A_39] {strides = array<i32>} : memref<128xf32, #tpu.memory_space<vmem>>, vector<16xf32>,
    tpu.vector_store %arg24[%swap3A_39], %add3A_38 {strides = array<i32>} : memref<128xf32, #tpu.memory_space<vmem>>, vector<16xf32>,
    %get3A_41 = arith.constant 224 : index
    %get3A_42 = tpu.vector_load %arg23[%get3A_41] {strides = array<i32>} : memref<640xf32, #tpu.memory_space<vmem>>, vector<16xf32>,
    %add3A_43 = arith.constant 1.000000e+00 : f32
    %add3A_44 = vector.broadcast %add3A_43 : f32 to vector<16xf32>
    %add3A_45 = arith.addf %get3A_42, %add3A_44 : vector<16xf32>
    %swap3A_46 = arith.constant 96 : index
    %swap3A_47 = tpu.vector_load %arg24[%swap3A_46] {strides = array<i32>} : memref<128xf32, #tpu.memory_space<vmem>>, vector<16xf32>,
    tpu.vector_store %arg24[%swap3A_46], %add3A_45 {strides = array<i32>} : memref<128xf32, #tpu.memory_space<vmem>>, vector<16xf32>,
    %get3A_48 = arith.constant 240 : index
    %get3A_49 = tpu.vector_load %arg23[%get3A_48] {strides = array<i32>} : memref<640xf32, #tpu.memory_space<vmem>>, vector<16xf32>,
    %add3A_50 = arith.constant 1.000000e+00 : f32
    %add3A_51 = vector.broadcast %add3A_50 : f32 to vector<16xf32>
    %add3A_52 = arith.addf %get3A_49, %add3A_51 : vector<16xf32>
    %swap3A_53 = arith.constant 112 : index
    %swap3A_54 = tpu.vector_load %arg24[%swap3A_53] {strides = array<i32>} : memref<128xf32, #tpu.memory_space<vmem>>, vector<16xf32>,
    tpu.vector_store %arg24[%swap3A_53], %add3A_52 {strides = array<i32>} : memref<128xf32, #tpu.memory_space<vmem>>, vector<16xf32>,
    %broadcast_in_dim3A = arith.constant 0.000000e+00 : f32
    %broadcast_in_dim3A_55 = vector.broadcast %broadcast_in_dim3A : f32 to vector<16xf32>
    %scan3A = arith.constant 0 : i32
    %scan3A_56 = arith.constant 0 : i32
    %scan3A_57 = arith.constant 80 : i32
    %scan3A_58 = arith.addi %scan3A_56, %scan3A_57 : i32
    %scan3A_59 = arith.constant 1 : i32
    %scan3A_60 = scf.for %scan3A_261 = %scan3A_56 to %scan3A_58 step %scan3A_59 iter_args(%scan3A_262 = %scan3A) -> (i32)  : i32 {
      %swap3A_263 = arith.index_cast %scan3A_261 : i32 to index
      %swap3A_264 = arith.constant 0 : index
      %swap3A_265 = tpu.vector_load %arg17[%swap3A_263, %swap3A_264] {strides = array<i32>} : memref<80x128xf32, #tpu.memory_space<vmem>>, vector<16xf32>,
      tpu.vector_store %arg17[%swap3A_263, %swap3A_264], %broadcast_in_dim3A_55 {strides = array<i32>} : memref<80x128xf32, #tpu.memory_space<vmem>>, vector<16xf32>,
      %swap3A_266 = arith.index_cast %scan3A_261 : i32 to index
      %swap3A_267 = arith.constant 16 : index
      %swap3A_268 = tpu.vector_load %arg17[%swap3A_266, %swap3A_267] {strides = array<i32>} : memref<80x128xf32, #tpu.memory_space<vmem>>, vector<16xf32>,
      tpu.vector_store %arg17[%swap3A_266, %swap3A_267], %broadcast_in_dim3A_55 {strides = array<i32>} : memref<80x128xf32, #tpu.memory_space<vmem>>, vector<16xf32>,
      %swap3A_269 = arith.index_cast %scan3A_261 : i32 to index
      %swap3A_270 = arith.constant 32 : index
      %swap3A_271 = tpu.vector_load %arg17[%swap3A_269, %swap3A_270] {strides = array<i32>} : memref<80x128xf32, #tpu.memory_space<vmem>>, vector<16xf32>,
      tpu.vector_store %arg17[%swap3A_269, %swap3A_270], %broadcast_in_dim3A_55 {strides = array<i32>} : memref<80x128xf32, #tpu.memory_space<vmem>>, vector<16xf32>,
      %swap3A_272 = arith.index_cast %scan3A_261 : i32 to index
      %swap3A_273 = arith.constant 48 : index
      %swap3A_274 = tpu.vector_load %arg17[%swap3A_272, %swap3A_273] {strides = array<i32>} : memref<80x128xf32, #tpu.memory_space<vmem>>, vector<16xf32>,
      tpu.vector_store %arg17[%swap3A_272, %swap3A_273], %broadcast_in_dim3A_55 {strides = array<i32>} : memref<80x128xf32, #tpu.memory_space<vmem>>, vector<16xf32>,
      %swap3A_275 = arith.index_cast %scan3A_261 : i32 to index
      %swap3A_276 = arith.constant 64 : index
      %swap3A_277 = tpu.vector_load %arg17[%swap3A_275, %swap3A_276] {strides = array<i32>} : memref<80x128xf32, #tpu.memory_space<vmem>>, vector<16xf32>,
      tpu.vector_store %arg17[%swap3A_275, %swap3A_276], %broadcast_in_dim3A_55 {strides = array<i32>} : memref<80x128xf32, #tpu.memory_space<vmem>>, vector<16xf32>,
      %swap3A_278 = arith.index_cast %scan3A_261 : i32 to index
      %swap3A_279 = arith.constant 80 : index
      %swap3A_280 = tpu.vector_load %arg17[%swap3A_278, %swap3A_279] {strides = array<i32>} : memref<80x128xf32, #tpu.memory_space<vmem>>, vector<16xf32>,
      tpu.vector_store %arg17[%swap3A_278, %swap3A_279], %broadcast_in_dim3A_55 {strides = array<i32>} : memref<80x128xf32, #tpu.memory_space<vmem>>, vector<16xf32>,
      %swap3A_281 = arith.index_cast %scan3A_261 : i32 to index
      %swap3A_282 = arith.constant 96 : index
      %swap3A_283 = tpu.vector_load %arg17[%swap3A_281, %swap3A_282] {strides = array<i32>} : memref<80x128xf32, #tpu.memory_space<vmem>>, vector<16xf32>,
      tpu.vector_store %arg17[%swap3A_281, %swap3A_282], %broadcast_in_dim3A_55 {strides = array<i32>} : memref<80x128xf32, #tpu.memory_space<vmem>>, vector<16xf32>,
      %swap3A_284 = arith.index_cast %scan3A_261 : i32 to index
      %swap3A_285 = arith.constant 112 : index
      %swap3A_286 = tpu.vector_load %arg17[%swap3A_284, %swap3A_285] {strides = array<i32>} : memref<80x128xf32, #tpu.memory_space<vmem>>, vector<16xf32>,
      tpu.vector_store %arg17[%swap3A_284, %swap3A_285], %broadcast_in_dim3A_55 {strides = array<i32>} : memref<80x128xf32, #tpu.memory_space<vmem>>, vector<16xf32>,
      %scan3A_287 = arith.constant 0 : i32
      scf.yield %scan3A_287 : i32
    }
    %scan3A_61 = arith.constant 80 : i32
    %scan3A_62 = arith.constant 0 : i32
    %scan3A_63 = arith.constant 0 : i32
    %scan3A_64 = arith.constant 8 : i32
    %scan3A_65 = arith.addi %scan3A_63, %scan3A_64 : i32
    %scan3A_66 = arith.constant 1 : i32
    %scan3A_67 = scf.for %scan3A_261 = %scan3A_63 to %scan3A_65 step %scan3A_66 iter_args(%scan3A_262 = %scan3A_62) -> (i32)  : i32 {
      %mul3A_263 = arith.constant 16 : i32
      %mul3A_264 = arith.muli %mul3A_263, %scan3A_261 : i32
      %add3A_265 = arith.addi %arg1, %mul3A_264 : i32
      %lt3A_266 = arith.constant 125 : i32
      %lt3A_267 = arith.cmpi slt, %add3A_265, %lt3A_266 : i32
      %convert_element_type3A_268 = arith.extui %lt3A_267 : i1 to i32
      %cond3A_269 = arith.constant 0 : i32
      %cond3A_270 = arith.cmpi ne, %convert_element_type3A_268, %cond3A_269 : i32
      scf.if %cond3A_270 {
        %mul3A_272 = arith.constant 80 : i32
        %mul3A_273 = arith.muli %add3A_265, %mul3A_272 : i32
        %multiple_of3A_274 = tpu.assume_multiple %mul3A_273, 8 : i32
        "tpu.region"() ({
          %run_scoped3A = tpu.sem_alloc : memref<!tpu.dma_semaphore, #tpu.memory_space<semaphore_mem>>
          %dma_start3A_275 = arith.constant 0 : i32
          %dma_start3A_276 = tpu.memref_slice %arg25[%multiple_of3A_274, %dma_start3A_275] : memref<10000x128xf32, #tpu.memory_space<vmem_shared>> -> memref<80x128xf32, #tpu.memory_space<vmem_shared>>
          %dma_start3A_277 = arith.constant 0 : i32
          %dma_start3A_278 = tpu.memref_slice %arg25[%multiple_of3A_274, %dma_start3A_277] : memref<10000x128xf32, #tpu.memory_space<vmem_shared>> -> memref<80x128xf32, #tpu.memory_space<vmem_shared>>
          tpu.enqueue_dma source(%arg17 : memref<80x128xf32, #tpu.memory_space<vmem>>) target(%dma_start3A_278 : memref<80x128xf32, #tpu.memory_space<vmem_shared>>) target_semaphore(%run_scoped3A : memref<!tpu.dma_semaphore, #tpu.memory_space<semaphore_mem>>)
          %dma_wait3A_279 = arith.constant 0 : i32
          %dma_wait3A_280 = tpu.memref_slice %arg25[%multiple_of3A_274, %dma_wait3A_279] : memref<10000x128xf32, #tpu.memory_space<vmem_shared>> -> memref<80x128xf32, #tpu.memory_space<vmem_shared>>
          %dma_wait3A_281 = arith.constant 0 : i32
          %dma_wait3A_282 = tpu.memref_slice %arg25[%multiple_of3A_274, %dma_wait3A_281] : memref<10000x128xf32, #tpu.memory_space<vmem_shared>> -> memref<80x128xf32, #tpu.memory_space<vmem_shared>>
          tpu.wait_dma2 semaphore(%run_scoped3A : memref<!tpu.dma_semaphore, #tpu.memory_space<semaphore_mem>>) src(%arg17 : memref<80x128xf32, #tpu.memory_space<vmem>>) dst(%dma_wait3A_282 : memref<80x128xf32, #tpu.memory_space<vmem_shared>>)
          tpu.yield
        }) : () -> ()
      } else {
      }
      %scan3A_271 = arith.constant 0 : i32
      scf.yield %scan3A_271 : i32
    }
    %scan3A_68 = arith.constant 8 : i32
    %barrier3A = arith.constant 0 : index
    tpu.barrier barrier_id(%barrier3A)
    %mul3A_69 = arith.constant 80 : i32
    %mul3A_70 = arith.muli %add3A, %mul3A_69 : i32
    %add3A_71 = arith.constant 0 : i32
    %add3A_72 = arith.addi %mul3A_70, %add3A_71 : i32
    %multiple_of3A = tpu.assume_multiple %add3A_72, 8 : i32
    %dma_start3A = tpu.memref_slice %arg3[%multiple_of3A] : memref<320000xi32, #tpu.memory_space<hbm>> -> memref<80xi32, #tpu.memory_space<hbm>>
    %dma_start3A_73 = tpu.memref_slice %arg3[%multiple_of3A] : memref<320000xi32, #tpu.memory_space<hbm>> -> memref<80xi32, #tpu.memory_space<hbm>>
    tpu.enqueue_dma source(%dma_start3A_73 : memref<80xi32, #tpu.memory_space<hbm>>) target(%arg9 : memref<80xi32, #tpu.memory_space<vmem>>) target_semaphore(%arg26 : memref<!tpu.dma_semaphore, #tpu.memory_space<semaphore_mem>>)
    %dma_start3A_74 = tpu.memref_slice %arg5[%multiple_of3A] : memref<320000xi32, #tpu.memory_space<hbm>> -> memref<80xi32, #tpu.memory_space<hbm>>
    %dma_start3A_75 = tpu.memref_slice %arg5[%multiple_of3A] : memref<320000xi32, #tpu.memory_space<hbm>> -> memref<80xi32, #tpu.memory_space<hbm>>
    tpu.enqueue_dma source(%dma_start3A_75 : memref<80xi32, #tpu.memory_space<hbm>>) target(%arg11 : memref<80xi32, #tpu.memory_space<vmem>>) target_semaphore(%arg26 : memref<!tpu.dma_semaphore, #tpu.memory_space<semaphore_mem>>)
    %mul3A_76 = arith.constant 80 : i32
    %mul3A_77 = arith.muli %add3A, %mul3A_76 : i32
    %add3A_78 = arith.constant 2560 : i32
    %add3A_79 = arith.addi %mul3A_77, %add3A_78 : i32
    %multiple_of3A_80 = tpu.assume_multiple %add3A_79, 8 : i32
    %dma_start3A_81 = tpu.memref_slice %arg3[%multiple_of3A_80] : memref<320000xi32, #tpu.memory_space<hbm>> -> memref<80xi32, #tpu.memory_space<hbm>>
    %dma_start3A_82 = tpu.memref_slice %arg3[%multiple_of3A_80] : memref<320000xi32, #tpu.memory_space<hbm>> -> memref<80xi32, #tpu.memory_space<hbm>>
    tpu.enqueue_dma source(%dma_start3A_82 : memref<80xi32, #tpu.memory_space<hbm>>) target(%arg10 : memref<80xi32, #tpu.memory_space<vmem>>) target_semaphore(%arg27 : memref<!tpu.dma_semaphore, #tpu.memory_space<semaphore_mem>>)
    %dma_start3A_83 = tpu.memref_slice %arg5[%multiple_of3A_80] : memref<320000xi32, #tpu.memory_space<hbm>> -> memref<80xi32, #tpu.memory_space<hbm>>
    %dma_start3A_84 = tpu.memref_slice %arg5[%multiple_of3A_80] : memref<320000xi32, #tpu.memory_space<hbm>> -> memref<80xi32, #tpu.memory_space<hbm>>
    tpu.enqueue_dma source(%dma_start3A_84 : memref<80xi32, #tpu.memory_space<hbm>>) target(%arg12 : memref<80xi32, #tpu.memory_space<vmem>>) target_semaphore(%arg27 : memref<!tpu.dma_semaphore, #tpu.memory_space<semaphore_mem>>)
    %mul3A_85 = arith.constant 80 : i32
    %mul3A_86 = arith.muli %add3A, %mul3A_85 : i32
    %add3A_87 = arith.constant 0 : i32
    %add3A_88 = arith.addi %mul3A_86, %add3A_87 : i32
    %multiple_of3A_89 = tpu.assume_multiple %add3A_88, 8 : i32
    %dma_start3A_90 = tpu.memref_slice %arg4[%multiple_of3A_89] : memref<320000xi32, #tpu.memory_space<hbm>> -> memref<80xi32, #tpu.memory_space<hbm>>
    %dma_start3A_91 = tpu.memref_slice %arg4[%multiple_of3A_89] : memref<320000xi32, #tpu.memory_space<hbm>> -> memref<80xi32, #tpu.memory_space<hbm>>
    tpu.enqueue_dma source(%dma_start3A_91 : memref<80xi32, #tpu.memory_space<hbm>>) target(%arg13 : memref<80xi32, #tpu.memory_space<vmem>>) target_semaphore(%arg28 : memref<!tpu.dma_semaphore, #tpu.memory_space<semaphore_mem>>)
    %mul3A_92 = arith.constant 80 : i32
    %mul3A_93 = arith.muli %add3A, %mul3A_92 : i32
    %add3A_94 = arith.constant 0 : i32
    %add3A_95 = arith.addi %mul3A_93, %add3A_94 : i32
    %multiple_of3A_96 = tpu.assume_multiple %add3A_95, 8 : i32
    %dma_wait3A = tpu.memref_slice %arg3[%multiple_of3A_96] : memref<320000xi32, #tpu.memory_space<hbm>> -> memref<80xi32, #tpu.memory_space<hbm>>
    %dma_wait3A_97 = tpu.memref_slice %arg3[%multiple_of3A_96] : memref<320000xi32, #tpu.memory_space<hbm>> -> memref<80xi32, #tpu.memory_space<hbm>>
    tpu.wait_dma2 semaphore(%arg26 : memref<!tpu.dma_semaphore, #tpu.memory_space<semaphore_mem>>) src(%dma_wait3A_97 : memref<80xi32, #tpu.memory_space<hbm>>) dst(%arg9 : memref<80xi32, #tpu.memory_space<vmem>>)
    %dma_wait3A_98 = tpu.memref_slice %arg5[%multiple_of3A_96] : memref<320000xi32, #tpu.memory_space<hbm>> -> memref<80xi32, #tpu.memory_space<hbm>>
    %dma_wait3A_99 = tpu.memref_slice %arg5[%multiple_of3A_96] : memref<320000xi32, #tpu.memory_space<hbm>> -> memref<80xi32, #tpu.memory_space<hbm>>
    tpu.wait_dma2 semaphore(%arg26 : memref<!tpu.dma_semaphore, #tpu.memory_space<semaphore_mem>>) src(%dma_wait3A_99 : memref<80xi32, #tpu.memory_space<hbm>>) dst(%arg11 : memref<80xi32, #tpu.memory_space<vmem>>)
    %get3A_100 = arith.constant 0 : index
    %get3A_101 = tpu.vector_load %arg11[%get3A_100] {strides = array<i32>} : memref<80xi32, #tpu.memory_space<vmem>>, vector<16xi32>,
    %sub3A = arith.constant 1 : i32
    %sub3A_102 = vector.broadcast %sub3A : i32 to vector<16xi32>
    %sub3A_103 = arith.subi %get3A_101, %sub3A_102 : vector<16xi32>
    %mul3A_104 = arith.constant 10000 : i32
    %mul3A_105 = vector.broadcast %mul3A_104 : i32 to vector<16xi32>
    %mul3A_106 = arith.muli %sub3A_103, %mul3A_105 : vector<16xi32>
    %get3A_107 = arith.constant 0 : index
    %get3A_108 = tpu.vector_load %arg9[%get3A_107] {strides = array<i32>} : memref<80xi32, #tpu.memory_space<vmem>>, vector<16xi32>,
    %add3A_109 = arith.addi %mul3A_106, %get3A_108 : vector<16xi32>
    %swap3A_110 = arith.constant 0 : index
    %swap3A_111 = tpu.vector_load %arg15[%swap3A_110] {strides = array<i32>} : memref<80xi32, #tpu.memory_space<vmem>>, vector<16xi32>,
    tpu.vector_store %arg15[%swap3A_110], %add3A_109 {strides = array<i32>} : memref<80xi32, #tpu.memory_space<vmem>>, vector<16xi32>,
    %get3A_112 = arith.constant 16 : index
    %get3A_113 = tpu.vector_load %arg11[%get3A_112] {strides = array<i32>} : memref<80xi32, #tpu.memory_space<vmem>>, vector<16xi32>,
    %sub3A_114 = arith.constant 1 : i32
    %sub3A_115 = vector.broadcast %sub3A_114 : i32 to vector<16xi32>
    %sub3A_116 = arith.subi %get3A_113, %sub3A_115 : vector<16xi32>
    %mul3A_117 = arith.constant 10000 : i32
    %mul3A_118 = vector.broadcast %mul3A_117 : i32 to vector<16xi32>
    %mul3A_119 = arith.muli %sub3A_116, %mul3A_118 : vector<16xi32>
    %get3A_120 = arith.constant 16 : index
    %get3A_121 = tpu.vector_load %arg9[%get3A_120] {strides = array<i32>} : memref<80xi32, #tpu.memory_space<vmem>>, vector<16xi32>,
    %add3A_122 = arith.addi %mul3A_119, %get3A_121 : vector<16xi32>
    %swap3A_123 = arith.constant 16 : index
    %swap3A_124 = tpu.vector_load %arg15[%swap3A_123] {strides = array<i32>} : memref<80xi32, #tpu.memory_space<vmem>>, vector<16xi32>,
    tpu.vector_store %arg15[%swap3A_123], %add3A_122 {strides = array<i32>} : memref<80xi32, #tpu.memory_space<vmem>>, vector<16xi32>,
    %get3A_125 = arith.constant 32 : index
    %get3A_126 = tpu.vector_load %arg11[%get3A_125] {strides = array<i32>} : memref<80xi32, #tpu.memory_space<vmem>>, vector<16xi32>,
    %sub3A_127 = arith.constant 1 : i32
    %sub3A_128 = vector.broadcast %sub3A_127 : i32 to vector<16xi32>
    %sub3A_129 = arith.subi %get3A_126, %sub3A_128 : vector<16xi32>
    %mul3A_130 = arith.constant 10000 : i32
    %mul3A_131 = vector.broadcast %mul3A_130 : i32 to vector<16xi32>
    %mul3A_132 = arith.muli %sub3A_129, %mul3A_131 : vector<16xi32>
    %get3A_133 = arith.constant 32 : index
    %get3A_134 = tpu.vector_load %arg9[%get3A_133] {strides = array<i32>} : memref<80xi32, #tpu.memory_space<vmem>>, vector<16xi32>,
    %add3A_135 = arith.addi %mul3A_132, %get3A_134 : vector<16xi32>
    %swap3A_136 = arith.constant 32 : index
    %swap3A_137 = tpu.vector_load %arg15[%swap3A_136] {strides = array<i32>} : memref<80xi32, #tpu.memory_space<vmem>>, vector<16xi32>,
    tpu.vector_store %arg15[%swap3A_136], %add3A_135 {strides = array<i32>} : memref<80xi32, #tpu.memory_space<vmem>>, vector<16xi32>,
    %get3A_138 = arith.constant 48 : index
    %get3A_139 = tpu.vector_load %arg11[%get3A_138] {strides = array<i32>} : memref<80xi32, #tpu.memory_space<vmem>>, vector<16xi32>,
    %sub3A_140 = arith.constant 1 : i32
    %sub3A_141 = vector.broadcast %sub3A_140 : i32 to vector<16xi32>
    %sub3A_142 = arith.subi %get3A_139, %sub3A_141 : vector<16xi32>
    %mul3A_143 = arith.constant 10000 : i32
    %mul3A_144 = vector.broadcast %mul3A_143 : i32 to vector<16xi32>
    %mul3A_145 = arith.muli %sub3A_142, %mul3A_144 : vector<16xi32>
    %get3A_146 = arith.constant 48 : index
    %get3A_147 = tpu.vector_load %arg9[%get3A_146] {strides = array<i32>} : memref<80xi32, #tpu.memory_space<vmem>>, vector<16xi32>,
    %add3A_148 = arith.addi %mul3A_145, %get3A_147 : vector<16xi32>
    %swap3A_149 = arith.constant 48 : index
    %swap3A_150 = tpu.vector_load %arg15[%swap3A_149] {strides = array<i32>} : memref<80xi32, #tpu.memory_space<vmem>>, vector<16xi32>,
    tpu.vector_store %arg15[%swap3A_149], %add3A_148 {strides = array<i32>} : memref<80xi32, #tpu.memory_space<vmem>>, vector<16xi32>,
    %get3A_151 = arith.constant 64 : index
    %get3A_152 = tpu.vector_load %arg11[%get3A_151] {strides = array<i32>} : memref<80xi32, #tpu.memory_space<vmem>>, vector<16xi32>,
    %sub3A_153 = arith.constant 1 : i32
    %sub3A_154 = vector.broadcast %sub3A_153 : i32 to vector<16xi32>
    %sub3A_155 = arith.subi %get3A_152, %sub3A_154 : vector<16xi32>
    %mul3A_156 = arith.constant 10000 : i32
    %mul3A_157 = vector.broadcast %mul3A_156 : i32 to vector<16xi32>
    %mul3A_158 = arith.muli %sub3A_155, %mul3A_157 : vector<16xi32>
    %get3A_159 = arith.constant 64 : index
    %get3A_160 = tpu.vector_load %arg9[%get3A_159] {strides = array<i32>} : memref<80xi32, #tpu.memory_space<vmem>>, vector<16xi32>,
    %add3A_161 = arith.addi %mul3A_158, %get3A_160 : vector<16xi32>
    %swap3A_162 = arith.constant 64 : index
    %swap3A_163 = tpu.vector_load %arg15[%swap3A_162] {strides = array<i32>} : memref<80xi32, #tpu.memory_space<vmem>>, vector<16xi32>,
    tpu.vector_store %arg15[%swap3A_162], %add3A_161 {strides = array<i32>} : memref<80xi32, #tpu.memory_space<vmem>>, vector<16xi32>,
    %get3A_164 = arith.constant 0 : index
    %get3A_165 = tpu.vector_load %arg11[%get3A_164] {strides = array<i32>} : memref<80xi32, #tpu.memory_space<vmem>>, vector<16xi32>,
    %swap3A_166 = arith.constant 0 : index
    %swap3A_167 = tpu.vector_load %arg21[%swap3A_166] {strides = array<i32>} : memref<32xi32, #tpu.memory_space<vmem>>, vector<16xi32>,
    tpu.vector_store %arg21[%swap3A_166], %get3A_165 {strides = array<i32>} : memref<32xi32, #tpu.memory_space<vmem>>, vector<16xi32>,
    %get3A_168 = arith.constant 64 : index
    %get3A_169 = tpu.vector_load %arg11[%get3A_168] {strides = array<i32>} : memref<80xi32, #tpu.memory_space<vmem>>, vector<16xi32>,
    %swap3A_170 = arith.constant 16 : index
    %swap3A_171 = tpu.vector_load %arg21[%swap3A_170] {strides = array<i32>} : memref<32xi32, #tpu.memory_space<vmem>>, vector<16xi32>,
    tpu.vector_store %arg21[%swap3A_170], %get3A_169 {strides = array<i32>} : memref<32xi32, #tpu.memory_space<vmem>>, vector<16xi32>,
    %get3A_172 = arith.constant 0 : index
    %get3A_173 = tpu.vector_load %arg11[%get3A_172] {strides = array<i32>} : memref<80xi32, #tpu.memory_space<vmem>>, vector<16xi32>,
    %reduce_min3A = arith.constant true
    %reduce_min3A_174 = vector.broadcast %reduce_min3A : i1 to vector<16xi1>
    %reduce_min3A_175 = arith.constant -2147483648 : i32
    %reduce_min3A_176 = vector.broadcast %reduce_min3A_175 : i32 to vector<16xi32>
    %reduce_min3A_177 = arith.xori %get3A_173, %reduce_min3A_176 : vector<16xi32>
    %reduce_min3A_178 = tpu.scan <min>, %reduce_min3A_177 masked %reduce_min3A_174 : vector<16xi32>, vector<16xi1> -> vector<16xi32>
    %reduce_min3A_179 = arith.xori %reduce_min3A_178, %reduce_min3A_176 : vector<16xi32>
    %reduce_min3A_180 = vector.extract %reduce_min3A_179[15] : i32 from vector<16xi32>
    %eq3A = arith.constant 1 : i32
    %eq3A_181 = arith.cmpi eq, %reduce_min3A_180, %eq3A : i32
    %convert_element_type3A = arith.extui %eq3A_181 : i1 to i32
    %cond3A = arith.constant 0 : i32
    %cond3A_182 = arith.cmpi ne, %convert_element_type3A, %cond3A : i32
    scf.if %cond3A_182 {
      %dma_start3A_261 = arith.constant 0 : i32
      %dma_start3A_262 = tpu.memref_slice %arg6[%multiple_of3A_96, %dma_start3A_261] : memref<320000x128xf32, #tpu.memory_space<hbm>> -> memref<80x128xf32, #tpu.memory_space<hbm>>
      %dma_start3A_263 = arith.constant 0 : i32
      %dma_start3A_264 = tpu.memref_slice %arg6[%multiple_of3A_96, %dma_start3A_263] : memref<320000x128xf32, #tpu.memory_space<hbm>> -> memref<80x128xf32, #tpu.memory_space<hbm>>
      tpu.enqueue_dma source(%dma_start3A_264 : memref<80x128xf32, #tpu.memory_space<hbm>>) target(%arg19 : memref<80x128xf32, #tpu.memory_space<vmem>>) target_semaphore(%arg32 : memref<!tpu.dma_semaphore, #tpu.memory_space<semaphore_mem>>)
    } else {
    }
    %dma_start3A_183 = arith.constant 0 : i32
    %dma_start3A_184 = arith.constant 0 : i32
    %dma_start3A_185 = tpu.memref_slice %arg2[%dma_start3A_183, %dma_start3A_184] : memref<40000x128xf32, #tpu.memory_space<hbm>> -> memref<40000x128xf32, #tpu.memory_space<hbm>>
    tpu.enqueue_indirect_dma source(%dma_start3A_185 : memref<40000x128xf32, #tpu.memory_space<hbm>>) target(%arg17 : memref<80x128xf32, #tpu.memory_space<vmem>>) offsets(%arg15 : memref<80xi32, #tpu.memory_space<vmem>>) semaphore(%arg30 : memref<!tpu.dma_semaphore, #tpu.memory_space<semaphore_mem>>)
    %scan3A_186 = arith.constant 0 : i32
    %scan3A_187 = arith.constant 0 : i32
    %scan3A_188 = arith.constant 62 : i32
    %scan3A_189 = arith.addi %scan3A_187, %scan3A_188 : i32
    %scan3A_190 = arith.constant 1 : i32
    %scan3A_191 = scf.for %scan3A_261 = %scan3A_187 to %scan3A_189 step %scan3A_190 iter_args(%scan3A_262 = %scan3A_186) -> (i32)  : i32 {
      %mul3A_263 = arith.constant 2 : i32
      %mul3A_264 = arith.muli %mul3A_263, %scan3A_261 : i32
      %gt3A_265 = arith.constant 0 : i32
      %gt3A_266 = arith.cmpi sgt, %mul3A_264, %gt3A_265 : i32
      %convert_element_type3A_267 = arith.extui %gt3A_266 : i1 to i32
      %cond3A_268 = arith.constant 0 : i32
      %cond3A_269 = arith.cmpi ne, %convert_element_type3A_267, %cond3A_268 : i32
      scf.if %cond3A_269 {
        %dma_wait3A_625 = arith.constant 0 : i32
        %dma_wait3A_626 = arith.constant 0 : i32
        %dma_wait3A_627 = tpu.memref_slice %arg25[%dma_wait3A_625, %dma_wait3A_626] : memref<10000x128xf32, #tpu.memory_space<vmem_shared>> -> memref<10000x128xf32, #tpu.memory_space<vmem_shared>>
        tpu.wait_indirect_dma semaphore(%arg35 : memref<!tpu.dma_semaphore, #tpu.memory_space<semaphore_mem>>) src(%arg18 : memref<80x128xf32, #tpu.memory_space<vmem>>) dst(%dma_wait3A_627 : memref<10000x128xf32, #tpu.memory_space<vmem_shared>>)
      } else {
      }
      %add3A_270 = arith.constant 1 : i32
      %add3A_271 = arith.addi %mul3A_264, %add3A_270 : i32
      %mul3A_272 = arith.constant 80 : i32
      %mul3A_273 = arith.muli %add3A, %mul3A_272 : i32
      %mul3A_274 = arith.constant 2560 : i32
      %mul3A_275 = arith.muli %add3A_271, %mul3A_274 : i32
      %add3A_276 = arith.addi %mul3A_273, %mul3A_275 : i32
      %multiple_of3A_277 = tpu.assume_multiple %add3A_276, 8 : i32
      %dma_start3A_278 = tpu.memref_slice %arg4[%multiple_of3A_277] : memref<320000xi32, #tpu.memory_space<hbm>> -> memref<80xi32, #tpu.memory_space<hbm>>
      %dma_start3A_279 = tpu.memref_slice %arg4[%multiple_of3A_277] : memref<320000xi32, #tpu.memory_space<hbm>> -> memref<80xi32, #tpu.memory_space<hbm>>
      tpu.enqueue_dma source(%dma_start3A_279 : memref<80xi32, #tpu.memory_space<hbm>>) target(%arg14 : memref<80xi32, #tpu.memory_space<vmem>>) target_semaphore(%arg29 : memref<!tpu.dma_semaphore, #tpu.memory_space<semaphore_mem>>)
      %add3A_280 = arith.constant 1 : i32
      %add3A_281 = arith.addi %mul3A_264, %add3A_280 : i32
      %mul3A_282 = arith.constant 80 : i32
      %mul3A_283 = arith.muli %add3A, %mul3A_282 : i32
      %mul3A_284 = arith.constant 2560 : i32
      %mul3A_285 = arith.muli %add3A_281, %mul3A_284 : i32
      %add3A_286 = arith.addi %mul3A_283, %mul3A_285 : i32
      %multiple_of3A_287 = tpu.assume_multiple %add3A_286, 8 : i32
      %dma_wait3A_288 = tpu.memref_slice %arg3[%multiple_of3A_287] : memref<320000xi32, #tpu.memory_space<hbm>> -> memref<80xi32, #tpu.memory_space<hbm>>
      %dma_wait3A_289 = tpu.memref_slice %arg3[%multiple_of3A_287] : memref<320000xi32, #tpu.memory_space<hbm>> -> memref<80xi32, #tpu.memory_space<hbm>>
      tpu.wait_dma2 semaphore(%arg27 : memref<!tpu.dma_semaphore, #tpu.memory_space<semaphore_mem>>) src(%dma_wait3A_289 : memref<80xi32, #tpu.memory_space<hbm>>) dst(%arg10 : memref<80xi32, #tpu.memory_space<vmem>>)
      %dma_wait3A_290 = tpu.memref_slice %arg5[%multiple_of3A_287] : memref<320000xi32, #tpu.memory_space<hbm>> -> memref<80xi32, #tpu.memory_space<hbm>>
      %dma_wait3A_291 = tpu.memref_slice %arg5[%multiple_of3A_287] : memref<320000xi32, #tpu.memory_space<hbm>> -> memref<80xi32, #tpu.memory_space<hbm>>
      tpu.wait_dma2 semaphore(%arg27 : memref<!tpu.dma_semaphore, #tpu.memory_space<semaphore_mem>>) src(%dma_wait3A_291 : memref<80xi32, #tpu.memory_space<hbm>>) dst(%arg12 : memref<80xi32, #tpu.memory_space<vmem>>)
      %get3A_292 = arith.constant 0 : index
      %get3A_293 = tpu.vector_load %arg12[%get3A_292] {strides = array<i32>} : memref<80xi32, #tpu.memory_space<vmem>>, vector<16xi32>,
      %sub3A_294 = arith.constant 1 : i32
      %sub3A_295 = vector.broadcast %sub3A_294 : i32 to vector<16xi32>
      %sub3A_296 = arith.subi %get3A_293, %sub3A_295 : vector<16xi32>
      %mul3A_297 = arith.constant 10000 : i32
      %mul3A_298 = vector.broadcast %mul3A_297 : i32 to vector<16xi32>
      %mul3A_299 = arith.muli %sub3A_296, %mul3A_298 : vector<16xi32>
      %get3A_300 = arith.constant 0 : index
      %get3A_301 = tpu.vector_load %arg10[%get3A_300] {strides = array<i32>} : memref<80xi32, #tpu.memory_space<vmem>>, vector<16xi32>,
      %add3A_302 = arith.addi %mul3A_299, %get3A_301 : vector<16xi32>
      %swap3A_303 = arith.constant 0 : index
      %swap3A_304 = tpu.vector_load %arg16[%swap3A_303] {strides = array<i32>} : memref<80xi32, #tpu.memory_space<vmem>>, vector<16xi32>,
      tpu.vector_store %arg16[%swap3A_303], %add3A_302 {strides = array<i32>} : memref<80xi32, #tpu.memory_space<vmem>>, vector<16xi32>,
      %get3A_305 = arith.constant 16 : index
      %get3A_306 = tpu.vector_load %arg12[%get3A_305] {strides = array<i32>} : memref<80xi32, #tpu.memory_space<vmem>>, vector<16xi32>,
      %sub3A_307 = arith.constant 1 : i32
      %sub3A_308 = vector.broadcast %sub3A_307 : i32 to vector<16xi32>
      %sub3A_309 = arith.subi %get3A_306, %sub3A_308 : vector<16xi32>
      %mul3A_310 = arith.constant 10000 : i32
      %mul3A_311 = vector.broadcast %mul3A_310 : i32 to vector<16xi32>
      %mul3A_312 = arith.muli %sub3A_309, %mul3A_311 : vector<16xi32>
      %get3A_313 = arith.constant 16 : index
      %get3A_314 = tpu.vector_load %arg10[%get3A_313] {strides = array<i32>} : memref<80xi32, #tpu.memory_space<vmem>>, vector<16xi32>,
      %add3A_315 = arith.addi %mul3A_312, %get3A_314 : vector<16xi32>
      %swap3A_316 = arith.constant 16 : index
      %swap3A_317 = tpu.vector_load %arg16[%swap3A_316] {strides = array<i32>} : memref<80xi32, #tpu.memory_space<vmem>>, vector<16xi32>,
      tpu.vector_store %arg16[%swap3A_316], %add3A_315 {strides = array<i32>} : memref<80xi32, #tpu.memory_space<vmem>>, vector<16xi32>,
      %get3A_318 = arith.constant 32 : index
      %get3A_319 = tpu.vector_load %arg12[%get3A_318] {strides = array<i32>} : memref<80xi32, #tpu.memory_space<vmem>>, vector<16xi32>,
      %sub3A_320 = arith.constant 1 : i32
      %sub3A_321 = vector.broadcast %sub3A_320 : i32 to vector<16xi32>
      %sub3A_322 = arith.subi %get3A_319, %sub3A_321 : vector<16xi32>
      %mul3A_323 = arith.constant 10000 : i32
      %mul3A_324 = vector.broadcast %mul3A_323 : i32 to vector<16xi32>
      %mul3A_325 = arith.muli %sub3A_322, %mul3A_324 : vector<16xi32>
      %get3A_326 = arith.constant 32 : index
      %get3A_327 = tpu.vector_load %arg10[%get3A_326] {strides = array<i32>} : memref<80xi32, #tpu.memory_space<vmem>>, vector<16xi32>,
      %add3A_328 = arith.addi %mul3A_325, %get3A_327 : vector<16xi32>
      %swap3A_329 = arith.constant 32 : index
      %swap3A_330 = tpu.vector_load %arg16[%swap3A_329] {strides = array<i32>} : memref<80xi32, #tpu.memory_space<vmem>>, vector<16xi32>,
      tpu.vector_store %arg16[%swap3A_329], %add3A_328 {strides = array<i32>} : memref<80xi32, #tpu.memory_space<vmem>>, vector<16xi32>,
      %get3A_331 = arith.constant 48 : index
      %get3A_332 = tpu.vector_load %arg12[%get3A_331] {strides = array<i32>} : memref<80xi32, #tpu.memory_space<vmem>>, vector<16xi32>,
      %sub3A_333 = arith.constant 1 : i32
      %sub3A_334 = vector.broadcast %sub3A_333 : i32 to vector<16xi32>
      %sub3A_335 = arith.subi %get3A_332, %sub3A_334 : vector<16xi32>
      %mul3A_336 = arith.constant 10000 : i32
      %mul3A_337 = vector.broadcast %mul3A_336 : i32 to vector<16xi32>
      %mul3A_338 = arith.muli %sub3A_335, %mul3A_337 : vector<16xi32>
      %get3A_339 = arith.constant 48 : index
      %get3A_340 = tpu.vector_load %arg10[%get3A_339] {strides = array<i32>} : memref<80xi32, #tpu.memory_space<vmem>>, vector<16xi32>,
      %add3A_341 = arith.addi %mul3A_338, %get3A_340 : vector<16xi32>
      %swap3A_342 = arith.constant 48 : index
      %swap3A_343 = tpu.vector_load %arg16[%swap3A_342] {strides = array<i32>} : memref<80xi32, #tpu.memory_space<vmem>>, vector<16xi32>,
      tpu.vector_store %arg16[%swap3A_342], %add3A_341 {strides = array<i32>} : memref<80xi32, #tpu.memory_space<vmem>>, vector<16xi32>,
      %get3A_344 = arith.constant 64 : index
      %get3A_345 = tpu.vector_load %arg12[%get3A_344] {strides = array<i32>} : memref<80xi32, #tpu.memory_space<vmem>>, vector<16xi32>,
      %sub3A_346 = arith.constant 1 : i32
      %sub3A_347 = vector.broadcast %sub3A_346 : i32 to vector<16xi32>
      %sub3A_348 = arith.subi %get3A_345, %sub3A_347 : vector<16xi32>
      %mul3A_349 = arith.constant 10000 : i32
      %mul3A_350 = vector.broadcast %mul3A_349 : i32 to vector<16xi32>
      %mul3A_351 = arith.muli %sub3A_348, %mul3A_350 : vector<16xi32>
      %get3A_352 = arith.constant 64 : index
      %get3A_353 = tpu.vector_load %arg10[%get3A_352] {strides = array<i32>} : memref<80xi32, #tpu.memory_space<vmem>>, vector<16xi32>,
      %add3A_354 = arith.addi %mul3A_351, %get3A_353 : vector<16xi32>
      %swap3A_355 = arith.constant 64 : index
      %swap3A_356 = tpu.vector_load %arg16[%swap3A_355] {strides = array<i32>} : memref<80xi32, #tpu.memory_space<vmem>>, vector<16xi32>,
      tpu.vector_store %arg16[%swap3A_355], %add3A_354 {strides = array<i32>} : memref<80xi32, #tpu.memory_space<vmem>>, vector<16xi32>,
      %get3A_357 = arith.constant 0 : index
      %get3A_358 = tpu.vector_load %arg12[%get3A_357] {strides = array<i32>} : memref<80xi32, #tpu.memory_space<vmem>>, vector<16xi32>,
      %swap3A_359 = arith.constant 0 : index
      %swap3A_360 = tpu.vector_load %arg22[%swap3A_359] {strides = array<i32>} : memref<32xi32, #tpu.memory_space<vmem>>, vector<16xi32>,
      tpu.vector_store %arg22[%swap3A_359], %get3A_358 {strides = array<i32>} : memref<32xi32, #tpu.memory_space<vmem>>, vector<16xi32>,
      %get3A_361 = arith.constant 64 : index
      %get3A_362 = tpu.vector_load %arg12[%get3A_361] {strides = array<i32>} : memref<80xi32, #tpu.memory_space<vmem>>, vector<16xi32>,
      %swap3A_363 = arith.constant 16 : index
      %swap3A_364 = tpu.vector_load %arg22[%swap3A_363] {strides = array<i32>} : memref<32xi32, #tpu.memory_space<vmem>>, vector<16xi32>,
      tpu.vector_store %arg22[%swap3A_363], %get3A_362 {strides = array<i32>} : memref<32xi32, #tpu.memory_space<vmem>>, vector<16xi32>,
      %get3A_365 = arith.constant 0 : index
      %get3A_366 = tpu.vector_load %arg12[%get3A_365] {strides = array<i32>} : memref<80xi32, #tpu.memory_space<vmem>>, vector<16xi32>,
      %reduce_min3A_367 = arith.constant true
      %reduce_min3A_368 = vector.broadcast %reduce_min3A_367 : i1 to vector<16xi1>
      %reduce_min3A_369 = arith.constant -2147483648 : i32
      %reduce_min3A_370 = vector.broadcast %reduce_min3A_369 : i32 to vector<16xi32>
      %reduce_min3A_371 = arith.xori %get3A_366, %reduce_min3A_370 : vector<16xi32>
      %reduce_min3A_372 = tpu.scan <min>, %reduce_min3A_371 masked %reduce_min3A_368 : vector<16xi32>, vector<16xi1> -> vector<16xi32>
      %reduce_min3A_373 = arith.xori %reduce_min3A_372, %reduce_min3A_370 : vector<16xi32>
      %reduce_min3A_374 = vector.extract %reduce_min3A_373[15] : i32 from vector<16xi32>
      %eq3A_375 = arith.constant 1 : i32
      %eq3A_376 = arith.cmpi eq, %reduce_min3A_374, %eq3A_375 : i32
      %convert_element_type3A_377 = arith.extui %eq3A_376 : i1 to i32
      %cond3A_378 = arith.constant 0 : i32
      %cond3A_379 = arith.cmpi ne, %convert_element_type3A_377, %cond3A_378 : i32
      scf.if %cond3A_379 {
        %dma_start3A_625 = arith.constant 0 : i32
        %dma_start3A_626 = tpu.memref_slice %arg6[%multiple_of3A_287, %dma_start3A_625] : memref<320000x128xf32, #tpu.memory_space<hbm>> -> memref<80x128xf32, #tpu.memory_space<hbm>>
        %dma_start3A_627 = arith.constant 0 : i32
        %dma_start3A_628 = tpu.memref_slice %arg6[%multiple_of3A_287, %dma_start3A_627] : memref<320000x128xf32, #tpu.memory_space<hbm>> -> memref<80x128xf32, #tpu.memory_space<hbm>>
        tpu.enqueue_dma source(%dma_start3A_628 : memref<80x128xf32, #tpu.memory_space<hbm>>) target(%arg20 : memref<80x128xf32, #tpu.memory_space<vmem>>) target_semaphore(%arg33 : memref<!tpu.dma_semaphore, #tpu.memory_space<semaphore_mem>>)
      } else {
      }
      %dma_start3A_380 = arith.constant 0 : i32
      %dma_start3A_381 = arith.constant 0 : i32
      %dma_start3A_382 = tpu.memref_slice %arg2[%dma_start3A_380, %dma_start3A_381] : memref<40000x128xf32, #tpu.memory_space<hbm>> -> memref<40000x128xf32, #tpu.memory_space<hbm>>
      tpu.enqueue_indirect_dma source(%dma_start3A_382 : memref<40000x128xf32, #tpu.memory_space<hbm>>) target(%arg18 : memref<80x128xf32, #tpu.memory_space<vmem>>) offsets(%arg16 : memref<80xi32, #tpu.memory_space<vmem>>) semaphore(%arg31 : memref<!tpu.dma_semaphore, #tpu.memory_space<semaphore_mem>>)
      %mul3A_383 = arith.constant 80 : i32
      %mul3A_384 = arith.muli %add3A, %mul3A_383 : i32
      %mul3A_385 = arith.constant 2560 : i32
      %mul3A_386 = arith.muli %mul3A_264, %mul3A_385 : i32
      %add3A_387 = arith.addi %mul3A_384, %mul3A_386 : i32
      %multiple_of3A_388 = tpu.assume_multiple %add3A_387, 8 : i32
      %dma_wait3A_389 = arith.constant 0 : i32
      %dma_wait3A_390 = arith.constant 0 : i32
      %dma_wait3A_391 = tpu.memref_slice %arg2[%dma_wait3A_389, %dma_wait3A_390] : memref<40000x128xf32, #tpu.memory_space<hbm>> -> memref<40000x128xf32, #tpu.memory_space<hbm>>
      tpu.wait_indirect_dma semaphore(%arg30 : memref<!tpu.dma_semaphore, #tpu.memory_space<semaphore_mem>>) src(%dma_wait3A_391 : memref<40000x128xf32, #tpu.memory_space<hbm>>) dst(%arg17 : memref<80x128xf32, #tpu.memory_space<vmem>>)
      %get3A_392 = arith.constant 0 : index
      %get3A_393 = tpu.vector_load %arg21[%get3A_392] {strides = array<i32>} : memref<32xi32, #tpu.memory_space<vmem>>, vector<16xi32>,
      %reduce_min3A_394 = arith.constant true
      %reduce_min3A_395 = vector.broadcast %reduce_min3A_394 : i1 to vector<16xi1>
      %reduce_min3A_396 = arith.constant -2147483648 : i32
      %reduce_min3A_397 = vector.broadcast %reduce_min3A_396 : i32 to vector<16xi32>
      %reduce_min3A_398 = arith.xori %get3A_393, %reduce_min3A_397 : vector<16xi32>
      %reduce_min3A_399 = tpu.scan <min>, %reduce_min3A_398 masked %reduce_min3A_395 : vector<16xi32>, vector<16xi1> -> vector<16xi32>
      %reduce_min3A_400 = arith.xori %reduce_min3A_399, %reduce_min3A_397 : vector<16xi32>
      %reduce_min3A_401 = vector.extract %reduce_min3A_400[15] : i32 from vector<16xi32>
      %get3A_402 = arith.constant 16 : index
      %get3A_403 = tpu.vector_load %arg21[%get3A_402] {strides = array<i32>} : memref<32xi32, #tpu.memory_space<vmem>>, vector<16xi32>,
      %reduce_max3A_404 = arith.constant true
      %reduce_max3A_405 = vector.broadcast %reduce_max3A_404 : i1 to vector<16xi1>
      %reduce_max3A_406 = arith.constant -2147483648 : i32
      %reduce_max3A_407 = vector.broadcast %reduce_max3A_406 : i32 to vector<16xi32>
      %reduce_max3A_408 = arith.xori %get3A_403, %reduce_max3A_407 : vector<16xi32>
      %reduce_max3A_409 = tpu.scan <max>, %reduce_max3A_408 masked %reduce_max3A_405 : vector<16xi32>, vector<16xi1> -> vector<16xi32>
      %reduce_max3A_410 = arith.xori %reduce_max3A_409, %reduce_max3A_407 : vector<16xi32>
      %reduce_max3A_411 = vector.extract %reduce_max3A_410[15] : i32 from vector<16xi32>
      %eq3A_412 = arith.constant 1 : i32
      %eq3A_413 = arith.cmpi eq, %reduce_min3A_401, %eq3A_412 : i32
      %convert_element_type3A_414 = arith.extui %eq3A_413 : i1 to i32
      %cond3A_415 = arith.constant 0 : i32
      %cond3A_416 = arith.cmpi ne, %convert_element_type3A_414, %cond3A_415 : i32
      scf.if %cond3A_416 {
        %dma_wait3A_625 = arith.constant 0 : i32
        %dma_wait3A_626 = tpu.memref_slice %arg6[%multiple_of3A_388, %dma_wait3A_625] : memref<320000x128xf32, #tpu.memory_space<hbm>> -> memref<80x128xf32, #tpu.memory_space<hbm>>
        %dma_wait3A_627 = arith.constant 0 : i32
        %dma_wait3A_628 = tpu.memref_slice %arg6[%multiple_of3A_388, %dma_wait3A_627] : memref<320000x128xf32, #tpu.memory_space<hbm>> -> memref<80x128xf32, #tpu.memory_space<hbm>>
        tpu.wait_dma2 semaphore(%arg32 : memref<!tpu.dma_semaphore, #tpu.memory_space<semaphore_mem>>) src(%dma_wait3A_628 : memref<80x128xf32, #tpu.memory_space<hbm>>) dst(%arg19 : memref<80x128xf32, #tpu.memory_space<vmem>>)
      } else {
      }
      %eq3A_417 = arith.constant 1 : i32
      %eq3A_418 = arith.cmpi eq, %reduce_max3A_411, %eq3A_417 : i32
      %convert_element_type3A_419 = arith.extui %eq3A_418 : i1 to i32
      %cond3A_420 = arith.constant 0 : i32
      %cond3A_421 = arith.cmpi ne, %convert_element_type3A_419, %cond3A_420 : i32
      scf.if %cond3A_421 {
        %scan3A_625 = arith.constant 0 : i32
        %scan3A_626 = arith.constant 0 : i32
        %scan3A_627 = arith.constant 80 : i32
        %scan3A_628 = arith.addi %scan3A_626, %scan3A_627 : i32
        %scan3A_629 = arith.constant 1 : i32
        %scan3A_630 = scf.for %scan3A_632 = %scan3A_626 to %scan3A_628 step %scan3A_629 iter_args(%scan3A_633 = %scan3A_625) -> (i32)  : i32 {
          %get3A_634 = arith.index_cast %scan3A_632 : i32 to index
          %get3A_635 = arith.constant 0 : index
          %get3A_636 = tpu.vector_load %arg17[%get3A_634, %get3A_635] {strides = array<i32>} : memref<80x128xf32, #tpu.memory_space<vmem>>, vector<16xf32>,
          %get3A_637 = arith.index_cast %scan3A_632 : i32 to index
          %get3A_638 = arith.constant 0 : index
          %get3A_639 = tpu.vector_load %arg19[%get3A_637, %get3A_638] {strides = array<i32>} : memref<80x128xf32, #tpu.memory_space<vmem>>, vector<16xf32>,
          %add3A_640 = arith.addf %get3A_636, %get3A_639 : vector<16xf32>
          %max3A = arith.constant 0.000000e+00 : f32
          %max3A_641 = vector.broadcast %max3A : f32 to vector<16xf32>
          %max3A_642 = arith.maximumf %add3A_640, %max3A_641 : vector<16xf32>
          %get3A_643 = arith.constant 0 : index
          %get3A_644 = tpu.vector_load %arg24[%get3A_643] {strides = array<i32>} : memref<128xf32, #tpu.memory_space<vmem>>, vector<16xf32>,
          %mul3A_645 = arith.mulf %max3A_642, %get3A_644 : vector<16xf32>
          %swap3A_646 = arith.index_cast %scan3A_632 : i32 to index
          %swap3A_647 = arith.constant 0 : index
          %swap3A_648 = tpu.vector_load %arg17[%swap3A_646, %swap3A_647] {strides = array<i32>} : memref<80x128xf32, #tpu.memory_space<vmem>>, vector<16xf32>,
          tpu.vector_store %arg17[%swap3A_646, %swap3A_647], %mul3A_645 {strides = array<i32>} : memref<80x128xf32, #tpu.memory_space<vmem>>, vector<16xf32>,
          %get3A_649 = arith.index_cast %scan3A_632 : i32 to index
          %get3A_650 = arith.constant 16 : index
          %get3A_651 = tpu.vector_load %arg17[%get3A_649, %get3A_650] {strides = array<i32>} : memref<80x128xf32, #tpu.memory_space<vmem>>, vector<16xf32>,
          %get3A_652 = arith.index_cast %scan3A_632 : i32 to index
          %get3A_653 = arith.constant 16 : index
          %get3A_654 = tpu.vector_load %arg19[%get3A_652, %get3A_653] {strides = array<i32>} : memref<80x128xf32, #tpu.memory_space<vmem>>, vector<16xf32>,
          %add3A_655 = arith.addf %get3A_651, %get3A_654 : vector<16xf32>
          %max3A_656 = arith.constant 0.000000e+00 : f32
          %max3A_657 = vector.broadcast %max3A_656 : f32 to vector<16xf32>
          %max3A_658 = arith.maximumf %add3A_655, %max3A_657 : vector<16xf32>
          %get3A_659 = arith.constant 16 : index
          %get3A_660 = tpu.vector_load %arg24[%get3A_659] {strides = array<i32>} : memref<128xf32, #tpu.memory_space<vmem>>, vector<16xf32>,
          %mul3A_661 = arith.mulf %max3A_658, %get3A_660 : vector<16xf32>
          %swap3A_662 = arith.index_cast %scan3A_632 : i32 to index
          %swap3A_663 = arith.constant 16 : index
          %swap3A_664 = tpu.vector_load %arg17[%swap3A_662, %swap3A_663] {strides = array<i32>} : memref<80x128xf32, #tpu.memory_space<vmem>>, vector<16xf32>,
          tpu.vector_store %arg17[%swap3A_662, %swap3A_663], %mul3A_661 {strides = array<i32>} : memref<80x128xf32, #tpu.memory_space<vmem>>, vector<16xf32>,
          %get3A_665 = arith.index_cast %scan3A_632 : i32 to index
          %get3A_666 = arith.constant 32 : index
          %get3A_667 = tpu.vector_load %arg17[%get3A_665, %get3A_666] {strides = array<i32>} : memref<80x128xf32, #tpu.memory_space<vmem>>, vector<16xf32>,
          %get3A_668 = arith.index_cast %scan3A_632 : i32 to index
          %get3A_669 = arith.constant 32 : index
          %get3A_670 = tpu.vector_load %arg19[%get3A_668, %get3A_669] {strides = array<i32>} : memref<80x128xf32, #tpu.memory_space<vmem>>, vector<16xf32>,
          %add3A_671 = arith.addf %get3A_667, %get3A_670 : vector<16xf32>
          %max3A_672 = arith.constant 0.000000e+00 : f32
          %max3A_673 = vector.broadcast %max3A_672 : f32 to vector<16xf32>
          %max3A_674 = arith.maximumf %add3A_671, %max3A_673 : vector<16xf32>
          %get3A_675 = arith.constant 32 : index
          %get3A_676 = tpu.vector_load %arg24[%get3A_675] {strides = array<i32>} : memref<128xf32, #tpu.memory_space<vmem>>, vector<16xf32>,
          %mul3A_677 = arith.mulf %max3A_674, %get3A_676 : vector<16xf32>
          %swap3A_678 = arith.index_cast %scan3A_632 : i32 to index
          %swap3A_679 = arith.constant 32 : index
          %swap3A_680 = tpu.vector_load %arg17[%swap3A_678, %swap3A_679] {strides = array<i32>} : memref<80x128xf32, #tpu.memory_space<vmem>>, vector<16xf32>,
          tpu.vector_store %arg17[%swap3A_678, %swap3A_679], %mul3A_677 {strides = array<i32>} : memref<80x128xf32, #tpu.memory_space<vmem>>, vector<16xf32>,
          %get3A_681 = arith.index_cast %scan3A_632 : i32 to index
          %get3A_682 = arith.constant 48 : index
          %get3A_683 = tpu.vector_load %arg17[%get3A_681, %get3A_682] {strides = array<i32>} : memref<80x128xf32, #tpu.memory_space<vmem>>, vector<16xf32>,
          %get3A_684 = arith.index_cast %scan3A_632 : i32 to index
          %get3A_685 = arith.constant 48 : index
          %get3A_686 = tpu.vector_load %arg19[%get3A_684, %get3A_685] {strides = array<i32>} : memref<80x128xf32, #tpu.memory_space<vmem>>, vector<16xf32>,
          %add3A_687 = arith.addf %get3A_683, %get3A_686 : vector<16xf32>
          %max3A_688 = arith.constant 0.000000e+00 : f32
          %max3A_689 = vector.broadcast %max3A_688 : f32 to vector<16xf32>
          %max3A_690 = arith.maximumf %add3A_687, %max3A_689 : vector<16xf32>
          %get3A_691 = arith.constant 48 : index
          %get3A_692 = tpu.vector_load %arg24[%get3A_691] {strides = array<i32>} : memref<128xf32, #tpu.memory_space<vmem>>, vector<16xf32>,
          %mul3A_693 = arith.mulf %max3A_690, %get3A_692 : vector<16xf32>
          %swap3A_694 = arith.index_cast %scan3A_632 : i32 to index
          %swap3A_695 = arith.constant 48 : index
          %swap3A_696 = tpu.vector_load %arg17[%swap3A_694, %swap3A_695] {strides = array<i32>} : memref<80x128xf32, #tpu.memory_space<vmem>>, vector<16xf32>,
          tpu.vector_store %arg17[%swap3A_694, %swap3A_695], %mul3A_693 {strides = array<i32>} : memref<80x128xf32, #tpu.memory_space<vmem>>, vector<16xf32>,
          %get3A_697 = arith.index_cast %scan3A_632 : i32 to index
          %get3A_698 = arith.constant 64 : index
          %get3A_699 = tpu.vector_load %arg17[%get3A_697, %get3A_698] {strides = array<i32>} : memref<80x128xf32, #tpu.memory_space<vmem>>, vector<16xf32>,
          %get3A_700 = arith.index_cast %scan3A_632 : i32 to index
          %get3A_701 = arith.constant 64 : index
          %get3A_702 = tpu.vector_load %arg19[%get3A_700, %get3A_701] {strides = array<i32>} : memref<80x128xf32, #tpu.memory_space<vmem>>, vector<16xf32>,
          %add3A_703 = arith.addf %get3A_699, %get3A_702 : vector<16xf32>
          %max3A_704 = arith.constant 0.000000e+00 : f32
          %max3A_705 = vector.broadcast %max3A_704 : f32 to vector<16xf32>
          %max3A_706 = arith.maximumf %add3A_703, %max3A_705 : vector<16xf32>
          %get3A_707 = arith.constant 64 : index
          %get3A_708 = tpu.vector_load %arg24[%get3A_707] {strides = array<i32>} : memref<128xf32, #tpu.memory_space<vmem>>, vector<16xf32>,
          %mul3A_709 = arith.mulf %max3A_706, %get3A_708 : vector<16xf32>
          %swap3A_710 = arith.index_cast %scan3A_632 : i32 to index
          %swap3A_711 = arith.constant 64 : index
          %swap3A_712 = tpu.vector_load %arg17[%swap3A_710, %swap3A_711] {strides = array<i32>} : memref<80x128xf32, #tpu.memory_space<vmem>>, vector<16xf32>,
          tpu.vector_store %arg17[%swap3A_710, %swap3A_711], %mul3A_709 {strides = array<i32>} : memref<80x128xf32, #tpu.memory_space<vmem>>, vector<16xf32>,
          %get3A_713 = arith.index_cast %scan3A_632 : i32 to index
          %get3A_714 = arith.constant 80 : index
          %get3A_715 = tpu.vector_load %arg17[%get3A_713, %get3A_714] {strides = array<i32>} : memref<80x128xf32, #tpu.memory_space<vmem>>, vector<16xf32>,
          %get3A_716 = arith.index_cast %scan3A_632 : i32 to index
          %get3A_717 = arith.constant 80 : index
          %get3A_718 = tpu.vector_load %arg19[%get3A_716, %get3A_717] {strides = array<i32>} : memref<80x128xf32, #tpu.memory_space<vmem>>, vector<16xf32>,
          %add3A_719 = arith.addf %get3A_715, %get3A_718 : vector<16xf32>
          %max3A_720 = arith.constant 0.000000e+00 : f32
          %max3A_721 = vector.broadcast %max3A_720 : f32 to vector<16xf32>
          %max3A_722 = arith.maximumf %add3A_719, %max3A_721 : vector<16xf32>
          %get3A_723 = arith.constant 80 : index
          %get3A_724 = tpu.vector_load %arg24[%get3A_723] {strides = array<i32>} : memref<128xf32, #tpu.memory_space<vmem>>, vector<16xf32>,
          %mul3A_725 = arith.mulf %max3A_722, %get3A_724 : vector<16xf32>
          %swap3A_726 = arith.index_cast %scan3A_632 : i32 to index
          %swap3A_727 = arith.constant 80 : index
          %swap3A_728 = tpu.vector_load %arg17[%swap3A_726, %swap3A_727] {strides = array<i32>} : memref<80x128xf32, #tpu.memory_space<vmem>>, vector<16xf32>,
          tpu.vector_store %arg17[%swap3A_726, %swap3A_727], %mul3A_725 {strides = array<i32>} : memref<80x128xf32, #tpu.memory_space<vmem>>, vector<16xf32>,
          %get3A_729 = arith.index_cast %scan3A_632 : i32 to index
          %get3A_730 = arith.constant 96 : index
          %get3A_731 = tpu.vector_load %arg17[%get3A_729, %get3A_730] {strides = array<i32>} : memref<80x128xf32, #tpu.memory_space<vmem>>, vector<16xf32>,
          %get3A_732 = arith.index_cast %scan3A_632 : i32 to index
          %get3A_733 = arith.constant 96 : index
          %get3A_734 = tpu.vector_load %arg19[%get3A_732, %get3A_733] {strides = array<i32>} : memref<80x128xf32, #tpu.memory_space<vmem>>, vector<16xf32>,
          %add3A_735 = arith.addf %get3A_731, %get3A_734 : vector<16xf32>
          %max3A_736 = arith.constant 0.000000e+00 : f32
          %max3A_737 = vector.broadcast %max3A_736 : f32 to vector<16xf32>
          %max3A_738 = arith.maximumf %add3A_735, %max3A_737 : vector<16xf32>
          %get3A_739 = arith.constant 96 : index
          %get3A_740 = tpu.vector_load %arg24[%get3A_739] {strides = array<i32>} : memref<128xf32, #tpu.memory_space<vmem>>, vector<16xf32>,
          %mul3A_741 = arith.mulf %max3A_738, %get3A_740 : vector<16xf32>
          %swap3A_742 = arith.index_cast %scan3A_632 : i32 to index
          %swap3A_743 = arith.constant 96 : index
          %swap3A_744 = tpu.vector_load %arg17[%swap3A_742, %swap3A_743] {strides = array<i32>} : memref<80x128xf32, #tpu.memory_space<vmem>>, vector<16xf32>,
          tpu.vector_store %arg17[%swap3A_742, %swap3A_743], %mul3A_741 {strides = array<i32>} : memref<80x128xf32, #tpu.memory_space<vmem>>, vector<16xf32>,
          %get3A_745 = arith.index_cast %scan3A_632 : i32 to index
          %get3A_746 = arith.constant 112 : index
          %get3A_747 = tpu.vector_load %arg17[%get3A_745, %get3A_746] {strides = array<i32>} : memref<80x128xf32, #tpu.memory_space<vmem>>, vector<16xf32>,
          %get3A_748 = arith.index_cast %scan3A_632 : i32 to index
          %get3A_749 = arith.constant 112 : index
          %get3A_750 = tpu.vector_load %arg19[%get3A_748, %get3A_749] {strides = array<i32>} : memref<80x128xf32, #tpu.memory_space<vmem>>, vector<16xf32>,
          %add3A_751 = arith.addf %get3A_747, %get3A_750 : vector<16xf32>
          %max3A_752 = arith.constant 0.000000e+00 : f32
          %max3A_753 = vector.broadcast %max3A_752 : f32 to vector<16xf32>
          %max3A_754 = arith.maximumf %add3A_751, %max3A_753 : vector<16xf32>
          %get3A_755 = arith.constant 112 : index
          %get3A_756 = tpu.vector_load %arg24[%get3A_755] {strides = array<i32>} : memref<128xf32, #tpu.memory_space<vmem>>, vector<16xf32>,
          %mul3A_757 = arith.mulf %max3A_754, %get3A_756 : vector<16xf32>
          %swap3A_758 = arith.index_cast %scan3A_632 : i32 to index
          %swap3A_759 = arith.constant 112 : index
          %swap3A_760 = tpu.vector_load %arg17[%swap3A_758, %swap3A_759] {strides = array<i32>} : memref<80x128xf32, #tpu.memory_space<vmem>>, vector<16xf32>,
          tpu.vector_store %arg17[%swap3A_758, %swap3A_759], %mul3A_757 {strides = array<i32>} : memref<80x128xf32, #tpu.memory_space<vmem>>, vector<16xf32>,
          %scan3A_761 = arith.constant 0 : i32
          scf.yield %scan3A_761 : i32
        }
        %scan3A_631 = arith.constant 80 : i32
      } else {
      }
      %eq3A_422 = arith.constant 1 : i32
      %eq3A_423 = arith.cmpi eq, %reduce_min3A_401, %eq3A_422 : i32
      %gt3A_424 = arith.constant 1 : i32
      %gt3A_425 = arith.cmpi sgt, %reduce_max3A_411, %gt3A_424 : i32
      %and3A_426 = arith.andi %eq3A_423, %gt3A_425 : i1
      %convert_element_type3A_427 = arith.extui %and3A_426 : i1 to i32
      %cond3A_428 = arith.constant 0 : i32
      %cond3A_429 = arith.cmpi ne, %convert_element_type3A_427, %cond3A_428 : i32
      scf.if %cond3A_429 {
        %scan3A_625 = arith.constant 0 : i32
        %scan3A_626 = arith.constant 0 : i32
        %scan3A_627 = arith.constant 80 : i32
        %scan3A_628 = arith.addi %scan3A_626, %scan3A_627 : i32
        %scan3A_629 = arith.constant 1 : i32
        %scan3A_630 = scf.for %scan3A_632 = %scan3A_626 to %scan3A_628 step %scan3A_629 iter_args(%scan3A_633 = %scan3A_625) -> (i32)  : i32 {
          %broadcast_in_dim3A_634 = vector.broadcast %scan3A_632 : i32 to vector<16xi32>
          %gather3A = tpu.vector_load_idx %arg11[%broadcast_in_dim3A_634] : memref<80xi32, #tpu.memory_space<vmem>>[vector<16xi32>], vector<16xi32>,
          %eq3A_635 = arith.constant 1 : i32
          %eq3A_636 = vector.broadcast %eq3A_635 : i32 to vector<16xi32>
          %eq3A_637 = arith.cmpi eq, %gather3A, %eq3A_636 : vector<16xi32>
          %get3A_638 = arith.index_cast %scan3A_632 : i32 to index
          %get3A_639 = arith.constant 0 : index
          %get3A_640 = tpu.vector_load %arg17[%get3A_638, %get3A_639] {strides = array<i32>} : memref<80x128xf32, #tpu.memory_space<vmem>>, vector<16xf32>,
          %get3A_641 = arith.index_cast %scan3A_632 : i32 to index
          %get3A_642 = arith.constant 0 : index
          %get3A_643 = tpu.vector_load %arg19[%get3A_641, %get3A_642] {strides = array<i32>} : memref<80x128xf32, #tpu.memory_space<vmem>>, vector<16xf32>,
          %add3A_644 = arith.addf %get3A_640, %get3A_643 : vector<16xf32>
          %max3A = arith.constant 0.000000e+00 : f32
          %max3A_645 = vector.broadcast %max3A : f32 to vector<16xf32>
          %max3A_646 = arith.maximumf %add3A_644, %max3A_645 : vector<16xf32>
          %get3A_647 = arith.constant 0 : index
          %get3A_648 = tpu.vector_load %arg24[%get3A_647] {strides = array<i32>} : memref<128xf32, #tpu.memory_space<vmem>>, vector<16xf32>,
          %mul3A_649 = arith.mulf %max3A_646, %get3A_648 : vector<16xf32>
          %select_n3A = arith.select %eq3A_637, %mul3A_649, %get3A_640 : vector<16xi1>, vector<16xf32>
          %swap3A_650 = arith.index_cast %scan3A_632 : i32 to index
          %swap3A_651 = arith.constant 0 : index
          %swap3A_652 = tpu.vector_load %arg17[%swap3A_650, %swap3A_651] {strides = array<i32>} : memref<80x128xf32, #tpu.memory_space<vmem>>, vector<16xf32>,
          tpu.vector_store %arg17[%swap3A_650, %swap3A_651], %select_n3A {strides = array<i32>} : memref<80x128xf32, #tpu.memory_space<vmem>>, vector<16xf32>,
          %get3A_653 = arith.index_cast %scan3A_632 : i32 to index
          %get3A_654 = arith.constant 16 : index
          %get3A_655 = tpu.vector_load %arg17[%get3A_653, %get3A_654] {strides = array<i32>} : memref<80x128xf32, #tpu.memory_space<vmem>>, vector<16xf32>,
          %get3A_656 = arith.index_cast %scan3A_632 : i32 to index
          %get3A_657 = arith.constant 16 : index
          %get3A_658 = tpu.vector_load %arg19[%get3A_656, %get3A_657] {strides = array<i32>} : memref<80x128xf32, #tpu.memory_space<vmem>>, vector<16xf32>,
          %add3A_659 = arith.addf %get3A_655, %get3A_658 : vector<16xf32>
          %max3A_660 = arith.constant 0.000000e+00 : f32
          %max3A_661 = vector.broadcast %max3A_660 : f32 to vector<16xf32>
          %max3A_662 = arith.maximumf %add3A_659, %max3A_661 : vector<16xf32>
          %get3A_663 = arith.constant 16 : index
          %get3A_664 = tpu.vector_load %arg24[%get3A_663] {strides = array<i32>} : memref<128xf32, #tpu.memory_space<vmem>>, vector<16xf32>,
          %mul3A_665 = arith.mulf %max3A_662, %get3A_664 : vector<16xf32>
          %select_n3A_666 = arith.select %eq3A_637, %mul3A_665, %get3A_655 : vector<16xi1>, vector<16xf32>
          %swap3A_667 = arith.index_cast %scan3A_632 : i32 to index
          %swap3A_668 = arith.constant 16 : index
          %swap3A_669 = tpu.vector_load %arg17[%swap3A_667, %swap3A_668] {strides = array<i32>} : memref<80x128xf32, #tpu.memory_space<vmem>>, vector<16xf32>,
          tpu.vector_store %arg17[%swap3A_667, %swap3A_668], %select_n3A_666 {strides = array<i32>} : memref<80x128xf32, #tpu.memory_space<vmem>>, vector<16xf32>,
          %get3A_670 = arith.index_cast %scan3A_632 : i32 to index
          %get3A_671 = arith.constant 32 : index
          %get3A_672 = tpu.vector_load %arg17[%get3A_670, %get3A_671] {strides = array<i32>} : memref<80x128xf32, #tpu.memory_space<vmem>>, vector<16xf32>,
          %get3A_673 = arith.index_cast %scan3A_632 : i32 to index
          %get3A_674 = arith.constant 32 : index
          %get3A_675 = tpu.vector_load %arg19[%get3A_673, %get3A_674] {strides = array<i32>} : memref<80x128xf32, #tpu.memory_space<vmem>>, vector<16xf32>,
          %add3A_676 = arith.addf %get3A_672, %get3A_675 : vector<16xf32>
          %max3A_677 = arith.constant 0.000000e+00 : f32
          %max3A_678 = vector.broadcast %max3A_677 : f32 to vector<16xf32>
          %max3A_679 = arith.maximumf %add3A_676, %max3A_678 : vector<16xf32>
          %get3A_680 = arith.constant 32 : index
          %get3A_681 = tpu.vector_load %arg24[%get3A_680] {strides = array<i32>} : memref<128xf32, #tpu.memory_space<vmem>>, vector<16xf32>,
          %mul3A_682 = arith.mulf %max3A_679, %get3A_681 : vector<16xf32>
          %select_n3A_683 = arith.select %eq3A_637, %mul3A_682, %get3A_672 : vector<16xi1>, vector<16xf32>
          %swap3A_684 = arith.index_cast %scan3A_632 : i32 to index
          %swap3A_685 = arith.constant 32 : index
          %swap3A_686 = tpu.vector_load %arg17[%swap3A_684, %swap3A_685] {strides = array<i32>} : memref<80x128xf32, #tpu.memory_space<vmem>>, vector<16xf32>,
          tpu.vector_store %arg17[%swap3A_684, %swap3A_685], %select_n3A_683 {strides = array<i32>} : memref<80x128xf32, #tpu.memory_space<vmem>>, vector<16xf32>,
          %get3A_687 = arith.index_cast %scan3A_632 : i32 to index
          %get3A_688 = arith.constant 48 : index
          %get3A_689 = tpu.vector_load %arg17[%get3A_687, %get3A_688] {strides = array<i32>} : memref<80x128xf32, #tpu.memory_space<vmem>>, vector<16xf32>,
          %get3A_690 = arith.index_cast %scan3A_632 : i32 to index
          %get3A_691 = arith.constant 48 : index
          %get3A_692 = tpu.vector_load %arg19[%get3A_690, %get3A_691] {strides = array<i32>} : memref<80x128xf32, #tpu.memory_space<vmem>>, vector<16xf32>,
          %add3A_693 = arith.addf %get3A_689, %get3A_692 : vector<16xf32>
          %max3A_694 = arith.constant 0.000000e+00 : f32
          %max3A_695 = vector.broadcast %max3A_694 : f32 to vector<16xf32>
          %max3A_696 = arith.maximumf %add3A_693, %max3A_695 : vector<16xf32>
          %get3A_697 = arith.constant 48 : index
          %get3A_698 = tpu.vector_load %arg24[%get3A_697] {strides = array<i32>} : memref<128xf32, #tpu.memory_space<vmem>>, vector<16xf32>,
          %mul3A_699 = arith.mulf %max3A_696, %get3A_698 : vector<16xf32>
          %select_n3A_700 = arith.select %eq3A_637, %mul3A_699, %get3A_689 : vector<16xi1>, vector<16xf32>
          %swap3A_701 = arith.index_cast %scan3A_632 : i32 to index
          %swap3A_702 = arith.constant 48 : index
          %swap3A_703 = tpu.vector_load %arg17[%swap3A_701, %swap3A_702] {strides = array<i32>} : memref<80x128xf32, #tpu.memory_space<vmem>>, vector<16xf32>,
          tpu.vector_store %arg17[%swap3A_701, %swap3A_702], %select_n3A_700 {strides = array<i32>} : memref<80x128xf32, #tpu.memory_space<vmem>>, vector<16xf32>,
          %get3A_704 = arith.index_cast %scan3A_632 : i32 to index
          %get3A_705 = arith.constant 64 : index
          %get3A_706 = tpu.vector_load %arg17[%get3A_704, %get3A_705] {strides = array<i32>} : memref<80x128xf32, #tpu.memory_space<vmem>>, vector<16xf32>,
          %get3A_707 = arith.index_cast %scan3A_632 : i32 to index
          %get3A_708 = arith.constant 64 : index
          %get3A_709 = tpu.vector_load %arg19[%get3A_707, %get3A_708] {strides = array<i32>} : memref<80x128xf32, #tpu.memory_space<vmem>>, vector<16xf32>,
          %add3A_710 = arith.addf %get3A_706, %get3A_709 : vector<16xf32>
          %max3A_711 = arith.constant 0.000000e+00 : f32
          %max3A_712 = vector.broadcast %max3A_711 : f32 to vector<16xf32>
          %max3A_713 = arith.maximumf %add3A_710, %max3A_712 : vector<16xf32>
          %get3A_714 = arith.constant 64 : index
          %get3A_715 = tpu.vector_load %arg24[%get3A_714] {strides = array<i32>} : memref<128xf32, #tpu.memory_space<vmem>>, vector<16xf32>,
          %mul3A_716 = arith.mulf %max3A_713, %get3A_715 : vector<16xf32>
          %select_n3A_717 = arith.select %eq3A_637, %mul3A_716, %get3A_706 : vector<16xi1>, vector<16xf32>
          %swap3A_718 = arith.index_cast %scan3A_632 : i32 to index
          %swap3A_719 = arith.constant 64 : index
          %swap3A_720 = tpu.vector_load %arg17[%swap3A_718, %swap3A_719] {strides = array<i32>} : memref<80x128xf32, #tpu.memory_space<vmem>>, vector<16xf32>,
          tpu.vector_store %arg17[%swap3A_718, %swap3A_719], %select_n3A_717 {strides = array<i32>} : memref<80x128xf32, #tpu.memory_space<vmem>>, vector<16xf32>,
          %get3A_721 = arith.index_cast %scan3A_632 : i32 to index
          %get3A_722 = arith.constant 80 : index
          %get3A_723 = tpu.vector_load %arg17[%get3A_721, %get3A_722] {strides = array<i32>} : memref<80x128xf32, #tpu.memory_space<vmem>>, vector<16xf32>,
          %get3A_724 = arith.index_cast %scan3A_632 : i32 to index
          %get3A_725 = arith.constant 80 : index
          %get3A_726 = tpu.vector_load %arg19[%get3A_724, %get3A_725] {strides = array<i32>} : memref<80x128xf32, #tpu.memory_space<vmem>>, vector<16xf32>,
          %add3A_727 = arith.addf %get3A_723, %get3A_726 : vector<16xf32>
          %max3A_728 = arith.constant 0.000000e+00 : f32
          %max3A_729 = vector.broadcast %max3A_728 : f32 to vector<16xf32>
          %max3A_730 = arith.maximumf %add3A_727, %max3A_729 : vector<16xf32>
          %get3A_731 = arith.constant 80 : index
          %get3A_732 = tpu.vector_load %arg24[%get3A_731] {strides = array<i32>} : memref<128xf32, #tpu.memory_space<vmem>>, vector<16xf32>,
          %mul3A_733 = arith.mulf %max3A_730, %get3A_732 : vector<16xf32>
          %select_n3A_734 = arith.select %eq3A_637, %mul3A_733, %get3A_723 : vector<16xi1>, vector<16xf32>
          %swap3A_735 = arith.index_cast %scan3A_632 : i32 to index
          %swap3A_736 = arith.constant 80 : index
          %swap3A_737 = tpu.vector_load %arg17[%swap3A_735, %swap3A_736] {strides = array<i32>} : memref<80x128xf32, #tpu.memory_space<vmem>>, vector<16xf32>,
          tpu.vector_store %arg17[%swap3A_735, %swap3A_736], %select_n3A_734 {strides = array<i32>} : memref<80x128xf32, #tpu.memory_space<vmem>>, vector<16xf32>,
          %get3A_738 = arith.index_cast %scan3A_632 : i32 to index
          %get3A_739 = arith.constant 96 : index
          %get3A_740 = tpu.vector_load %arg17[%get3A_738, %get3A_739] {strides = array<i32>} : memref<80x128xf32, #tpu.memory_space<vmem>>, vector<16xf32>,
          %get3A_741 = arith.index_cast %scan3A_632 : i32 to index
          %get3A_742 = arith.constant 96 : index
          %get3A_743 = tpu.vector_load %arg19[%get3A_741, %get3A_742] {strides = array<i32>} : memref<80x128xf32, #tpu.memory_space<vmem>>, vector<16xf32>,
          %add3A_744 = arith.addf %get3A_740, %get3A_743 : vector<16xf32>
          %max3A_745 = arith.constant 0.000000e+00 : f32
          %max3A_746 = vector.broadcast %max3A_745 : f32 to vector<16xf32>
          %max3A_747 = arith.maximumf %add3A_744, %max3A_746 : vector<16xf32>
          %get3A_748 = arith.constant 96 : index
          %get3A_749 = tpu.vector_load %arg24[%get3A_748] {strides = array<i32>} : memref<128xf32, #tpu.memory_space<vmem>>, vector<16xf32>,
          %mul3A_750 = arith.mulf %max3A_747, %get3A_749 : vector<16xf32>
          %select_n3A_751 = arith.select %eq3A_637, %mul3A_750, %get3A_740 : vector<16xi1>, vector<16xf32>
          %swap3A_752 = arith.index_cast %scan3A_632 : i32 to index
          %swap3A_753 = arith.constant 96 : index
          %swap3A_754 = tpu.vector_load %arg17[%swap3A_752, %swap3A_753] {strides = array<i32>} : memref<80x128xf32, #tpu.memory_space<vmem>>, vector<16xf32>,
          tpu.vector_store %arg17[%swap3A_752, %swap3A_753], %select_n3A_751 {strides = array<i32>} : memref<80x128xf32, #tpu.memory_space<vmem>>, vector<16xf32>,
          %get3A_755 = arith.index_cast %scan3A_632 : i32 to index
          %get3A_756 = arith.constant 112 : index
          %get3A_757 = tpu.vector_load %arg17[%get3A_755, %get3A_756] {strides = array<i32>} : memref<80x128xf32, #tpu.memory_space<vmem>>, vector<16xf32>,
          %get3A_758 = arith.index_cast %scan3A_632 : i32 to index
          %get3A_759 = arith.constant 112 : index
          %get3A_760 = tpu.vector_load %arg19[%get3A_758, %get3A_759] {strides = array<i32>} : memref<80x128xf32, #tpu.memory_space<vmem>>, vector<16xf32>,
          %add3A_761 = arith.addf %get3A_757, %get3A_760 : vector<16xf32>
          %max3A_762 = arith.constant 0.000000e+00 : f32
          %max3A_763 = vector.broadcast %max3A_762 : f32 to vector<16xf32>
          %max3A_764 = arith.maximumf %add3A_761, %max3A_763 : vector<16xf32>
          %get3A_765 = arith.constant 112 : index
          %get3A_766 = tpu.vector_load %arg24[%get3A_765] {strides = array<i32>} : memref<128xf32, #tpu.memory_space<vmem>>, vector<16xf32>,
          %mul3A_767 = arith.mulf %max3A_764, %get3A_766 : vector<16xf32>
          %select_n3A_768 = arith.select %eq3A_637, %mul3A_767, %get3A_757 : vector<16xi1>, vector<16xf32>
          %swap3A_769 = arith.index_cast %scan3A_632 : i32 to index
          %swap3A_770 = arith.constant 112 : index
          %swap3A_771 = tpu.vector_load %arg17[%swap3A_769, %swap3A_770] {strides = array<i32>} : memref<80x128xf32, #tpu.memory_space<vmem>>, vector<16xf32>,
          tpu.vector_store %arg17[%swap3A_769, %swap3A_770], %select_n3A_768 {strides = array<i32>} : memref<80x128xf32, #tpu.memory_space<vmem>>, vector<16xf32>,
          %scan3A_772 = arith.constant 0 : i32
          scf.yield %scan3A_772 : i32
        }
        %scan3A_631 = arith.constant 80 : i32
      } else {
      }
      %dma_wait3A_430 = tpu.memref_slice %arg4[%multiple_of3A_388] : memref<320000xi32, #tpu.memory_space<hbm>> -> memref<80xi32, #tpu.memory_space<hbm>>
      %dma_wait3A_431 = tpu.memref_slice %arg4[%multiple_of3A_388] : memref<320000xi32, #tpu.memory_space<hbm>> -> memref<80xi32, #tpu.memory_space<hbm>>
      tpu.wait_dma2 semaphore(%arg28 : memref<!tpu.dma_semaphore, #tpu.memory_space<semaphore_mem>>) src(%dma_wait3A_431 : memref<80xi32, #tpu.memory_space<hbm>>) dst(%arg13 : memref<80xi32, #tpu.memory_space<vmem>>)
      %dma_start3A_432 = arith.constant 0 : i32
      %dma_start3A_433 = arith.constant 0 : i32
      %dma_start3A_434 = tpu.memref_slice %arg25[%dma_start3A_432, %dma_start3A_433] : memref<10000x128xf32, #tpu.memory_space<vmem_shared>> -> memref<10000x128xf32, #tpu.memory_space<vmem_shared>>
      tpu.enqueue_indirect_dma source(%arg17 : memref<80x128xf32, #tpu.memory_space<vmem>>) target(%dma_start3A_434 : memref<10000x128xf32, #tpu.memory_space<vmem_shared>>) offsets(%arg13 : memref<80xi32, #tpu.memory_space<vmem>>) semaphore(%arg34 : memref<!tpu.dma_semaphore, #tpu.memory_space<semaphore_mem>>) {add = true}
      %add3A_435 = arith.constant 2 : i32
      %add3A_436 = arith.addi %mul3A_264, %add3A_435 : i32
      %mul3A_437 = arith.constant 80 : i32
      %mul3A_438 = arith.muli %add3A, %mul3A_437 : i32
      %mul3A_439 = arith.constant 2560 : i32
      %mul3A_440 = arith.muli %add3A_436, %mul3A_439 : i32
      %add3A_441 = arith.addi %mul3A_438, %mul3A_440 : i32
      %multiple_of3A_442 = tpu.assume_multiple %add3A_441, 8 : i32
      %dma_start3A_443 = tpu.memref_slice %arg3[%multiple_of3A_442] : memref<320000xi32, #tpu.memory_space<hbm>> -> memref<80xi32, #tpu.memory_space<hbm>>
      %dma_start3A_444 = tpu.memref_slice %arg3[%multiple_of3A_442] : memref<320000xi32, #tpu.memory_space<hbm>> -> memref<80xi32, #tpu.memory_space<hbm>>
      tpu.enqueue_dma source(%dma_start3A_444 : memref<80xi32, #tpu.memory_space<hbm>>) target(%arg9 : memref<80xi32, #tpu.memory_space<vmem>>) target_semaphore(%arg26 : memref<!tpu.dma_semaphore, #tpu.memory_space<semaphore_mem>>)
      %dma_start3A_445 = tpu.memref_slice %arg5[%multiple_of3A_442] : memref<320000xi32, #tpu.memory_space<hbm>> -> memref<80xi32, #tpu.memory_space<hbm>>
      %dma_start3A_446 = tpu.memref_slice %arg5[%multiple_of3A_442] : memref<320000xi32, #tpu.memory_space<hbm>> -> memref<80xi32, #tpu.memory_space<hbm>>
      tpu.enqueue_dma source(%dma_start3A_446 : memref<80xi32, #tpu.memory_space<hbm>>) target(%arg11 : memref<80xi32, #tpu.memory_space<vmem>>) target_semaphore(%arg26 : memref<!tpu.dma_semaphore, #tpu.memory_space<semaphore_mem>>)
      %dma_wait3A_447 = arith.constant 0 : i32
      %dma_wait3A_448 = arith.constant 0 : i32
      %dma_wait3A_449 = tpu.memref_slice %arg25[%dma_wait3A_447, %dma_wait3A_448] : memref<10000x128xf32, #tpu.memory_space<vmem_shared>> -> memref<10000x128xf32, #tpu.memory_space<vmem_shared>>
      tpu.wait_indirect_dma semaphore(%arg34 : memref<!tpu.dma_semaphore, #tpu.memory_space<semaphore_mem>>) src(%arg17 : memref<80x128xf32, #tpu.memory_space<vmem>>) dst(%dma_wait3A_449 : memref<10000x128xf32, #tpu.memory_space<vmem_shared>>)
      %add3A_450 = arith.constant 2 : i32
      %add3A_451 = arith.addi %mul3A_264, %add3A_450 : i32
      %mul3A_452 = arith.constant 80 : i32
      %mul3A_453 = arith.muli %add3A, %mul3A_452 : i32
      %mul3A_454 = arith.constant 2560 : i32
      %mul3A_455 = arith.muli %add3A_451, %mul3A_454 : i32
      %add3A_456 = arith.addi %mul3A_453, %mul3A_455 : i32
      %multiple_of3A_457 = tpu.assume_multiple %add3A_456, 8 : i32
      %dma_start3A_458 = tpu.memref_slice %arg4[%multiple_of3A_457] : memref<320000xi32, #tpu.memory_space<hbm>> -> memref<80xi32, #tpu.memory_space<hbm>>
      %dma_start3A_459 = tpu.memref_slice %arg4[%multiple_of3A_457] : memref<320000xi32, #tpu.memory_space<hbm>> -> memref<80xi32, #tpu.memory_space<hbm>>
      tpu.enqueue_dma source(%dma_start3A_459 : memref<80xi32, #tpu.memory_space<hbm>>) target(%arg13 : memref<80xi32, #tpu.memory_space<vmem>>) target_semaphore(%arg28 : memref<!tpu.dma_semaphore, #tpu.memory_space<semaphore_mem>>)
      %add3A_460 = arith.constant 2 : i32
      %add3A_461 = arith.addi %mul3A_264, %add3A_460 : i32
      %mul3A_462 = arith.constant 80 : i32
      %mul3A_463 = arith.muli %add3A, %mul3A_462 : i32
      %mul3A_464 = arith.constant 2560 : i32
      %mul3A_465 = arith.muli %add3A_461, %mul3A_464 : i32
      %add3A_466 = arith.addi %mul3A_463, %mul3A_465 : i32
      %multiple_of3A_467 = tpu.assume_multiple %add3A_466, 8 : i32
      %dma_wait3A_468 = tpu.memref_slice %arg3[%multiple_of3A_467] : memref<320000xi32, #tpu.memory_space<hbm>> -> memref<80xi32, #tpu.memory_space<hbm>>
      %dma_wait3A_469 = tpu.memref_slice %arg3[%multiple_of3A_467] : memref<320000xi32, #tpu.memory_space<hbm>> -> memref<80xi32, #tpu.memory_space<hbm>>
      tpu.wait_dma2 semaphore(%arg26 : memref<!tpu.dma_semaphore, #tpu.memory_space<semaphore_mem>>) src(%dma_wait3A_469 : memref<80xi32, #tpu.memory_space<hbm>>) dst(%arg9 : memref<80xi32, #tpu.memory_space<vmem>>)
      %dma_wait3A_470 = tpu.memref_slice %arg5[%multiple_of3A_467] : memref<320000xi32, #tpu.memory_space<hbm>> -> memref<80xi32, #tpu.memory_space<hbm>>
      %dma_wait3A_471 = tpu.memref_slice %arg5[%multiple_of3A_467] : memref<320000xi32, #tpu.memory_space<hbm>> -> memref<80xi32, #tpu.memory_space<hbm>>
      tpu.wait_dma2 semaphore(%arg26 : memref<!tpu.dma_semaphore, #tpu.memory_space<semaphore_mem>>) src(%dma_wait3A_471 : memref<80xi32, #tpu.memory_space<hbm>>) dst(%arg11 : memref<80xi32, #tpu.memory_space<vmem>>)
      %get3A_472 = arith.constant 0 : index
      %get3A_473 = tpu.vector_load %arg11[%get3A_472] {strides = array<i32>} : memref<80xi32, #tpu.memory_space<vmem>>, vector<16xi32>,
      %sub3A_474 = arith.constant 1 : i32
      %sub3A_475 = vector.broadcast %sub3A_474 : i32 to vector<16xi32>
      %sub3A_476 = arith.subi %get3A_473, %sub3A_475 : vector<16xi32>
      %mul3A_477 = arith.constant 10000 : i32
      %mul3A_478 = vector.broadcast %mul3A_477 : i32 to vector<16xi32>
      %mul3A_479 = arith.muli %sub3A_476, %mul3A_478 : vector<16xi32>
      %get3A_480 = arith.constant 0 : index
      %get3A_481 = tpu.vector_load %arg9[%get3A_480] {strides = array<i32>} : memref<80xi32, #tpu.memory_space<vmem>>, vector<16xi32>,
      %add3A_482 = arith.addi %mul3A_479, %get3A_481 : vector<16xi32>
      %swap3A_483 = arith.constant 0 : index
      %swap3A_484 = tpu.vector_load %arg15[%swap3A_483] {strides = array<i32>} : memref<80xi32, #tpu.memory_space<vmem>>, vector<16xi32>,
      tpu.vector_store %arg15[%swap3A_483], %add3A_482 {strides = array<i32>} : memref<80xi32, #tpu.memory_space<vmem>>, vector<16xi32>,
      %get3A_485 = arith.constant 16 : index
      %get3A_486 = tpu.vector_load %arg11[%get3A_485] {strides = array<i32>} : memref<80xi32, #tpu.memory_space<vmem>>, vector<16xi32>,
      %sub3A_487 = arith.constant 1 : i32
      %sub3A_488 = vector.broadcast %sub3A_487 : i32 to vector<16xi32>
      %sub3A_489 = arith.subi %get3A_486, %sub3A_488 : vector<16xi32>
      %mul3A_490 = arith.constant 10000 : i32
      %mul3A_491 = vector.broadcast %mul3A_490 : i32 to vector<16xi32>
      %mul3A_492 = arith.muli %sub3A_489, %mul3A_491 : vector<16xi32>
      %get3A_493 = arith.constant 16 : index
      %get3A_494 = tpu.vector_load %arg9[%get3A_493] {strides = array<i32>} : memref<80xi32, #tpu.memory_space<vmem>>, vector<16xi32>,
      %add3A_495 = arith.addi %mul3A_492, %get3A_494 : vector<16xi32>
      %swap3A_496 = arith.constant 16 : index
      %swap3A_497 = tpu.vector_load %arg15[%swap3A_496] {strides = array<i32>} : memref<80xi32, #tpu.memory_space<vmem>>, vector<16xi32>,
      tpu.vector_store %arg15[%swap3A_496], %add3A_495 {strides = array<i32>} : memref<80xi32, #tpu.memory_space<vmem>>, vector<16xi32>,
      %get3A_498 = arith.constant 32 : index
      %get3A_499 = tpu.vector_load %arg11[%get3A_498] {strides = array<i32>} : memref<80xi32, #tpu.memory_space<vmem>>, vector<16xi32>,
      %sub3A_500 = arith.constant 1 : i32
      %sub3A_501 = vector.broadcast %sub3A_500 : i32 to vector<16xi32>
      %sub3A_502 = arith.subi %get3A_499, %sub3A_501 : vector<16xi32>
      %mul3A_503 = arith.constant 10000 : i32
      %mul3A_504 = vector.broadcast %mul3A_503 : i32 to vector<16xi32>
      %mul3A_505 = arith.muli %sub3A_502, %mul3A_504 : vector<16xi32>
      %get3A_506 = arith.constant 32 : index
      %get3A_507 = tpu.vector_load %arg9[%get3A_506] {strides = array<i32>} : memref<80xi32, #tpu.memory_space<vmem>>, vector<16xi32>,
      %add3A_508 = arith.addi %mul3A_505, %get3A_507 : vector<16xi32>
      %swap3A_509 = arith.constant 32 : index
      %swap3A_510 = tpu.vector_load %arg15[%swap3A_509] {strides = array<i32>} : memref<80xi32, #tpu.memory_space<vmem>>, vector<16xi32>,
      tpu.vector_store %arg15[%swap3A_509], %add3A_508 {strides = array<i32>} : memref<80xi32, #tpu.memory_space<vmem>>, vector<16xi32>,
      %get3A_511 = arith.constant 48 : index
      %get3A_512 = tpu.vector_load %arg11[%get3A_511] {strides = array<i32>} : memref<80xi32, #tpu.memory_space<vmem>>, vector<16xi32>,
      %sub3A_513 = arith.constant 1 : i32
      %sub3A_514 = vector.broadcast %sub3A_513 : i32 to vector<16xi32>
      %sub3A_515 = arith.subi %get3A_512, %sub3A_514 : vector<16xi32>
      %mul3A_516 = arith.constant 10000 : i32
      %mul3A_517 = vector.broadcast %mul3A_516 : i32 to vector<16xi32>
      %mul3A_518 = arith.muli %sub3A_515, %mul3A_517 : vector<16xi32>
      %get3A_519 = arith.constant 48 : index
      %get3A_520 = tpu.vector_load %arg9[%get3A_519] {strides = array<i32>} : memref<80xi32, #tpu.memory_space<vmem>>, vector<16xi32>,
      %add3A_521 = arith.addi %mul3A_518, %get3A_520 : vector<16xi32>
      %swap3A_522 = arith.constant 48 : index
      %swap3A_523 = tpu.vector_load %arg15[%swap3A_522] {strides = array<i32>} : memref<80xi32, #tpu.memory_space<vmem>>, vector<16xi32>,
      tpu.vector_store %arg15[%swap3A_522], %add3A_521 {strides = array<i32>} : memref<80xi32, #tpu.memory_space<vmem>>, vector<16xi32>,
      %get3A_524 = arith.constant 64 : index
      %get3A_525 = tpu.vector_load %arg11[%get3A_524] {strides = array<i32>} : memref<80xi32, #tpu.memory_space<vmem>>, vector<16xi32>,
      %sub3A_526 = arith.constant 1 : i32
      %sub3A_527 = vector.broadcast %sub3A_526 : i32 to vector<16xi32>
      %sub3A_528 = arith.subi %get3A_525, %sub3A_527 : vector<16xi32>
      %mul3A_529 = arith.constant 10000 : i32
      %mul3A_530 = vector.broadcast %mul3A_529 : i32 to vector<16xi32>
      %mul3A_531 = arith.muli %sub3A_528, %mul3A_530 : vector<16xi32>
      %get3A_532 = arith.constant 64 : index
      %get3A_533 = tpu.vector_load %arg9[%get3A_532] {strides = array<i32>} : memref<80xi32, #tpu.memory_space<vmem>>, vector<16xi32>,
      %add3A_534 = arith.addi %mul3A_531, %get3A_533 : vector<16xi32>
      %swap3A_535 = arith.constant 64 : index
      %swap3A_536 = tpu.vector_load %arg15[%swap3A_535] {strides = array<i32>} : memref<80xi32, #tpu.memory_space<vmem>>, vector<16xi32>,
      tpu.vector_store %arg15[%swap3A_535], %add3A_534 {strides = array<i32>} : memref<80xi32, #tpu.memory_space<vmem>>, vector<16xi32>,
      %get3A_537 = arith.constant 0 : index
      %get3A_538 = tpu.vector_load %arg11[%get3A_537] {strides = array<i32>} : memref<80xi32, #tpu.memory_space<vmem>>, vector<16xi32>,
      %swap3A_539 = arith.constant 0 : index
      %swap3A_540 = tpu.vector_load %arg21[%swap3A_539] {strides = array<i32>} : memref<32xi32, #tpu.memory_space<vmem>>, vector<16xi32>,
      tpu.vector_store %arg21[%swap3A_539], %get3A_538 {strides = array<i32>} : memref<32xi32, #tpu.memory_space<vmem>>, vector<16xi32>,
      %get3A_541 = arith.constant 64 : index
      %get3A_542 = tpu.vector_load %arg11[%get3A_541] {strides = array<i32>} : memref<80xi32, #tpu.memory_space<vmem>>, vector<16xi32>,
      %swap3A_543 = arith.constant 16 : index
      %swap3A_544 = tpu.vector_load %arg21[%swap3A_543] {strides = array<i32>} : memref<32xi32, #tpu.memory_space<vmem>>, vector<16xi32>,
      tpu.vector_store %arg21[%swap3A_543], %get3A_542 {strides = array<i32>} : memref<32xi32, #tpu.memory_space<vmem>>, vector<16xi32>,
      %get3A_545 = arith.constant 0 : index
      %get3A_546 = tpu.vector_load %arg11[%get3A_545] {strides = array<i32>} : memref<80xi32, #tpu.memory_space<vmem>>, vector<16xi32>,
      %reduce_min3A_547 = arith.constant true
      %reduce_min3A_548 = vector.broadcast %reduce_min3A_547 : i1 to vector<16xi1>
      %reduce_min3A_549 = arith.constant -2147483648 : i32
      %reduce_min3A_550 = vector.broadcast %reduce_min3A_549 : i32 to vector<16xi32>
      %reduce_min3A_551 = arith.xori %get3A_546, %reduce_min3A_550 : vector<16xi32>
      %reduce_min3A_552 = tpu.scan <min>, %reduce_min3A_551 masked %reduce_min3A_548 : vector<16xi32>, vector<16xi1> -> vector<16xi32>
      %reduce_min3A_553 = arith.xori %reduce_min3A_552, %reduce_min3A_550 : vector<16xi32>
      %reduce_min3A_554 = vector.extract %reduce_min3A_553[15] : i32 from vector<16xi32>
      %eq3A_555 = arith.constant 1 : i32
      %eq3A_556 = arith.cmpi eq, %reduce_min3A_554, %eq3A_555 : i32
      %convert_element_type3A_557 = arith.extui %eq3A_556 : i1 to i32
      %cond3A_558 = arith.constant 0 : i32
      %cond3A_559 = arith.cmpi ne, %convert_element_type3A_557, %cond3A_558 : i32
      scf.if %cond3A_559 {
        %dma_start3A_625 = arith.constant 0 : i32
        %dma_start3A_626 = tpu.memref_slice %arg6[%multiple_of3A_467, %dma_start3A_625] : memref<320000x128xf32, #tpu.memory_space<hbm>> -> memref<80x128xf32, #tpu.memory_space<hbm>>
        %dma_start3A_627 = arith.constant 0 : i32
        %dma_start3A_628 = tpu.memref_slice %arg6[%multiple_of3A_467, %dma_start3A_627] : memref<320000x128xf32, #tpu.memory_space<hbm>> -> memref<80x128xf32, #tpu.memory_space<hbm>>
        tpu.enqueue_dma source(%dma_start3A_628 : memref<80x128xf32, #tpu.memory_space<hbm>>) target(%arg19 : memref<80x128xf32, #tpu.memory_space<vmem>>) target_semaphore(%arg32 : memref<!tpu.dma_semaphore, #tpu.memory_space<semaphore_mem>>)
      } else {
      }
      %dma_start3A_560 = arith.constant 0 : i32
      %dma_start3A_561 = arith.constant 0 : i32
      %dma_start3A_562 = tpu.memref_slice %arg2[%dma_start3A_560, %dma_start3A_561] : memref<40000x128xf32, #tpu.memory_space<hbm>> -> memref<40000x128xf32, #tpu.memory_space<hbm>>
      tpu.enqueue_indirect_dma source(%dma_start3A_562 : memref<40000x128xf32, #tpu.memory_space<hbm>>) target(%arg17 : memref<80x128xf32, #tpu.memory_space<vmem>>) offsets(%arg15 : memref<80xi32, #tpu.memory_space<vmem>>) semaphore(%arg30 : memref<!tpu.dma_semaphore, #tpu.memory_space<semaphore_mem>>)
      %add3A_563 = arith.constant 1 : i32
      %add3A_564 = arith.addi %mul3A_264, %add3A_563 : i32
      %mul3A_565 = arith.constant 80 : i32
      %mul3A_566 = arith.muli %add3A, %mul3A_565 : i32
      %mul3A_567 = arith.constant 2560 : i32
      %mul3A_568 = arith.muli %add3A_564, %mul3A_567 : i32
      %add3A_569 = arith.addi %mul3A_566, %mul3A_568 : i32
      %multiple_of3A_570 = tpu.assume_multiple %add3A_569, 8 : i32
      %dma_wait3A_571 = arith.constant 0 : i32
      %dma_wait3A_572 = arith.constant 0 : i32
      %dma_wait3A_573 = tpu.memref_slice %arg2[%dma_wait3A_571, %dma_wait3A_572] : memref<40000x128xf32, #tpu.memory_space<hbm>> -> memref<40000x128xf32, #tpu.memory_space<hbm>>
      tpu.wait_indirect_dma semaphore(%arg31 : memref<!tpu.dma_semaphore, #tpu.memory_space<semaphore_mem>>) src(%dma_wait3A_573 : memref<40000x128xf32, #tpu.memory_space<hbm>>) dst(%arg18 : memref<80x128xf32, #tpu.memory_space<vmem>>)
      %get3A_574 = arith.constant 0 : index
      %get3A_575 = tpu.vector_load %arg22[%get3A_574] {strides = array<i32>} : memref<32xi32, #tpu.memory_space<vmem>>, vector<16xi32>,
      %reduce_min3A_576 = arith.constant true
      %reduce_min3A_577 = vector.broadcast %reduce_min3A_576 : i1 to vector<16xi1>
      %reduce_min3A_578 = arith.constant -2147483648 : i32
      %reduce_min3A_579 = vector.broadcast %reduce_min3A_578 : i32 to vector<16xi32>
      %reduce_min3A_580 = arith.xori %get3A_575, %reduce_min3A_579 : vector<16xi32>
      %reduce_min3A_581 = tpu.scan <min>, %reduce_min3A_580 masked %reduce_min3A_577 : vector<16xi32>, vector<16xi1> -> vector<16xi32>
      %reduce_min3A_582 = arith.xori %reduce_min3A_581, %reduce_min3A_579 : vector<16xi32>
      %reduce_min3A_583 = vector.extract %reduce_min3A_582[15] : i32 from vector<16xi32>
      %get3A_584 = arith.constant 16 : index
      %get3A_585 = tpu.vector_load %arg22[%get3A_584] {strides = array<i32>} : memref<32xi32, #tpu.memory_space<vmem>>, vector<16xi32>,
      %reduce_max3A_586 = arith.constant true
      %reduce_max3A_587 = vector.broadcast %reduce_max3A_586 : i1 to vector<16xi1>
      %reduce_max3A_588 = arith.constant -2147483648 : i32
      %reduce_max3A_589 = vector.broadcast %reduce_max3A_588 : i32 to vector<16xi32>
      %reduce_max3A_590 = arith.xori %get3A_585, %reduce_max3A_589 : vector<16xi32>
      %reduce_max3A_591 = tpu.scan <max>, %reduce_max3A_590 masked %reduce_max3A_587 : vector<16xi32>, vector<16xi1> -> vector<16xi32>
      %reduce_max3A_592 = arith.xori %reduce_max3A_591, %reduce_max3A_589 : vector<16xi32>
      %reduce_max3A_593 = vector.extract %reduce_max3A_592[15] : i32 from vector<16xi32>
      %eq3A_594 = arith.constant 1 : i32
      %eq3A_595 = arith.cmpi eq, %reduce_min3A_583, %eq3A_594 : i32
      %convert_element_type3A_596 = arith.extui %eq3A_595 : i1 to i32
      %cond3A_597 = arith.constant 0 : i32
      %cond3A_598 = arith.cmpi ne, %convert_element_type3A_596, %cond3A_597 : i32
      scf.if %cond3A_598 {
        %dma_wait3A_625 = arith.constant 0 : i32
        %dma_wait3A_626 = tpu.memref_slice %arg6[%multiple_of3A_570, %dma_wait3A_625] : memref<320000x128xf32, #tpu.memory_space<hbm>> -> memref<80x128xf32, #tpu.memory_space<hbm>>
        %dma_wait3A_627 = arith.constant 0 : i32
        %dma_wait3A_628 = tpu.memref_slice %arg6[%multiple_of3A_570, %dma_wait3A_627] : memref<320000x128xf32, #tpu.memory_space<hbm>> -> memref<80x128xf32, #tpu.memory_space<hbm>>
        tpu.wait_dma2 semaphore(%arg33 : memref<!tpu.dma_semaphore, #tpu.memory_space<semaphore_mem>>) src(%dma_wait3A_628 : memref<80x128xf32, #tpu.memory_space<hbm>>) dst(%arg20 : memref<80x128xf32, #tpu.memory_space<vmem>>)
      } else {
      }
      %eq3A_599 = arith.constant 1 : i32
      %eq3A_600 = arith.cmpi eq, %reduce_max3A_593, %eq3A_599 : i32
      %convert_element_type3A_601 = arith.extui %eq3A_600 : i1 to i32
      %cond3A_602 = arith.constant 0 : i32
      %cond3A_603 = arith.cmpi ne, %convert_element_type3A_601, %cond3A_602 : i32
      scf.if %cond3A_603 {
        %scan3A_625 = arith.constant 0 : i32
        %scan3A_626 = arith.constant 0 : i32
        %scan3A_627 = arith.constant 80 : i32
        %scan3A_628 = arith.addi %scan3A_626, %scan3A_627 : i32
        %scan3A_629 = arith.constant 1 : i32
        %scan3A_630 = scf.for %scan3A_632 = %scan3A_626 to %scan3A_628 step %scan3A_629 iter_args(%scan3A_633 = %scan3A_625) -> (i32)  : i32 {
          %get3A_634 = arith.index_cast %scan3A_632 : i32 to index
          %get3A_635 = arith.constant 0 : index
          %get3A_636 = tpu.vector_load %arg18[%get3A_634, %get3A_635] {strides = array<i32>} : memref<80x128xf32, #tpu.memory_space<vmem>>, vector<16xf32>,
          %get3A_637 = arith.index_cast %scan3A_632 : i32 to index
          %get3A_638 = arith.constant 0 : index
          %get3A_639 = tpu.vector_load %arg20[%get3A_637, %get3A_638] {strides = array<i32>} : memref<80x128xf32, #tpu.memory_space<vmem>>, vector<16xf32>,
          %add3A_640 = arith.addf %get3A_636, %get3A_639 : vector<16xf32>
          %max3A = arith.constant 0.000000e+00 : f32
          %max3A_641 = vector.broadcast %max3A : f32 to vector<16xf32>
          %max3A_642 = arith.maximumf %add3A_640, %max3A_641 : vector<16xf32>
          %get3A_643 = arith.constant 0 : index
          %get3A_644 = tpu.vector_load %arg24[%get3A_643] {strides = array<i32>} : memref<128xf32, #tpu.memory_space<vmem>>, vector<16xf32>,
          %mul3A_645 = arith.mulf %max3A_642, %get3A_644 : vector<16xf32>
          %swap3A_646 = arith.index_cast %scan3A_632 : i32 to index
          %swap3A_647 = arith.constant 0 : index
          %swap3A_648 = tpu.vector_load %arg18[%swap3A_646, %swap3A_647] {strides = array<i32>} : memref<80x128xf32, #tpu.memory_space<vmem>>, vector<16xf32>,
          tpu.vector_store %arg18[%swap3A_646, %swap3A_647], %mul3A_645 {strides = array<i32>} : memref<80x128xf32, #tpu.memory_space<vmem>>, vector<16xf32>,
          %get3A_649 = arith.index_cast %scan3A_632 : i32 to index
          %get3A_650 = arith.constant 16 : index
          %get3A_651 = tpu.vector_load %arg18[%get3A_649, %get3A_650] {strides = array<i32>} : memref<80x128xf32, #tpu.memory_space<vmem>>, vector<16xf32>,
          %get3A_652 = arith.index_cast %scan3A_632 : i32 to index
          %get3A_653 = arith.constant 16 : index
          %get3A_654 = tpu.vector_load %arg20[%get3A_652, %get3A_653] {strides = array<i32>} : memref<80x128xf32, #tpu.memory_space<vmem>>, vector<16xf32>,
          %add3A_655 = arith.addf %get3A_651, %get3A_654 : vector<16xf32>
          %max3A_656 = arith.constant 0.000000e+00 : f32
          %max3A_657 = vector.broadcast %max3A_656 : f32 to vector<16xf32>
          %max3A_658 = arith.maximumf %add3A_655, %max3A_657 : vector<16xf32>
          %get3A_659 = arith.constant 16 : index
          %get3A_660 = tpu.vector_load %arg24[%get3A_659] {strides = array<i32>} : memref<128xf32, #tpu.memory_space<vmem>>, vector<16xf32>,
          %mul3A_661 = arith.mulf %max3A_658, %get3A_660 : vector<16xf32>
          %swap3A_662 = arith.index_cast %scan3A_632 : i32 to index
          %swap3A_663 = arith.constant 16 : index
          %swap3A_664 = tpu.vector_load %arg18[%swap3A_662, %swap3A_663] {strides = array<i32>} : memref<80x128xf32, #tpu.memory_space<vmem>>, vector<16xf32>,
          tpu.vector_store %arg18[%swap3A_662, %swap3A_663], %mul3A_661 {strides = array<i32>} : memref<80x128xf32, #tpu.memory_space<vmem>>, vector<16xf32>,
          %get3A_665 = arith.index_cast %scan3A_632 : i32 to index
          %get3A_666 = arith.constant 32 : index
          %get3A_667 = tpu.vector_load %arg18[%get3A_665, %get3A_666] {strides = array<i32>} : memref<80x128xf32, #tpu.memory_space<vmem>>, vector<16xf32>,
          %get3A_668 = arith.index_cast %scan3A_632 : i32 to index
          %get3A_669 = arith.constant 32 : index
          %get3A_670 = tpu.vector_load %arg20[%get3A_668, %get3A_669] {strides = array<i32>} : memref<80x128xf32, #tpu.memory_space<vmem>>, vector<16xf32>,
          %add3A_671 = arith.addf %get3A_667, %get3A_670 : vector<16xf32>
          %max3A_672 = arith.constant 0.000000e+00 : f32
          %max3A_673 = vector.broadcast %max3A_672 : f32 to vector<16xf32>
          %max3A_674 = arith.maximumf %add3A_671, %max3A_673 : vector<16xf32>
          %get3A_675 = arith.constant 32 : index
          %get3A_676 = tpu.vector_load %arg24[%get3A_675] {strides = array<i32>} : memref<128xf32, #tpu.memory_space<vmem>>, vector<16xf32>,
          %mul3A_677 = arith.mulf %max3A_674, %get3A_676 : vector<16xf32>
          %swap3A_678 = arith.index_cast %scan3A_632 : i32 to index
          %swap3A_679 = arith.constant 32 : index
          %swap3A_680 = tpu.vector_load %arg18[%swap3A_678, %swap3A_679] {strides = array<i32>} : memref<80x128xf32, #tpu.memory_space<vmem>>, vector<16xf32>,
          tpu.vector_store %arg18[%swap3A_678, %swap3A_679], %mul3A_677 {strides = array<i32>} : memref<80x128xf32, #tpu.memory_space<vmem>>, vector<16xf32>,
          %get3A_681 = arith.index_cast %scan3A_632 : i32 to index
          %get3A_682 = arith.constant 48 : index
          %get3A_683 = tpu.vector_load %arg18[%get3A_681, %get3A_682] {strides = array<i32>} : memref<80x128xf32, #tpu.memory_space<vmem>>, vector<16xf32>,
          %get3A_684 = arith.index_cast %scan3A_632 : i32 to index
          %get3A_685 = arith.constant 48 : index
          %get3A_686 = tpu.vector_load %arg20[%get3A_684, %get3A_685] {strides = array<i32>} : memref<80x128xf32, #tpu.memory_space<vmem>>, vector<16xf32>,
          %add3A_687 = arith.addf %get3A_683, %get3A_686 : vector<16xf32>
          %max3A_688 = arith.constant 0.000000e+00 : f32
          %max3A_689 = vector.broadcast %max3A_688 : f32 to vector<16xf32>
          %max3A_690 = arith.maximumf %add3A_687, %max3A_689 : vector<16xf32>
          %get3A_691 = arith.constant 48 : index
          %get3A_692 = tpu.vector_load %arg24[%get3A_691] {strides = array<i32>} : memref<128xf32, #tpu.memory_space<vmem>>, vector<16xf32>,
          %mul3A_693 = arith.mulf %max3A_690, %get3A_692 : vector<16xf32>
          %swap3A_694 = arith.index_cast %scan3A_632 : i32 to index
          %swap3A_695 = arith.constant 48 : index
          %swap3A_696 = tpu.vector_load %arg18[%swap3A_694, %swap3A_695] {strides = array<i32>} : memref<80x128xf32, #tpu.memory_space<vmem>>, vector<16xf32>,
          tpu.vector_store %arg18[%swap3A_694, %swap3A_695], %mul3A_693 {strides = array<i32>} : memref<80x128xf32, #tpu.memory_space<vmem>>, vector<16xf32>,
          %get3A_697 = arith.index_cast %scan3A_632 : i32 to index
          %get3A_698 = arith.constant 64 : index
          %get3A_699 = tpu.vector_load %arg18[%get3A_697, %get3A_698] {strides = array<i32>} : memref<80x128xf32, #tpu.memory_space<vmem>>, vector<16xf32>,
          %get3A_700 = arith.index_cast %scan3A_632 : i32 to index
          %get3A_701 = arith.constant 64 : index
          %get3A_702 = tpu.vector_load %arg20[%get3A_700, %get3A_701] {strides = array<i32>} : memref<80x128xf32, #tpu.memory_space<vmem>>, vector<16xf32>,
          %add3A_703 = arith.addf %get3A_699, %get3A_702 : vector<16xf32>
          %max3A_704 = arith.constant 0.000000e+00 : f32
          %max3A_705 = vector.broadcast %max3A_704 : f32 to vector<16xf32>
          %max3A_706 = arith.maximumf %add3A_703, %max3A_705 : vector<16xf32>
          %get3A_707 = arith.constant 64 : index
          %get3A_708 = tpu.vector_load %arg24[%get3A_707] {strides = array<i32>} : memref<128xf32, #tpu.memory_space<vmem>>, vector<16xf32>,
          %mul3A_709 = arith.mulf %max3A_706, %get3A_708 : vector<16xf32>
          %swap3A_710 = arith.index_cast %scan3A_632 : i32 to index
          %swap3A_711 = arith.constant 64 : index
          %swap3A_712 = tpu.vector_load %arg18[%swap3A_710, %swap3A_711] {strides = array<i32>} : memref<80x128xf32, #tpu.memory_space<vmem>>, vector<16xf32>,
          tpu.vector_store %arg18[%swap3A_710, %swap3A_711], %mul3A_709 {strides = array<i32>} : memref<80x128xf32, #tpu.memory_space<vmem>>, vector<16xf32>,
          %get3A_713 = arith.index_cast %scan3A_632 : i32 to index
          %get3A_714 = arith.constant 80 : index
          %get3A_715 = tpu.vector_load %arg18[%get3A_713, %get3A_714] {strides = array<i32>} : memref<80x128xf32, #tpu.memory_space<vmem>>, vector<16xf32>,
          %get3A_716 = arith.index_cast %scan3A_632 : i32 to index
          %get3A_717 = arith.constant 80 : index
          %get3A_718 = tpu.vector_load %arg20[%get3A_716, %get3A_717] {strides = array<i32>} : memref<80x128xf32, #tpu.memory_space<vmem>>, vector<16xf32>,
          %add3A_719 = arith.addf %get3A_715, %get3A_718 : vector<16xf32>
          %max3A_720 = arith.constant 0.000000e+00 : f32
          %max3A_721 = vector.broadcast %max3A_720 : f32 to vector<16xf32>
          %max3A_722 = arith.maximumf %add3A_719, %max3A_721 : vector<16xf32>
          %get3A_723 = arith.constant 80 : index
          %get3A_724 = tpu.vector_load %arg24[%get3A_723] {strides = array<i32>} : memref<128xf32, #tpu.memory_space<vmem>>, vector<16xf32>,
          %mul3A_725 = arith.mulf %max3A_722, %get3A_724 : vector<16xf32>
          %swap3A_726 = arith.index_cast %scan3A_632 : i32 to index
          %swap3A_727 = arith.constant 80 : index
          %swap3A_728 = tpu.vector_load %arg18[%swap3A_726, %swap3A_727] {strides = array<i32>} : memref<80x128xf32, #tpu.memory_space<vmem>>, vector<16xf32>,
          tpu.vector_store %arg18[%swap3A_726, %swap3A_727], %mul3A_725 {strides = array<i32>} : memref<80x128xf32, #tpu.memory_space<vmem>>, vector<16xf32>,
          %get3A_729 = arith.index_cast %scan3A_632 : i32 to index
          %get3A_730 = arith.constant 96 : index
          %get3A_731 = tpu.vector_load %arg18[%get3A_729, %get3A_730] {strides = array<i32>} : memref<80x128xf32, #tpu.memory_space<vmem>>, vector<16xf32>,
          %get3A_732 = arith.index_cast %scan3A_632 : i32 to index
          %get3A_733 = arith.constant 96 : index
          %get3A_734 = tpu.vector_load %arg20[%get3A_732, %get3A_733] {strides = array<i32>} : memref<80x128xf32, #tpu.memory_space<vmem>>, vector<16xf32>,
          %add3A_735 = arith.addf %get3A_731, %get3A_734 : vector<16xf32>
          %max3A_736 = arith.constant 0.000000e+00 : f32
          %max3A_737 = vector.broadcast %max3A_736 : f32 to vector<16xf32>
          %max3A_738 = arith.maximumf %add3A_735, %max3A_737 : vector<16xf32>
          %get3A_739 = arith.constant 96 : index
          %get3A_740 = tpu.vector_load %arg24[%get3A_739] {strides = array<i32>} : memref<128xf32, #tpu.memory_space<vmem>>, vector<16xf32>,
          %mul3A_741 = arith.mulf %max3A_738, %get3A_740 : vector<16xf32>
          %swap3A_742 = arith.index_cast %scan3A_632 : i32 to index
          %swap3A_743 = arith.constant 96 : index
          %swap3A_744 = tpu.vector_load %arg18[%swap3A_742, %swap3A_743] {strides = array<i32>} : memref<80x128xf32, #tpu.memory_space<vmem>>, vector<16xf32>,
          tpu.vector_store %arg18[%swap3A_742, %swap3A_743], %mul3A_741 {strides = array<i32>} : memref<80x128xf32, #tpu.memory_space<vmem>>, vector<16xf32>,
          %get3A_745 = arith.index_cast %scan3A_632 : i32 to index
          %get3A_746 = arith.constant 112 : index
          %get3A_747 = tpu.vector_load %arg18[%get3A_745, %get3A_746] {strides = array<i32>} : memref<80x128xf32, #tpu.memory_space<vmem>>, vector<16xf32>,
          %get3A_748 = arith.index_cast %scan3A_632 : i32 to index
          %get3A_749 = arith.constant 112 : index
          %get3A_750 = tpu.vector_load %arg20[%get3A_748, %get3A_749] {strides = array<i32>} : memref<80x128xf32, #tpu.memory_space<vmem>>, vector<16xf32>,
          %add3A_751 = arith.addf %get3A_747, %get3A_750 : vector<16xf32>
          %max3A_752 = arith.constant 0.000000e+00 : f32
          %max3A_753 = vector.broadcast %max3A_752 : f32 to vector<16xf32>
          %max3A_754 = arith.maximumf %add3A_751, %max3A_753 : vector<16xf32>
          %get3A_755 = arith.constant 112 : index
          %get3A_756 = tpu.vector_load %arg24[%get3A_755] {strides = array<i32>} : memref<128xf32, #tpu.memory_space<vmem>>, vector<16xf32>,
          %mul3A_757 = arith.mulf %max3A_754, %get3A_756 : vector<16xf32>
          %swap3A_758 = arith.index_cast %scan3A_632 : i32 to index
          %swap3A_759 = arith.constant 112 : index
          %swap3A_760 = tpu.vector_load %arg18[%swap3A_758, %swap3A_759] {strides = array<i32>} : memref<80x128xf32, #tpu.memory_space<vmem>>, vector<16xf32>,
          tpu.vector_store %arg18[%swap3A_758, %swap3A_759], %mul3A_757 {strides = array<i32>} : memref<80x128xf32, #tpu.memory_space<vmem>>, vector<16xf32>,
          %scan3A_761 = arith.constant 0 : i32
          scf.yield %scan3A_761 : i32
        }
        %scan3A_631 = arith.constant 80 : i32
      } else {
      }
      %eq3A_604 = arith.constant 1 : i32
      %eq3A_605 = arith.cmpi eq, %reduce_min3A_583, %eq3A_604 : i32
      %gt3A_606 = arith.constant 1 : i32
      %gt3A_607 = arith.cmpi sgt, %reduce_max3A_593, %gt3A_606 : i32
      %and3A_608 = arith.andi %eq3A_605, %gt3A_607 : i1
      %convert_element_type3A_609 = arith.extui %and3A_608 : i1 to i32
      %cond3A_610 = arith.constant 0 : i32
      %cond3A_611 = arith.cmpi ne, %convert_element_type3A_609, %cond3A_610 : i32
      scf.if %cond3A_611 {
        %scan3A_625 = arith.constant 0 : i32
        %scan3A_626 = arith.constant 0 : i32
        %scan3A_627 = arith.constant 80 : i32
        %scan3A_628 = arith.addi %scan3A_626, %scan3A_627 : i32
        %scan3A_629 = arith.constant 1 : i32
        %scan3A_630 = scf.for %scan3A_632 = %scan3A_626 to %scan3A_628 step %scan3A_629 iter_args(%scan3A_633 = %scan3A_625) -> (i32)  : i32 {
          %broadcast_in_dim3A_634 = vector.broadcast %scan3A_632 : i32 to vector<16xi32>
          %gather3A = tpu.vector_load_idx %arg12[%broadcast_in_dim3A_634] : memref<80xi32, #tpu.memory_space<vmem>>[vector<16xi32>], vector<16xi32>,
          %eq3A_635 = arith.constant 1 : i32
          %eq3A_636 = vector.broadcast %eq3A_635 : i32 to vector<16xi32>
          %eq3A_637 = arith.cmpi eq, %gather3A, %eq3A_636 : vector<16xi32>
          %get3A_638 = arith.index_cast %scan3A_632 : i32 to index
          %get3A_639 = arith.constant 0 : index
          %get3A_640 = tpu.vector_load %arg18[%get3A_638, %get3A_639] {strides = array<i32>} : memref<80x128xf32, #tpu.memory_space<vmem>>, vector<16xf32>,
          %get3A_641 = arith.index_cast %scan3A_632 : i32 to index
          %get3A_642 = arith.constant 0 : index
          %get3A_643 = tpu.vector_load %arg20[%get3A_641, %get3A_642] {strides = array<i32>} : memref<80x128xf32, #tpu.memory_space<vmem>>, vector<16xf32>,
          %add3A_644 = arith.addf %get3A_640, %get3A_643 : vector<16xf32>
          %max3A = arith.constant 0.000000e+00 : f32
          %max3A_645 = vector.broadcast %max3A : f32 to vector<16xf32>
          %max3A_646 = arith.maximumf %add3A_644, %max3A_645 : vector<16xf32>
          %get3A_647 = arith.constant 0 : index
          %get3A_648 = tpu.vector_load %arg24[%get3A_647] {strides = array<i32>} : memref<128xf32, #tpu.memory_space<vmem>>, vector<16xf32>,
          %mul3A_649 = arith.mulf %max3A_646, %get3A_648 : vector<16xf32>
          %select_n3A = arith.select %eq3A_637, %mul3A_649, %get3A_640 : vector<16xi1>, vector<16xf32>
          %swap3A_650 = arith.index_cast %scan3A_632 : i32 to index
          %swap3A_651 = arith.constant 0 : index
          %swap3A_652 = tpu.vector_load %arg18[%swap3A_650, %swap3A_651] {strides = array<i32>} : memref<80x128xf32, #tpu.memory_space<vmem>>, vector<16xf32>,
          tpu.vector_store %arg18[%swap3A_650, %swap3A_651], %select_n3A {strides = array<i32>} : memref<80x128xf32, #tpu.memory_space<vmem>>, vector<16xf32>,
          %get3A_653 = arith.index_cast %scan3A_632 : i32 to index
          %get3A_654 = arith.constant 16 : index
          %get3A_655 = tpu.vector_load %arg18[%get3A_653, %get3A_654] {strides = array<i32>} : memref<80x128xf32, #tpu.memory_space<vmem>>, vector<16xf32>,
          %get3A_656 = arith.index_cast %scan3A_632 : i32 to index
          %get3A_657 = arith.constant 16 : index
          %get3A_658 = tpu.vector_load %arg20[%get3A_656, %get3A_657] {strides = array<i32>} : memref<80x128xf32, #tpu.memory_space<vmem>>, vector<16xf32>,
          %add3A_659 = arith.addf %get3A_655, %get3A_658 : vector<16xf32>
          %max3A_660 = arith.constant 0.000000e+00 : f32
          %max3A_661 = vector.broadcast %max3A_660 : f32 to vector<16xf32>
          %max3A_662 = arith.maximumf %add3A_659, %max3A_661 : vector<16xf32>
          %get3A_663 = arith.constant 16 : index
          %get3A_664 = tpu.vector_load %arg24[%get3A_663] {strides = array<i32>} : memref<128xf32, #tpu.memory_space<vmem>>, vector<16xf32>,
          %mul3A_665 = arith.mulf %max3A_662, %get3A_664 : vector<16xf32>
          %select_n3A_666 = arith.select %eq3A_637, %mul3A_665, %get3A_655 : vector<16xi1>, vector<16xf32>
          %swap3A_667 = arith.index_cast %scan3A_632 : i32 to index
          %swap3A_668 = arith.constant 16 : index
          %swap3A_669 = tpu.vector_load %arg18[%swap3A_667, %swap3A_668] {strides = array<i32>} : memref<80x128xf32, #tpu.memory_space<vmem>>, vector<16xf32>,
          tpu.vector_store %arg18[%swap3A_667, %swap3A_668], %select_n3A_666 {strides = array<i32>} : memref<80x128xf32, #tpu.memory_space<vmem>>, vector<16xf32>,
          %get3A_670 = arith.index_cast %scan3A_632 : i32 to index
          %get3A_671 = arith.constant 32 : index
          %get3A_672 = tpu.vector_load %arg18[%get3A_670, %get3A_671] {strides = array<i32>} : memref<80x128xf32, #tpu.memory_space<vmem>>, vector<16xf32>,
          %get3A_673 = arith.index_cast %scan3A_632 : i32 to index
          %get3A_674 = arith.constant 32 : index
          %get3A_675 = tpu.vector_load %arg20[%get3A_673, %get3A_674] {strides = array<i32>} : memref<80x128xf32, #tpu.memory_space<vmem>>, vector<16xf32>,
          %add3A_676 = arith.addf %get3A_672, %get3A_675 : vector<16xf32>
          %max3A_677 = arith.constant 0.000000e+00 : f32
          %max3A_678 = vector.broadcast %max3A_677 : f32 to vector<16xf32>
          %max3A_679 = arith.maximumf %add3A_676, %max3A_678 : vector<16xf32>
          %get3A_680 = arith.constant 32 : index
          %get3A_681 = tpu.vector_load %arg24[%get3A_680] {strides = array<i32>} : memref<128xf32, #tpu.memory_space<vmem>>, vector<16xf32>,
          %mul3A_682 = arith.mulf %max3A_679, %get3A_681 : vector<16xf32>
          %select_n3A_683 = arith.select %eq3A_637, %mul3A_682, %get3A_672 : vector<16xi1>, vector<16xf32>
          %swap3A_684 = arith.index_cast %scan3A_632 : i32 to index
          %swap3A_685 = arith.constant 32 : index
          %swap3A_686 = tpu.vector_load %arg18[%swap3A_684, %swap3A_685] {strides = array<i32>} : memref<80x128xf32, #tpu.memory_space<vmem>>, vector<16xf32>,
          tpu.vector_store %arg18[%swap3A_684, %swap3A_685], %select_n3A_683 {strides = array<i32>} : memref<80x128xf32, #tpu.memory_space<vmem>>, vector<16xf32>,
          %get3A_687 = arith.index_cast %scan3A_632 : i32 to index
          %get3A_688 = arith.constant 48 : index
          %get3A_689 = tpu.vector_load %arg18[%get3A_687, %get3A_688] {strides = array<i32>} : memref<80x128xf32, #tpu.memory_space<vmem>>, vector<16xf32>,
          %get3A_690 = arith.index_cast %scan3A_632 : i32 to index
          %get3A_691 = arith.constant 48 : index
          %get3A_692 = tpu.vector_load %arg20[%get3A_690, %get3A_691] {strides = array<i32>} : memref<80x128xf32, #tpu.memory_space<vmem>>, vector<16xf32>,
          %add3A_693 = arith.addf %get3A_689, %get3A_692 : vector<16xf32>
          %max3A_694 = arith.constant 0.000000e+00 : f32
          %max3A_695 = vector.broadcast %max3A_694 : f32 to vector<16xf32>
          %max3A_696 = arith.maximumf %add3A_693, %max3A_695 : vector<16xf32>
          %get3A_697 = arith.constant 48 : index
          %get3A_698 = tpu.vector_load %arg24[%get3A_697] {strides = array<i32>} : memref<128xf32, #tpu.memory_space<vmem>>, vector<16xf32>,
          %mul3A_699 = arith.mulf %max3A_696, %get3A_698 : vector<16xf32>
          %select_n3A_700 = arith.select %eq3A_637, %mul3A_699, %get3A_689 : vector<16xi1>, vector<16xf32>
          %swap3A_701 = arith.index_cast %scan3A_632 : i32 to index
          %swap3A_702 = arith.constant 48 : index
          %swap3A_703 = tpu.vector_load %arg18[%swap3A_701, %swap3A_702] {strides = array<i32>} : memref<80x128xf32, #tpu.memory_space<vmem>>, vector<16xf32>,
          tpu.vector_store %arg18[%swap3A_701, %swap3A_702], %select_n3A_700 {strides = array<i32>} : memref<80x128xf32, #tpu.memory_space<vmem>>, vector<16xf32>,
          %get3A_704 = arith.index_cast %scan3A_632 : i32 to index
          %get3A_705 = arith.constant 64 : index
          %get3A_706 = tpu.vector_load %arg18[%get3A_704, %get3A_705] {strides = array<i32>} : memref<80x128xf32, #tpu.memory_space<vmem>>, vector<16xf32>,
          %get3A_707 = arith.index_cast %scan3A_632 : i32 to index
          %get3A_708 = arith.constant 64 : index
          %get3A_709 = tpu.vector_load %arg20[%get3A_707, %get3A_708] {strides = array<i32>} : memref<80x128xf32, #tpu.memory_space<vmem>>, vector<16xf32>,
          %add3A_710 = arith.addf %get3A_706, %get3A_709 : vector<16xf32>
          %max3A_711 = arith.constant 0.000000e+00 : f32
          %max3A_712 = vector.broadcast %max3A_711 : f32 to vector<16xf32>
          %max3A_713 = arith.maximumf %add3A_710, %max3A_712 : vector<16xf32>
          %get3A_714 = arith.constant 64 : index
          %get3A_715 = tpu.vector_load %arg24[%get3A_714] {strides = array<i32>} : memref<128xf32, #tpu.memory_space<vmem>>, vector<16xf32>,
          %mul3A_716 = arith.mulf %max3A_713, %get3A_715 : vector<16xf32>
          %select_n3A_717 = arith.select %eq3A_637, %mul3A_716, %get3A_706 : vector<16xi1>, vector<16xf32>
          %swap3A_718 = arith.index_cast %scan3A_632 : i32 to index
          %swap3A_719 = arith.constant 64 : index
          %swap3A_720 = tpu.vector_load %arg18[%swap3A_718, %swap3A_719] {strides = array<i32>} : memref<80x128xf32, #tpu.memory_space<vmem>>, vector<16xf32>,
          tpu.vector_store %arg18[%swap3A_718, %swap3A_719], %select_n3A_717 {strides = array<i32>} : memref<80x128xf32, #tpu.memory_space<vmem>>, vector<16xf32>,
          %get3A_721 = arith.index_cast %scan3A_632 : i32 to index
          %get3A_722 = arith.constant 80 : index
          %get3A_723 = tpu.vector_load %arg18[%get3A_721, %get3A_722] {strides = array<i32>} : memref<80x128xf32, #tpu.memory_space<vmem>>, vector<16xf32>,
          %get3A_724 = arith.index_cast %scan3A_632 : i32 to index
          %get3A_725 = arith.constant 80 : index
          %get3A_726 = tpu.vector_load %arg20[%get3A_724, %get3A_725] {strides = array<i32>} : memref<80x128xf32, #tpu.memory_space<vmem>>, vector<16xf32>,
          %add3A_727 = arith.addf %get3A_723, %get3A_726 : vector<16xf32>
          %max3A_728 = arith.constant 0.000000e+00 : f32
          %max3A_729 = vector.broadcast %max3A_728 : f32 to vector<16xf32>
          %max3A_730 = arith.maximumf %add3A_727, %max3A_729 : vector<16xf32>
          %get3A_731 = arith.constant 80 : index
          %get3A_732 = tpu.vector_load %arg24[%get3A_731] {strides = array<i32>} : memref<128xf32, #tpu.memory_space<vmem>>, vector<16xf32>,
          %mul3A_733 = arith.mulf %max3A_730, %get3A_732 : vector<16xf32>
          %select_n3A_734 = arith.select %eq3A_637, %mul3A_733, %get3A_723 : vector<16xi1>, vector<16xf32>
          %swap3A_735 = arith.index_cast %scan3A_632 : i32 to index
          %swap3A_736 = arith.constant 80 : index
          %swap3A_737 = tpu.vector_load %arg18[%swap3A_735, %swap3A_736] {strides = array<i32>} : memref<80x128xf32, #tpu.memory_space<vmem>>, vector<16xf32>,
          tpu.vector_store %arg18[%swap3A_735, %swap3A_736], %select_n3A_734 {strides = array<i32>} : memref<80x128xf32, #tpu.memory_space<vmem>>, vector<16xf32>,
          %get3A_738 = arith.index_cast %scan3A_632 : i32 to index
          %get3A_739 = arith.constant 96 : index
          %get3A_740 = tpu.vector_load %arg18[%get3A_738, %get3A_739] {strides = array<i32>} : memref<80x128xf32, #tpu.memory_space<vmem>>, vector<16xf32>,
          %get3A_741 = arith.index_cast %scan3A_632 : i32 to index
          %get3A_742 = arith.constant 96 : index
          %get3A_743 = tpu.vector_load %arg20[%get3A_741, %get3A_742] {strides = array<i32>} : memref<80x128xf32, #tpu.memory_space<vmem>>, vector<16xf32>,
          %add3A_744 = arith.addf %get3A_740, %get3A_743 : vector<16xf32>
          %max3A_745 = arith.constant 0.000000e+00 : f32
          %max3A_746 = vector.broadcast %max3A_745 : f32 to vector<16xf32>
          %max3A_747 = arith.maximumf %add3A_744, %max3A_746 : vector<16xf32>
          %get3A_748 = arith.constant 96 : index
          %get3A_749 = tpu.vector_load %arg24[%get3A_748] {strides = array<i32>} : memref<128xf32, #tpu.memory_space<vmem>>, vector<16xf32>,
          %mul3A_750 = arith.mulf %max3A_747, %get3A_749 : vector<16xf32>
          %select_n3A_751 = arith.select %eq3A_637, %mul3A_750, %get3A_740 : vector<16xi1>, vector<16xf32>
          %swap3A_752 = arith.index_cast %scan3A_632 : i32 to index
          %swap3A_753 = arith.constant 96 : index
          %swap3A_754 = tpu.vector_load %arg18[%swap3A_752, %swap3A_753] {strides = array<i32>} : memref<80x128xf32, #tpu.memory_space<vmem>>, vector<16xf32>,
          tpu.vector_store %arg18[%swap3A_752, %swap3A_753], %select_n3A_751 {strides = array<i32>} : memref<80x128xf32, #tpu.memory_space<vmem>>, vector<16xf32>,
          %get3A_755 = arith.index_cast %scan3A_632 : i32 to index
          %get3A_756 = arith.constant 112 : index
          %get3A_757 = tpu.vector_load %arg18[%get3A_755, %get3A_756] {strides = array<i32>} : memref<80x128xf32, #tpu.memory_space<vmem>>, vector<16xf32>,
          %get3A_758 = arith.index_cast %scan3A_632 : i32 to index
          %get3A_759 = arith.constant 112 : index
          %get3A_760 = tpu.vector_load %arg20[%get3A_758, %get3A_759] {strides = array<i32>} : memref<80x128xf32, #tpu.memory_space<vmem>>, vector<16xf32>,
          %add3A_761 = arith.addf %get3A_757, %get3A_760 : vector<16xf32>
          %max3A_762 = arith.constant 0.000000e+00 : f32
          %max3A_763 = vector.broadcast %max3A_762 : f32 to vector<16xf32>
          %max3A_764 = arith.maximumf %add3A_761, %max3A_763 : vector<16xf32>
          %get3A_765 = arith.constant 112 : index
          %get3A_766 = tpu.vector_load %arg24[%get3A_765] {strides = array<i32>} : memref<128xf32, #tpu.memory_space<vmem>>, vector<16xf32>,
          %mul3A_767 = arith.mulf %max3A_764, %get3A_766 : vector<16xf32>
          %select_n3A_768 = arith.select %eq3A_637, %mul3A_767, %get3A_757 : vector<16xi1>, vector<16xf32>
          %swap3A_769 = arith.index_cast %scan3A_632 : i32 to index
          %swap3A_770 = arith.constant 112 : index
          %swap3A_771 = tpu.vector_load %arg18[%swap3A_769, %swap3A_770] {strides = array<i32>} : memref<80x128xf32, #tpu.memory_space<vmem>>, vector<16xf32>,
          tpu.vector_store %arg18[%swap3A_769, %swap3A_770], %select_n3A_768 {strides = array<i32>} : memref<80x128xf32, #tpu.memory_space<vmem>>, vector<16xf32>,
          %scan3A_772 = arith.constant 0 : i32
          scf.yield %scan3A_772 : i32
        }
        %scan3A_631 = arith.constant 80 : i32
      } else {
      }
      %dma_wait3A_612 = tpu.memref_slice %arg4[%multiple_of3A_570] : memref<320000xi32, #tpu.memory_space<hbm>> -> memref<80xi32, #tpu.memory_space<hbm>>
      %dma_wait3A_613 = tpu.memref_slice %arg4[%multiple_of3A_570] : memref<320000xi32, #tpu.memory_space<hbm>> -> memref<80xi32, #tpu.memory_space<hbm>>
      tpu.wait_dma2 semaphore(%arg29 : memref<!tpu.dma_semaphore, #tpu.memory_space<semaphore_mem>>) src(%dma_wait3A_613 : memref<80xi32, #tpu.memory_space<hbm>>) dst(%arg14 : memref<80xi32, #tpu.memory_space<vmem>>)
      %dma_start3A_614 = arith.constant 0 : i32
      %dma_start3A_615 = arith.constant 0 : i32
      %dma_start3A_616 = tpu.memref_slice %arg25[%dma_start3A_614, %dma_start3A_615] : memref<10000x128xf32, #tpu.memory_space<vmem_shared>> -> memref<10000x128xf32, #tpu.memory_space<vmem_shared>>
      tpu.enqueue_indirect_dma source(%arg18 : memref<80x128xf32, #tpu.memory_space<vmem>>) target(%dma_start3A_616 : memref<10000x128xf32, #tpu.memory_space<vmem_shared>>) offsets(%arg14 : memref<80xi32, #tpu.memory_space<vmem>>) semaphore(%arg35 : memref<!tpu.dma_semaphore, #tpu.memory_space<semaphore_mem>>) {add = true}
      %add3A_617 = arith.constant 3 : i32
      %add3A_618 = arith.addi %mul3A_264, %add3A_617 : i32
      %lt3A_619 = arith.constant 125 : i32
      %lt3A_620 = arith.cmpi slt, %add3A_618, %lt3A_619 : i32
      %convert_element_type3A_621 = arith.extui %lt3A_620 : i1 to i32
      %cond3A_622 = arith.constant 0 : i32
      %cond3A_623 = arith.cmpi ne, %convert_element_type3A_621, %cond3A_622 : i32
      scf.if %cond3A_623 {
        %add3A_625 = arith.constant 3 : i32
        %add3A_626 = arith.addi %mul3A_264, %add3A_625 : i32
        %mul3A_627 = arith.constant 80 : i32
        %mul3A_628 = arith.muli %add3A, %mul3A_627 : i32
        %mul3A_629 = arith.constant 2560 : i32
        %mul3A_630 = arith.muli %add3A_626, %mul3A_629 : i32
        %add3A_631 = arith.addi %mul3A_628, %mul3A_630 : i32
        %multiple_of3A_632 = tpu.assume_multiple %add3A_631, 8 : i32
        %dma_start3A_633 = tpu.memref_slice %arg3[%multiple_of3A_632] : memref<320000xi32, #tpu.memory_space<hbm>> -> memref<80xi32, #tpu.memory_space<hbm>>
        %dma_start3A_634 = tpu.memref_slice %arg3[%multiple_of3A_632] : memref<320000xi32, #tpu.memory_space<hbm>> -> memref<80xi32, #tpu.memory_space<hbm>>
        tpu.enqueue_dma source(%dma_start3A_634 : memref<80xi32, #tpu.memory_space<hbm>>) target(%arg10 : memref<80xi32, #tpu.memory_space<vmem>>) target_semaphore(%arg27 : memref<!tpu.dma_semaphore, #tpu.memory_space<semaphore_mem>>)
        %dma_start3A_635 = tpu.memref_slice %arg5[%multiple_of3A_632] : memref<320000xi32, #tpu.memory_space<hbm>> -> memref<80xi32, #tpu.memory_space<hbm>>
        %dma_start3A_636 = tpu.memref_slice %arg5[%multiple_of3A_632] : memref<320000xi32, #tpu.memory_space<hbm>> -> memref<80xi32, #tpu.memory_space<hbm>>
        tpu.enqueue_dma source(%dma_start3A_636 : memref<80xi32, #tpu.memory_space<hbm>>) target(%arg12 : memref<80xi32, #tpu.memory_space<vmem>>) target_semaphore(%arg27 : memref<!tpu.dma_semaphore, #tpu.memory_space<semaphore_mem>>)
      } else {
      }
      %scan3A_624 = arith.constant 0 : i32
      scf.yield %scan3A_624 : i32
    }
    %scan3A_192 = arith.constant 62 : i32
    %dma_wait3A_193 = arith.constant 0 : i32
    %dma_wait3A_194 = arith.constant 0 : i32
    %dma_wait3A_195 = tpu.memref_slice %arg25[%dma_wait3A_193, %dma_wait3A_194] : memref<10000x128xf32, #tpu.memory_space<vmem_shared>> -> memref<10000x128xf32, #tpu.memory_space<vmem_shared>>
    tpu.wait_indirect_dma semaphore(%arg35 : memref<!tpu.dma_semaphore, #tpu.memory_space<semaphore_mem>>) src(%arg18 : memref<80x128xf32, #tpu.memory_space<vmem>>) dst(%dma_wait3A_195 : memref<10000x128xf32, #tpu.memory_space<vmem_shared>>)
    %mul3A_196 = arith.constant 80 : i32
    %mul3A_197 = arith.muli %add3A, %mul3A_196 : i32
    %add3A_198 = arith.constant 317440 : i32
    %add3A_199 = arith.addi %mul3A_197, %add3A_198 : i32
    %multiple_of3A_200 = tpu.assume_multiple %add3A_199, 8 : i32
    %dma_wait3A_201 = arith.constant 0 : i32
    %dma_wait3A_202 = arith.constant 0 : i32
    %dma_wait3A_203 = tpu.memref_slice %arg2[%dma_wait3A_201, %dma_wait3A_202] : memref<40000x128xf32, #tpu.memory_space<hbm>> -> memref<40000x128xf32, #tpu.memory_space<hbm>>
    tpu.wait_indirect_dma semaphore(%arg30 : memref<!tpu.dma_semaphore, #tpu.memory_space<semaphore_mem>>) src(%dma_wait3A_203 : memref<40000x128xf32, #tpu.memory_space<hbm>>) dst(%arg17 : memref<80x128xf32, #tpu.memory_space<vmem>>)
    %get3A_204 = arith.constant 0 : index
    %get3A_205 = tpu.vector_load %arg21[%get3A_204] {strides = array<i32>} : memref<32xi32, #tpu.memory_space<vmem>>, vector<16xi32>,
    %reduce_min3A_206 = arith.constant true
    %reduce_min3A_207 = vector.broadcast %reduce_min3A_206 : i1 to vector<16xi1>
    %reduce_min3A_208 = arith.constant -2147483648 : i32
    %reduce_min3A_209 = vector.broadcast %reduce_min3A_208 : i32 to vector<16xi32>
    %reduce_min3A_210 = arith.xori %get3A_205, %reduce_min3A_209 : vector<16xi32>
    %reduce_min3A_211 = tpu.scan <min>, %reduce_min3A_210 masked %reduce_min3A_207 : vector<16xi32>, vector<16xi1> -> vector<16xi32>
    %reduce_min3A_212 = arith.xori %reduce_min3A_211, %reduce_min3A_209 : vector<16xi32>
    %reduce_min3A_213 = vector.extract %reduce_min3A_212[15] : i32 from vector<16xi32>
    %get3A_214 = arith.constant 16 : index
    %get3A_215 = tpu.vector_load %arg21[%get3A_214] {strides = array<i32>} : memref<32xi32, #tpu.memory_space<vmem>>, vector<16xi32>,
    %reduce_max3A = arith.constant true
    %reduce_max3A_216 = vector.broadcast %reduce_max3A : i1 to vector<16xi1>
    %reduce_max3A_217 = arith.constant -2147483648 : i32
    %reduce_max3A_218 = vector.broadcast %reduce_max3A_217 : i32 to vector<16xi32>
    %reduce_max3A_219 = arith.xori %get3A_215, %reduce_max3A_218 : vector<16xi32>
    %reduce_max3A_220 = tpu.scan <max>, %reduce_max3A_219 masked %reduce_max3A_216 : vector<16xi32>, vector<16xi1> -> vector<16xi32>
    %reduce_max3A_221 = arith.xori %reduce_max3A_220, %reduce_max3A_218 : vector<16xi32>
    %reduce_max3A_222 = vector.extract %reduce_max3A_221[15] : i32 from vector<16xi32>
    %eq3A_223 = arith.constant 1 : i32
    %eq3A_224 = arith.cmpi eq, %reduce_min3A_213, %eq3A_223 : i32
    %convert_element_type3A_225 = arith.extui %eq3A_224 : i1 to i32
    %cond3A_226 = arith.constant 0 : i32
    %cond3A_227 = arith.cmpi ne, %convert_element_type3A_225, %cond3A_226 : i32
    scf.if %cond3A_227 {
      %dma_wait3A_261 = arith.constant 0 : i32
      %dma_wait3A_262 = tpu.memref_slice %arg6[%multiple_of3A_200, %dma_wait3A_261] : memref<320000x128xf32, #tpu.memory_space<hbm>> -> memref<80x128xf32, #tpu.memory_space<hbm>>
      %dma_wait3A_263 = arith.constant 0 : i32
      %dma_wait3A_264 = tpu.memref_slice %arg6[%multiple_of3A_200, %dma_wait3A_263] : memref<320000x128xf32, #tpu.memory_space<hbm>> -> memref<80x128xf32, #tpu.memory_space<hbm>>
      tpu.wait_dma2 semaphore(%arg32 : memref<!tpu.dma_semaphore, #tpu.memory_space<semaphore_mem>>) src(%dma_wait3A_264 : memref<80x128xf32, #tpu.memory_space<hbm>>) dst(%arg19 : memref<80x128xf32, #tpu.memory_space<vmem>>)
    } else {
    }
    %eq3A_228 = arith.constant 1 : i32
    %eq3A_229 = arith.cmpi eq, %reduce_max3A_222, %eq3A_228 : i32
    %convert_element_type3A_230 = arith.extui %eq3A_229 : i1 to i32
    %cond3A_231 = arith.constant 0 : i32
    %cond3A_232 = arith.cmpi ne, %convert_element_type3A_230, %cond3A_231 : i32
    scf.if %cond3A_232 {
      %scan3A_261 = arith.constant 0 : i32
      %scan3A_262 = arith.constant 0 : i32
      %scan3A_263 = arith.constant 80 : i32
      %scan3A_264 = arith.addi %scan3A_262, %scan3A_263 : i32
      %scan3A_265 = arith.constant 1 : i32
      %scan3A_266 = scf.for %scan3A_268 = %scan3A_262 to %scan3A_264 step %scan3A_265 iter_args(%scan3A_269 = %scan3A_261) -> (i32)  : i32 {
        %get3A_270 = arith.index_cast %scan3A_268 : i32 to index
        %get3A_271 = arith.constant 0 : index
        %get3A_272 = tpu.vector_load %arg17[%get3A_270, %get3A_271] {strides = array<i32>} : memref<80x128xf32, #tpu.memory_space<vmem>>, vector<16xf32>,
        %get3A_273 = arith.index_cast %scan3A_268 : i32 to index
        %get3A_274 = arith.constant 0 : index
        %get3A_275 = tpu.vector_load %arg19[%get3A_273, %get3A_274] {strides = array<i32>} : memref<80x128xf32, #tpu.memory_space<vmem>>, vector<16xf32>,
        %add3A_276 = arith.addf %get3A_272, %get3A_275 : vector<16xf32>
        %max3A = arith.constant 0.000000e+00 : f32
        %max3A_277 = vector.broadcast %max3A : f32 to vector<16xf32>
        %max3A_278 = arith.maximumf %add3A_276, %max3A_277 : vector<16xf32>
        %get3A_279 = arith.constant 0 : index
        %get3A_280 = tpu.vector_load %arg24[%get3A_279] {strides = array<i32>} : memref<128xf32, #tpu.memory_space<vmem>>, vector<16xf32>,
        %mul3A_281 = arith.mulf %max3A_278, %get3A_280 : vector<16xf32>
        %swap3A_282 = arith.index_cast %scan3A_268 : i32 to index
        %swap3A_283 = arith.constant 0 : index
        %swap3A_284 = tpu.vector_load %arg17[%swap3A_282, %swap3A_283] {strides = array<i32>} : memref<80x128xf32, #tpu.memory_space<vmem>>, vector<16xf32>,
        tpu.vector_store %arg17[%swap3A_282, %swap3A_283], %mul3A_281 {strides = array<i32>} : memref<80x128xf32, #tpu.memory_space<vmem>>, vector<16xf32>,
        %get3A_285 = arith.index_cast %scan3A_268 : i32 to index
        %get3A_286 = arith.constant 16 : index
        %get3A_287 = tpu.vector_load %arg17[%get3A_285, %get3A_286] {strides = array<i32>} : memref<80x128xf32, #tpu.memory_space<vmem>>, vector<16xf32>,
        %get3A_288 = arith.index_cast %scan3A_268 : i32 to index
        %get3A_289 = arith.constant 16 : index
        %get3A_290 = tpu.vector_load %arg19[%get3A_288, %get3A_289] {strides = array<i32>} : memref<80x128xf32, #tpu.memory_space<vmem>>, vector<16xf32>,
        %add3A_291 = arith.addf %get3A_287, %get3A_290 : vector<16xf32>
        %max3A_292 = arith.constant 0.000000e+00 : f32
        %max3A_293 = vector.broadcast %max3A_292 : f32 to vector<16xf32>
        %max3A_294 = arith.maximumf %add3A_291, %max3A_293 : vector<16xf32>
        %get3A_295 = arith.constant 16 : index
        %get3A_296 = tpu.vector_load %arg24[%get3A_295] {strides = array<i32>} : memref<128xf32, #tpu.memory_space<vmem>>, vector<16xf32>,
        %mul3A_297 = arith.mulf %max3A_294, %get3A_296 : vector<16xf32>
        %swap3A_298 = arith.index_cast %scan3A_268 : i32 to index
        %swap3A_299 = arith.constant 16 : index
        %swap3A_300 = tpu.vector_load %arg17[%swap3A_298, %swap3A_299] {strides = array<i32>} : memref<80x128xf32, #tpu.memory_space<vmem>>, vector<16xf32>,
        tpu.vector_store %arg17[%swap3A_298, %swap3A_299], %mul3A_297 {strides = array<i32>} : memref<80x128xf32, #tpu.memory_space<vmem>>, vector<16xf32>,
        %get3A_301 = arith.index_cast %scan3A_268 : i32 to index
        %get3A_302 = arith.constant 32 : index
        %get3A_303 = tpu.vector_load %arg17[%get3A_301, %get3A_302] {strides = array<i32>} : memref<80x128xf32, #tpu.memory_space<vmem>>, vector<16xf32>,
        %get3A_304 = arith.index_cast %scan3A_268 : i32 to index
        %get3A_305 = arith.constant 32 : index
        %get3A_306 = tpu.vector_load %arg19[%get3A_304, %get3A_305] {strides = array<i32>} : memref<80x128xf32, #tpu.memory_space<vmem>>, vector<16xf32>,
        %add3A_307 = arith.addf %get3A_303, %get3A_306 : vector<16xf32>
        %max3A_308 = arith.constant 0.000000e+00 : f32
        %max3A_309 = vector.broadcast %max3A_308 : f32 to vector<16xf32>
        %max3A_310 = arith.maximumf %add3A_307, %max3A_309 : vector<16xf32>
        %get3A_311 = arith.constant 32 : index
        %get3A_312 = tpu.vector_load %arg24[%get3A_311] {strides = array<i32>} : memref<128xf32, #tpu.memory_space<vmem>>, vector<16xf32>,
        %mul3A_313 = arith.mulf %max3A_310, %get3A_312 : vector<16xf32>
        %swap3A_314 = arith.index_cast %scan3A_268 : i32 to index
        %swap3A_315 = arith.constant 32 : index
        %swap3A_316 = tpu.vector_load %arg17[%swap3A_314, %swap3A_315] {strides = array<i32>} : memref<80x128xf32, #tpu.memory_space<vmem>>, vector<16xf32>,
        tpu.vector_store %arg17[%swap3A_314, %swap3A_315], %mul3A_313 {strides = array<i32>} : memref<80x128xf32, #tpu.memory_space<vmem>>, vector<16xf32>,
        %get3A_317 = arith.index_cast %scan3A_268 : i32 to index
        %get3A_318 = arith.constant 48 : index
        %get3A_319 = tpu.vector_load %arg17[%get3A_317, %get3A_318] {strides = array<i32>} : memref<80x128xf32, #tpu.memory_space<vmem>>, vector<16xf32>,
        %get3A_320 = arith.index_cast %scan3A_268 : i32 to index
        %get3A_321 = arith.constant 48 : index
        %get3A_322 = tpu.vector_load %arg19[%get3A_320, %get3A_321] {strides = array<i32>} : memref<80x128xf32, #tpu.memory_space<vmem>>, vector<16xf32>,
        %add3A_323 = arith.addf %get3A_319, %get3A_322 : vector<16xf32>
        %max3A_324 = arith.constant 0.000000e+00 : f32
        %max3A_325 = vector.broadcast %max3A_324 : f32 to vector<16xf32>
        %max3A_326 = arith.maximumf %add3A_323, %max3A_325 : vector<16xf32>
        %get3A_327 = arith.constant 48 : index
        %get3A_328 = tpu.vector_load %arg24[%get3A_327] {strides = array<i32>} : memref<128xf32, #tpu.memory_space<vmem>>, vector<16xf32>,
        %mul3A_329 = arith.mulf %max3A_326, %get3A_328 : vector<16xf32>
        %swap3A_330 = arith.index_cast %scan3A_268 : i32 to index
        %swap3A_331 = arith.constant 48 : index
        %swap3A_332 = tpu.vector_load %arg17[%swap3A_330, %swap3A_331] {strides = array<i32>} : memref<80x128xf32, #tpu.memory_space<vmem>>, vector<16xf32>,
        tpu.vector_store %arg17[%swap3A_330, %swap3A_331], %mul3A_329 {strides = array<i32>} : memref<80x128xf32, #tpu.memory_space<vmem>>, vector<16xf32>,
        %get3A_333 = arith.index_cast %scan3A_268 : i32 to index
        %get3A_334 = arith.constant 64 : index
        %get3A_335 = tpu.vector_load %arg17[%get3A_333, %get3A_334] {strides = array<i32>} : memref<80x128xf32, #tpu.memory_space<vmem>>, vector<16xf32>,
        %get3A_336 = arith.index_cast %scan3A_268 : i32 to index
        %get3A_337 = arith.constant 64 : index
        %get3A_338 = tpu.vector_load %arg19[%get3A_336, %get3A_337] {strides = array<i32>} : memref<80x128xf32, #tpu.memory_space<vmem>>, vector<16xf32>,
        %add3A_339 = arith.addf %get3A_335, %get3A_338 : vector<16xf32>
        %max3A_340 = arith.constant 0.000000e+00 : f32
        %max3A_341 = vector.broadcast %max3A_340 : f32 to vector<16xf32>
        %max3A_342 = arith.maximumf %add3A_339, %max3A_341 : vector<16xf32>
        %get3A_343 = arith.constant 64 : index
        %get3A_344 = tpu.vector_load %arg24[%get3A_343] {strides = array<i32>} : memref<128xf32, #tpu.memory_space<vmem>>, vector<16xf32>,
        %mul3A_345 = arith.mulf %max3A_342, %get3A_344 : vector<16xf32>
        %swap3A_346 = arith.index_cast %scan3A_268 : i32 to index
        %swap3A_347 = arith.constant 64 : index
        %swap3A_348 = tpu.vector_load %arg17[%swap3A_346, %swap3A_347] {strides = array<i32>} : memref<80x128xf32, #tpu.memory_space<vmem>>, vector<16xf32>,
        tpu.vector_store %arg17[%swap3A_346, %swap3A_347], %mul3A_345 {strides = array<i32>} : memref<80x128xf32, #tpu.memory_space<vmem>>, vector<16xf32>,
        %get3A_349 = arith.index_cast %scan3A_268 : i32 to index
        %get3A_350 = arith.constant 80 : index
        %get3A_351 = tpu.vector_load %arg17[%get3A_349, %get3A_350] {strides = array<i32>} : memref<80x128xf32, #tpu.memory_space<vmem>>, vector<16xf32>,
        %get3A_352 = arith.index_cast %scan3A_268 : i32 to index
        %get3A_353 = arith.constant 80 : index
        %get3A_354 = tpu.vector_load %arg19[%get3A_352, %get3A_353] {strides = array<i32>} : memref<80x128xf32, #tpu.memory_space<vmem>>, vector<16xf32>,
        %add3A_355 = arith.addf %get3A_351, %get3A_354 : vector<16xf32>
        %max3A_356 = arith.constant 0.000000e+00 : f32
        %max3A_357 = vector.broadcast %max3A_356 : f32 to vector<16xf32>
        %max3A_358 = arith.maximumf %add3A_355, %max3A_357 : vector<16xf32>
        %get3A_359 = arith.constant 80 : index
        %get3A_360 = tpu.vector_load %arg24[%get3A_359] {strides = array<i32>} : memref<128xf32, #tpu.memory_space<vmem>>, vector<16xf32>,
        %mul3A_361 = arith.mulf %max3A_358, %get3A_360 : vector<16xf32>
        %swap3A_362 = arith.index_cast %scan3A_268 : i32 to index
        %swap3A_363 = arith.constant 80 : index
        %swap3A_364 = tpu.vector_load %arg17[%swap3A_362, %swap3A_363] {strides = array<i32>} : memref<80x128xf32, #tpu.memory_space<vmem>>, vector<16xf32>,
        tpu.vector_store %arg17[%swap3A_362, %swap3A_363], %mul3A_361 {strides = array<i32>} : memref<80x128xf32, #tpu.memory_space<vmem>>, vector<16xf32>,
        %get3A_365 = arith.index_cast %scan3A_268 : i32 to index
        %get3A_366 = arith.constant 96 : index
        %get3A_367 = tpu.vector_load %arg17[%get3A_365, %get3A_366] {strides = array<i32>} : memref<80x128xf32, #tpu.memory_space<vmem>>, vector<16xf32>,
        %get3A_368 = arith.index_cast %scan3A_268 : i32 to index
        %get3A_369 = arith.constant 96 : index
        %get3A_370 = tpu.vector_load %arg19[%get3A_368, %get3A_369] {strides = array<i32>} : memref<80x128xf32, #tpu.memory_space<vmem>>, vector<16xf32>,
        %add3A_371 = arith.addf %get3A_367, %get3A_370 : vector<16xf32>
        %max3A_372 = arith.constant 0.000000e+00 : f32
        %max3A_373 = vector.broadcast %max3A_372 : f32 to vector<16xf32>
        %max3A_374 = arith.maximumf %add3A_371, %max3A_373 : vector<16xf32>
        %get3A_375 = arith.constant 96 : index
        %get3A_376 = tpu.vector_load %arg24[%get3A_375] {strides = array<i32>} : memref<128xf32, #tpu.memory_space<vmem>>, vector<16xf32>,
        %mul3A_377 = arith.mulf %max3A_374, %get3A_376 : vector<16xf32>
        %swap3A_378 = arith.index_cast %scan3A_268 : i32 to index
        %swap3A_379 = arith.constant 96 : index
        %swap3A_380 = tpu.vector_load %arg17[%swap3A_378, %swap3A_379] {strides = array<i32>} : memref<80x128xf32, #tpu.memory_space<vmem>>, vector<16xf32>,
        tpu.vector_store %arg17[%swap3A_378, %swap3A_379], %mul3A_377 {strides = array<i32>} : memref<80x128xf32, #tpu.memory_space<vmem>>, vector<16xf32>,
        %get3A_381 = arith.index_cast %scan3A_268 : i32 to index
        %get3A_382 = arith.constant 112 : index
        %get3A_383 = tpu.vector_load %arg17[%get3A_381, %get3A_382] {strides = array<i32>} : memref<80x128xf32, #tpu.memory_space<vmem>>, vector<16xf32>,
        %get3A_384 = arith.index_cast %scan3A_268 : i32 to index
        %get3A_385 = arith.constant 112 : index
        %get3A_386 = tpu.vector_load %arg19[%get3A_384, %get3A_385] {strides = array<i32>} : memref<80x128xf32, #tpu.memory_space<vmem>>, vector<16xf32>,
        %add3A_387 = arith.addf %get3A_383, %get3A_386 : vector<16xf32>
        %max3A_388 = arith.constant 0.000000e+00 : f32
        %max3A_389 = vector.broadcast %max3A_388 : f32 to vector<16xf32>
        %max3A_390 = arith.maximumf %add3A_387, %max3A_389 : vector<16xf32>
        %get3A_391 = arith.constant 112 : index
        %get3A_392 = tpu.vector_load %arg24[%get3A_391] {strides = array<i32>} : memref<128xf32, #tpu.memory_space<vmem>>, vector<16xf32>,
        %mul3A_393 = arith.mulf %max3A_390, %get3A_392 : vector<16xf32>
        %swap3A_394 = arith.index_cast %scan3A_268 : i32 to index
        %swap3A_395 = arith.constant 112 : index
        %swap3A_396 = tpu.vector_load %arg17[%swap3A_394, %swap3A_395] {strides = array<i32>} : memref<80x128xf32, #tpu.memory_space<vmem>>, vector<16xf32>,
        tpu.vector_store %arg17[%swap3A_394, %swap3A_395], %mul3A_393 {strides = array<i32>} : memref<80x128xf32, #tpu.memory_space<vmem>>, vector<16xf32>,
        %scan3A_397 = arith.constant 0 : i32
        scf.yield %scan3A_397 : i32
      }
      %scan3A_267 = arith.constant 80 : i32
    } else {
    }
    %eq3A_233 = arith.constant 1 : i32
    %eq3A_234 = arith.cmpi eq, %reduce_min3A_213, %eq3A_233 : i32
    %gt3A = arith.constant 1 : i32
    %gt3A_235 = arith.cmpi sgt, %reduce_max3A_222, %gt3A : i32
    %and3A = arith.andi %eq3A_234, %gt3A_235 : i1
    %convert_element_type3A_236 = arith.extui %and3A : i1 to i32
    %cond3A_237 = arith.constant 0 : i32
    %cond3A_238 = arith.cmpi ne, %convert_element_type3A_236, %cond3A_237 : i32
    scf.if %cond3A_238 {
      %scan3A_261 = arith.constant 0 : i32
      %scan3A_262 = arith.constant 0 : i32
      %scan3A_263 = arith.constant 80 : i32
      %scan3A_264 = arith.addi %scan3A_262, %scan3A_263 : i32
      %scan3A_265 = arith.constant 1 : i32
      %scan3A_266 = scf.for %scan3A_268 = %scan3A_262 to %scan3A_264 step %scan3A_265 iter_args(%scan3A_269 = %scan3A_261) -> (i32)  : i32 {
        %broadcast_in_dim3A_270 = vector.broadcast %scan3A_268 : i32 to vector<16xi32>
        %gather3A = tpu.vector_load_idx %arg11[%broadcast_in_dim3A_270] : memref<80xi32, #tpu.memory_space<vmem>>[vector<16xi32>], vector<16xi32>,
        %eq3A_271 = arith.constant 1 : i32
        %eq3A_272 = vector.broadcast %eq3A_271 : i32 to vector<16xi32>
        %eq3A_273 = arith.cmpi eq, %gather3A, %eq3A_272 : vector<16xi32>
        %get3A_274 = arith.index_cast %scan3A_268 : i32 to index
        %get3A_275 = arith.constant 0 : index
        %get3A_276 = tpu.vector_load %arg17[%get3A_274, %get3A_275] {strides = array<i32>} : memref<80x128xf32, #tpu.memory_space<vmem>>, vector<16xf32>,
        %get3A_277 = arith.index_cast %scan3A_268 : i32 to index
        %get3A_278 = arith.constant 0 : index
        %get3A_279 = tpu.vector_load %arg19[%get3A_277, %get3A_278] {strides = array<i32>} : memref<80x128xf32, #tpu.memory_space<vmem>>, vector<16xf32>,
        %add3A_280 = arith.addf %get3A_276, %get3A_279 : vector<16xf32>
        %max3A = arith.constant 0.000000e+00 : f32
        %max3A_281 = vector.broadcast %max3A : f32 to vector<16xf32>
        %max3A_282 = arith.maximumf %add3A_280, %max3A_281 : vector<16xf32>
        %get3A_283 = arith.constant 0 : index
        %get3A_284 = tpu.vector_load %arg24[%get3A_283] {strides = array<i32>} : memref<128xf32, #tpu.memory_space<vmem>>, vector<16xf32>,
        %mul3A_285 = arith.mulf %max3A_282, %get3A_284 : vector<16xf32>
        %select_n3A = arith.select %eq3A_273, %mul3A_285, %get3A_276 : vector<16xi1>, vector<16xf32>
        %swap3A_286 = arith.index_cast %scan3A_268 : i32 to index
        %swap3A_287 = arith.constant 0 : index
        %swap3A_288 = tpu.vector_load %arg17[%swap3A_286, %swap3A_287] {strides = array<i32>} : memref<80x128xf32, #tpu.memory_space<vmem>>, vector<16xf32>,
        tpu.vector_store %arg17[%swap3A_286, %swap3A_287], %select_n3A {strides = array<i32>} : memref<80x128xf32, #tpu.memory_space<vmem>>, vector<16xf32>,
        %get3A_289 = arith.index_cast %scan3A_268 : i32 to index
        %get3A_290 = arith.constant 16 : index
        %get3A_291 = tpu.vector_load %arg17[%get3A_289, %get3A_290] {strides = array<i32>} : memref<80x128xf32, #tpu.memory_space<vmem>>, vector<16xf32>,
        %get3A_292 = arith.index_cast %scan3A_268 : i32 to index
        %get3A_293 = arith.constant 16 : index
        %get3A_294 = tpu.vector_load %arg19[%get3A_292, %get3A_293] {strides = array<i32>} : memref<80x128xf32, #tpu.memory_space<vmem>>, vector<16xf32>,
        %add3A_295 = arith.addf %get3A_291, %get3A_294 : vector<16xf32>
        %max3A_296 = arith.constant 0.000000e+00 : f32
        %max3A_297 = vector.broadcast %max3A_296 : f32 to vector<16xf32>
        %max3A_298 = arith.maximumf %add3A_295, %max3A_297 : vector<16xf32>
        %get3A_299 = arith.constant 16 : index
        %get3A_300 = tpu.vector_load %arg24[%get3A_299] {strides = array<i32>} : memref<128xf32, #tpu.memory_space<vmem>>, vector<16xf32>,
        %mul3A_301 = arith.mulf %max3A_298, %get3A_300 : vector<16xf32>
        %select_n3A_302 = arith.select %eq3A_273, %mul3A_301, %get3A_291 : vector<16xi1>, vector<16xf32>
        %swap3A_303 = arith.index_cast %scan3A_268 : i32 to index
        %swap3A_304 = arith.constant 16 : index
        %swap3A_305 = tpu.vector_load %arg17[%swap3A_303, %swap3A_304] {strides = array<i32>} : memref<80x128xf32, #tpu.memory_space<vmem>>, vector<16xf32>,
        tpu.vector_store %arg17[%swap3A_303, %swap3A_304], %select_n3A_302 {strides = array<i32>} : memref<80x128xf32, #tpu.memory_space<vmem>>, vector<16xf32>,
        %get3A_306 = arith.index_cast %scan3A_268 : i32 to index
        %get3A_307 = arith.constant 32 : index
        %get3A_308 = tpu.vector_load %arg17[%get3A_306, %get3A_307] {strides = array<i32>} : memref<80x128xf32, #tpu.memory_space<vmem>>, vector<16xf32>,
        %get3A_309 = arith.index_cast %scan3A_268 : i32 to index
        %get3A_310 = arith.constant 32 : index
        %get3A_311 = tpu.vector_load %arg19[%get3A_309, %get3A_310] {strides = array<i32>} : memref<80x128xf32, #tpu.memory_space<vmem>>, vector<16xf32>,
        %add3A_312 = arith.addf %get3A_308, %get3A_311 : vector<16xf32>
        %max3A_313 = arith.constant 0.000000e+00 : f32
        %max3A_314 = vector.broadcast %max3A_313 : f32 to vector<16xf32>
        %max3A_315 = arith.maximumf %add3A_312, %max3A_314 : vector<16xf32>
        %get3A_316 = arith.constant 32 : index
        %get3A_317 = tpu.vector_load %arg24[%get3A_316] {strides = array<i32>} : memref<128xf32, #tpu.memory_space<vmem>>, vector<16xf32>,
        %mul3A_318 = arith.mulf %max3A_315, %get3A_317 : vector<16xf32>
        %select_n3A_319 = arith.select %eq3A_273, %mul3A_318, %get3A_308 : vector<16xi1>, vector<16xf32>
        %swap3A_320 = arith.index_cast %scan3A_268 : i32 to index
        %swap3A_321 = arith.constant 32 : index
        %swap3A_322 = tpu.vector_load %arg17[%swap3A_320, %swap3A_321] {strides = array<i32>} : memref<80x128xf32, #tpu.memory_space<vmem>>, vector<16xf32>,
        tpu.vector_store %arg17[%swap3A_320, %swap3A_321], %select_n3A_319 {strides = array<i32>} : memref<80x128xf32, #tpu.memory_space<vmem>>, vector<16xf32>,
        %get3A_323 = arith.index_cast %scan3A_268 : i32 to index
        %get3A_324 = arith.constant 48 : index
        %get3A_325 = tpu.vector_load %arg17[%get3A_323, %get3A_324] {strides = array<i32>} : memref<80x128xf32, #tpu.memory_space<vmem>>, vector<16xf32>,
        %get3A_326 = arith.index_cast %scan3A_268 : i32 to index
        %get3A_327 = arith.constant 48 : index
        %get3A_328 = tpu.vector_load %arg19[%get3A_326, %get3A_327] {strides = array<i32>} : memref<80x128xf32, #tpu.memory_space<vmem>>, vector<16xf32>,
        %add3A_329 = arith.addf %get3A_325, %get3A_328 : vector<16xf32>
        %max3A_330 = arith.constant 0.000000e+00 : f32
        %max3A_331 = vector.broadcast %max3A_330 : f32 to vector<16xf32>
        %max3A_332 = arith.maximumf %add3A_329, %max3A_331 : vector<16xf32>
        %get3A_333 = arith.constant 48 : index
        %get3A_334 = tpu.vector_load %arg24[%get3A_333] {strides = array<i32>} : memref<128xf32, #tpu.memory_space<vmem>>, vector<16xf32>,
        %mul3A_335 = arith.mulf %max3A_332, %get3A_334 : vector<16xf32>
        %select_n3A_336 = arith.select %eq3A_273, %mul3A_335, %get3A_325 : vector<16xi1>, vector<16xf32>
        %swap3A_337 = arith.index_cast %scan3A_268 : i32 to index
        %swap3A_338 = arith.constant 48 : index
        %swap3A_339 = tpu.vector_load %arg17[%swap3A_337, %swap3A_338] {strides = array<i32>} : memref<80x128xf32, #tpu.memory_space<vmem>>, vector<16xf32>,
        tpu.vector_store %arg17[%swap3A_337, %swap3A_338], %select_n3A_336 {strides = array<i32>} : memref<80x128xf32, #tpu.memory_space<vmem>>, vector<16xf32>,
        %get3A_340 = arith.index_cast %scan3A_268 : i32 to index
        %get3A_341 = arith.constant 64 : index
        %get3A_342 = tpu.vector_load %arg17[%get3A_340, %get3A_341] {strides = array<i32>} : memref<80x128xf32, #tpu.memory_space<vmem>>, vector<16xf32>,
        %get3A_343 = arith.index_cast %scan3A_268 : i32 to index
        %get3A_344 = arith.constant 64 : index
        %get3A_345 = tpu.vector_load %arg19[%get3A_343, %get3A_344] {strides = array<i32>} : memref<80x128xf32, #tpu.memory_space<vmem>>, vector<16xf32>,
        %add3A_346 = arith.addf %get3A_342, %get3A_345 : vector<16xf32>
        %max3A_347 = arith.constant 0.000000e+00 : f32
        %max3A_348 = vector.broadcast %max3A_347 : f32 to vector<16xf32>
        %max3A_349 = arith.maximumf %add3A_346, %max3A_348 : vector<16xf32>
        %get3A_350 = arith.constant 64 : index
        %get3A_351 = tpu.vector_load %arg24[%get3A_350] {strides = array<i32>} : memref<128xf32, #tpu.memory_space<vmem>>, vector<16xf32>,
        %mul3A_352 = arith.mulf %max3A_349, %get3A_351 : vector<16xf32>
        %select_n3A_353 = arith.select %eq3A_273, %mul3A_352, %get3A_342 : vector<16xi1>, vector<16xf32>
        %swap3A_354 = arith.index_cast %scan3A_268 : i32 to index
        %swap3A_355 = arith.constant 64 : index
        %swap3A_356 = tpu.vector_load %arg17[%swap3A_354, %swap3A_355] {strides = array<i32>} : memref<80x128xf32, #tpu.memory_space<vmem>>, vector<16xf32>,
        tpu.vector_store %arg17[%swap3A_354, %swap3A_355], %select_n3A_353 {strides = array<i32>} : memref<80x128xf32, #tpu.memory_space<vmem>>, vector<16xf32>,
        %get3A_357 = arith.index_cast %scan3A_268 : i32 to index
        %get3A_358 = arith.constant 80 : index
        %get3A_359 = tpu.vector_load %arg17[%get3A_357, %get3A_358] {strides = array<i32>} : memref<80x128xf32, #tpu.memory_space<vmem>>, vector<16xf32>,
        %get3A_360 = arith.index_cast %scan3A_268 : i32 to index
        %get3A_361 = arith.constant 80 : index
        %get3A_362 = tpu.vector_load %arg19[%get3A_360, %get3A_361] {strides = array<i32>} : memref<80x128xf32, #tpu.memory_space<vmem>>, vector<16xf32>,
        %add3A_363 = arith.addf %get3A_359, %get3A_362 : vector<16xf32>
        %max3A_364 = arith.constant 0.000000e+00 : f32
        %max3A_365 = vector.broadcast %max3A_364 : f32 to vector<16xf32>
        %max3A_366 = arith.maximumf %add3A_363, %max3A_365 : vector<16xf32>
        %get3A_367 = arith.constant 80 : index
        %get3A_368 = tpu.vector_load %arg24[%get3A_367] {strides = array<i32>} : memref<128xf32, #tpu.memory_space<vmem>>, vector<16xf32>,
        %mul3A_369 = arith.mulf %max3A_366, %get3A_368 : vector<16xf32>
        %select_n3A_370 = arith.select %eq3A_273, %mul3A_369, %get3A_359 : vector<16xi1>, vector<16xf32>
        %swap3A_371 = arith.index_cast %scan3A_268 : i32 to index
        %swap3A_372 = arith.constant 80 : index
        %swap3A_373 = tpu.vector_load %arg17[%swap3A_371, %swap3A_372] {strides = array<i32>} : memref<80x128xf32, #tpu.memory_space<vmem>>, vector<16xf32>,
        tpu.vector_store %arg17[%swap3A_371, %swap3A_372], %select_n3A_370 {strides = array<i32>} : memref<80x128xf32, #tpu.memory_space<vmem>>, vector<16xf32>,
        %get3A_374 = arith.index_cast %scan3A_268 : i32 to index
        %get3A_375 = arith.constant 96 : index
        %get3A_376 = tpu.vector_load %arg17[%get3A_374, %get3A_375] {strides = array<i32>} : memref<80x128xf32, #tpu.memory_space<vmem>>, vector<16xf32>,
        %get3A_377 = arith.index_cast %scan3A_268 : i32 to index
        %get3A_378 = arith.constant 96 : index
        %get3A_379 = tpu.vector_load %arg19[%get3A_377, %get3A_378] {strides = array<i32>} : memref<80x128xf32, #tpu.memory_space<vmem>>, vector<16xf32>,
        %add3A_380 = arith.addf %get3A_376, %get3A_379 : vector<16xf32>
        %max3A_381 = arith.constant 0.000000e+00 : f32
        %max3A_382 = vector.broadcast %max3A_381 : f32 to vector<16xf32>
        %max3A_383 = arith.maximumf %add3A_380, %max3A_382 : vector<16xf32>
        %get3A_384 = arith.constant 96 : index
        %get3A_385 = tpu.vector_load %arg24[%get3A_384] {strides = array<i32>} : memref<128xf32, #tpu.memory_space<vmem>>, vector<16xf32>,
        %mul3A_386 = arith.mulf %max3A_383, %get3A_385 : vector<16xf32>
        %select_n3A_387 = arith.select %eq3A_273, %mul3A_386, %get3A_376 : vector<16xi1>, vector<16xf32>
        %swap3A_388 = arith.index_cast %scan3A_268 : i32 to index
        %swap3A_389 = arith.constant 96 : index
        %swap3A_390 = tpu.vector_load %arg17[%swap3A_388, %swap3A_389] {strides = array<i32>} : memref<80x128xf32, #tpu.memory_space<vmem>>, vector<16xf32>,
        tpu.vector_store %arg17[%swap3A_388, %swap3A_389], %select_n3A_387 {strides = array<i32>} : memref<80x128xf32, #tpu.memory_space<vmem>>, vector<16xf32>,
        %get3A_391 = arith.index_cast %scan3A_268 : i32 to index
        %get3A_392 = arith.constant 112 : index
        %get3A_393 = tpu.vector_load %arg17[%get3A_391, %get3A_392] {strides = array<i32>} : memref<80x128xf32, #tpu.memory_space<vmem>>, vector<16xf32>,
        %get3A_394 = arith.index_cast %scan3A_268 : i32 to index
        %get3A_395 = arith.constant 112 : index
        %get3A_396 = tpu.vector_load %arg19[%get3A_394, %get3A_395] {strides = array<i32>} : memref<80x128xf32, #tpu.memory_space<vmem>>, vector<16xf32>,
        %add3A_397 = arith.addf %get3A_393, %get3A_396 : vector<16xf32>
        %max3A_398 = arith.constant 0.000000e+00 : f32
        %max3A_399 = vector.broadcast %max3A_398 : f32 to vector<16xf32>
        %max3A_400 = arith.maximumf %add3A_397, %max3A_399 : vector<16xf32>
        %get3A_401 = arith.constant 112 : index
        %get3A_402 = tpu.vector_load %arg24[%get3A_401] {strides = array<i32>} : memref<128xf32, #tpu.memory_space<vmem>>, vector<16xf32>,
        %mul3A_403 = arith.mulf %max3A_400, %get3A_402 : vector<16xf32>
        %select_n3A_404 = arith.select %eq3A_273, %mul3A_403, %get3A_393 : vector<16xi1>, vector<16xf32>
        %swap3A_405 = arith.index_cast %scan3A_268 : i32 to index
        %swap3A_406 = arith.constant 112 : index
        %swap3A_407 = tpu.vector_load %arg17[%swap3A_405, %swap3A_406] {strides = array<i32>} : memref<80x128xf32, #tpu.memory_space<vmem>>, vector<16xf32>,
        tpu.vector_store %arg17[%swap3A_405, %swap3A_406], %select_n3A_404 {strides = array<i32>} : memref<80x128xf32, #tpu.memory_space<vmem>>, vector<16xf32>,
        %scan3A_408 = arith.constant 0 : i32
        scf.yield %scan3A_408 : i32
      }
      %scan3A_267 = arith.constant 80 : i32
    } else {
    }
    %dma_wait3A_239 = tpu.memref_slice %arg4[%multiple_of3A_200] : memref<320000xi32, #tpu.memory_space<hbm>> -> memref<80xi32, #tpu.memory_space<hbm>>
    %dma_wait3A_240 = tpu.memref_slice %arg4[%multiple_of3A_200] : memref<320000xi32, #tpu.memory_space<hbm>> -> memref<80xi32, #tpu.memory_space<hbm>>
    tpu.wait_dma2 semaphore(%arg28 : memref<!tpu.dma_semaphore, #tpu.memory_space<semaphore_mem>>) src(%dma_wait3A_240 : memref<80xi32, #tpu.memory_space<hbm>>) dst(%arg13 : memref<80xi32, #tpu.memory_space<vmem>>)
    %dma_start3A_241 = arith.constant 0 : i32
    %dma_start3A_242 = arith.constant 0 : i32
    %dma_start3A_243 = tpu.memref_slice %arg25[%dma_start3A_241, %dma_start3A_242] : memref<10000x128xf32, #tpu.memory_space<vmem_shared>> -> memref<10000x128xf32, #tpu.memory_space<vmem_shared>>
    tpu.enqueue_indirect_dma source(%arg17 : memref<80x128xf32, #tpu.memory_space<vmem>>) target(%dma_start3A_243 : memref<10000x128xf32, #tpu.memory_space<vmem_shared>>) offsets(%arg13 : memref<80xi32, #tpu.memory_space<vmem>>) semaphore(%arg34 : memref<!tpu.dma_semaphore, #tpu.memory_space<semaphore_mem>>) {add = true}
    %dma_wait3A_244 = arith.constant 0 : i32
    %dma_wait3A_245 = arith.constant 0 : i32
    %dma_wait3A_246 = tpu.memref_slice %arg25[%dma_wait3A_244, %dma_wait3A_245] : memref<10000x128xf32, #tpu.memory_space<vmem_shared>> -> memref<10000x128xf32, #tpu.memory_space<vmem_shared>>
    tpu.wait_indirect_dma semaphore(%arg34 : memref<!tpu.dma_semaphore, #tpu.memory_space<semaphore_mem>>) src(%arg17 : memref<80x128xf32, #tpu.memory_space<vmem>>) dst(%dma_wait3A_246 : memref<10000x128xf32, #tpu.memory_space<vmem_shared>>)
    %barrier3A_247 = arith.constant 0 : index
    tpu.barrier barrier_id(%barrier3A_247)
    %add3A_248 = arith.constant 0 : i32
    %add3A_249 = arith.addi %arg1, %add3A_248 : i32
    %lt3A = arith.constant 125 : i32
    %lt3A_250 = arith.cmpi slt, %add3A_249, %lt3A : i32
    %convert_element_type3A_251 = arith.extui %lt3A_250 : i1 to i32
    %cond3A_252 = arith.constant 0 : i32
    %cond3A_253 = arith.cmpi ne, %convert_element_type3A_251, %cond3A_252 : i32
    scf.if %cond3A_253 {
      %mul3A_261 = arith.constant 80 : i32
      %mul3A_262 = arith.muli %add3A_249, %mul3A_261 : i32
      %multiple_of3A_263 = tpu.assume_multiple %mul3A_262, 8 : i32
      %dma_start3A_264 = arith.constant 0 : i32
      %dma_start3A_265 = tpu.memref_slice %arg25[%multiple_of3A_263, %dma_start3A_264] : memref<10000x128xf32, #tpu.memory_space<vmem_shared>> -> memref<80x128xf32, #tpu.memory_space<vmem_shared>>
      %dma_start3A_266 = arith.constant 0 : i32
      %dma_start3A_267 = tpu.memref_slice %arg25[%multiple_of3A_263, %dma_start3A_266] : memref<10000x128xf32, #tpu.memory_space<vmem_shared>> -> memref<80x128xf32, #tpu.memory_space<vmem_shared>>
      tpu.enqueue_dma source(%dma_start3A_267 : memref<80x128xf32, #tpu.memory_space<vmem_shared>>) target(%arg17 : memref<80x128xf32, #tpu.memory_space<vmem>>) target_semaphore(%arg30 : memref<!tpu.dma_semaphore, #tpu.memory_space<semaphore_mem>>)
    } else {
    }
    %scan3A_254 = arith.constant 0 : i32
    %scan3A_255 = arith.constant 0 : i32
    %scan3A_256 = arith.constant 4 : i32
    %scan3A_257 = arith.addi %scan3A_255, %scan3A_256 : i32
    %scan3A_258 = arith.constant 1 : i32
    %scan3A_259 = scf.for %scan3A_261 = %scan3A_255 to %scan3A_257 step %scan3A_258 iter_args(%scan3A_262 = %scan3A_254) -> (i32)  : i32 {
      %mul3A_263 = arith.constant 2 : i32
      %mul3A_264 = arith.muli %mul3A_263, %scan3A_261 : i32
      %add3A_265 = arith.constant 1 : i32
      %add3A_266 = arith.addi %mul3A_264, %add3A_265 : i32
      %mul3A_267 = arith.constant 16 : i32
      %mul3A_268 = arith.muli %mul3A_267, %add3A_266 : i32
      %add3A_269 = arith.addi %arg1, %mul3A_268 : i32
      %lt3A_270 = arith.constant 125 : i32
      %lt3A_271 = arith.cmpi slt, %add3A_269, %lt3A_270 : i32
      %convert_element_type3A_272 = arith.extui %lt3A_271 : i1 to i32
      %cond3A_273 = arith.constant 0 : i32
      %cond3A_274 = arith.cmpi ne, %convert_element_type3A_272, %cond3A_273 : i32
      scf.if %cond3A_274 {
        %mul3A_304 = arith.constant 80 : i32
        %mul3A_305 = arith.muli %add3A_269, %mul3A_304 : i32
        %multiple_of3A_306 = tpu.assume_multiple %mul3A_305, 8 : i32
        %dma_start3A_307 = arith.constant 0 : i32
        %dma_start3A_308 = tpu.memref_slice %arg25[%multiple_of3A_306, %dma_start3A_307] : memref<10000x128xf32, #tpu.memory_space<vmem_shared>> -> memref<80x128xf32, #tpu.memory_space<vmem_shared>>
        %dma_start3A_309 = arith.constant 0 : i32
        %dma_start3A_310 = tpu.memref_slice %arg25[%multiple_of3A_306, %dma_start3A_309] : memref<10000x128xf32, #tpu.memory_space<vmem_shared>> -> memref<80x128xf32, #tpu.memory_space<vmem_shared>>
        tpu.enqueue_dma source(%dma_start3A_310 : memref<80x128xf32, #tpu.memory_space<vmem_shared>>) target(%arg18 : memref<80x128xf32, #tpu.memory_space<vmem>>) target_semaphore(%arg31 : memref<!tpu.dma_semaphore, #tpu.memory_space<semaphore_mem>>)
      } else {
      }
      %mul3A_275 = arith.constant 16 : i32
      %mul3A_276 = arith.muli %mul3A_275, %mul3A_264 : i32
      %add3A_277 = arith.addi %arg1, %mul3A_276 : i32
      %lt3A_278 = arith.constant 125 : i32
      %lt3A_279 = arith.cmpi slt, %add3A_277, %lt3A_278 : i32
      %convert_element_type3A_280 = arith.extui %lt3A_279 : i1 to i32
      %cond3A_281 = arith.constant 0 : i32
      %cond3A_282 = arith.cmpi ne, %convert_element_type3A_280, %cond3A_281 : i32
      scf.if %cond3A_282 {
        %mul3A_304 = arith.constant 80 : i32
        %mul3A_305 = arith.muli %add3A_277, %mul3A_304 : i32
        %multiple_of3A_306 = tpu.assume_multiple %mul3A_305, 8 : i32
        %dma_wait3A_307 = arith.constant 0 : i32
        %dma_wait3A_308 = tpu.memref_slice %arg25[%multiple_of3A_306, %dma_wait3A_307] : memref<10000x128xf32, #tpu.memory_space<vmem_shared>> -> memref<80x128xf32, #tpu.memory_space<vmem_shared>>
        %dma_wait3A_309 = arith.constant 0 : i32
        %dma_wait3A_310 = tpu.memref_slice %arg25[%multiple_of3A_306, %dma_wait3A_309] : memref<10000x128xf32, #tpu.memory_space<vmem_shared>> -> memref<80x128xf32, #tpu.memory_space<vmem_shared>>
        tpu.wait_dma2 semaphore(%arg30 : memref<!tpu.dma_semaphore, #tpu.memory_space<semaphore_mem>>) src(%dma_wait3A_310 : memref<80x128xf32, #tpu.memory_space<vmem_shared>>) dst(%arg17 : memref<80x128xf32, #tpu.memory_space<vmem>>)
        "tpu.region"() ({
          %run_scoped3A = tpu.sem_alloc : memref<!tpu.dma_semaphore, #tpu.memory_space<semaphore_mem>>
          %dma_start3A_311 = arith.constant 0 : i32
          %dma_start3A_312 = tpu.memref_slice %arg8[%arg0, %multiple_of3A_306, %dma_start3A_311] : memref<2x10000x128xf32, #tpu.memory_space<hbm>> -> memref<1x80x128xf32, #tpu.memory_space<hbm>>
          %dma_start3A_313 = tpu.memref_squeeze %dma_start3A_312 : memref<1x80x128xf32, #tpu.memory_space<hbm>> -> memref<80x128xf32, #tpu.memory_space<hbm>>
          %dma_start3A_314 = arith.constant 0 : i32
          %dma_start3A_315 = tpu.memref_slice %arg8[%arg0, %multiple_of3A_306, %dma_start3A_314] : memref<2x10000x128xf32, #tpu.memory_space<hbm>> -> memref<1x80x128xf32, #tpu.memory_space<hbm>>
          %dma_start3A_316 = tpu.memref_squeeze %dma_start3A_315 : memref<1x80x128xf32, #tpu.memory_space<hbm>> -> memref<80x128xf32, #tpu.memory_space<hbm>>
          tpu.enqueue_dma source(%arg17 : memref<80x128xf32, #tpu.memory_space<vmem>>) target(%dma_start3A_316 : memref<80x128xf32, #tpu.memory_space<hbm>>) target_semaphore(%run_scoped3A : memref<!tpu.dma_semaphore, #tpu.memory_space<semaphore_mem>>)
          %dma_wait3A_317 = arith.constant 0 : i32
          %dma_wait3A_318 = tpu.memref_slice %arg8[%arg0, %multiple_of3A_306, %dma_wait3A_317] : memref<2x10000x128xf32, #tpu.memory_space<hbm>> -> memref<1x80x128xf32, #tpu.memory_space<hbm>>
          %dma_wait3A_319 = tpu.memref_squeeze %dma_wait3A_318 : memref<1x80x128xf32, #tpu.memory_space<hbm>> -> memref<80x128xf32, #tpu.memory_space<hbm>>
          %dma_wait3A_320 = arith.constant 0 : i32
          %dma_wait3A_321 = tpu.memref_slice %arg8[%arg0, %multiple_of3A_306, %dma_wait3A_320] : memref<2x10000x128xf32, #tpu.memory_space<hbm>> -> memref<1x80x128xf32, #tpu.memory_space<hbm>>
          %dma_wait3A_322 = tpu.memref_squeeze %dma_wait3A_321 : memref<1x80x128xf32, #tpu.memory_space<hbm>> -> memref<80x128xf32, #tpu.memory_space<hbm>>
          tpu.wait_dma2 semaphore(%run_scoped3A : memref<!tpu.dma_semaphore, #tpu.memory_space<semaphore_mem>>) src(%arg17 : memref<80x128xf32, #tpu.memory_space<vmem>>) dst(%dma_wait3A_322 : memref<80x128xf32, #tpu.memory_space<hbm>>)
          tpu.yield
        }) : () -> ()
      } else {
      }
      %add3A_283 = arith.constant 2 : i32
      %add3A_284 = arith.addi %mul3A_264, %add3A_283 : i32
      %mul3A_285 = arith.constant 16 : i32
      %mul3A_286 = arith.muli %mul3A_285, %add3A_284 : i32
      %add3A_287 = arith.addi %arg1, %mul3A_286 : i32
      %lt3A_288 = arith.constant 125 : i32
      %lt3A_289 = arith.cmpi slt, %add3A_287, %lt3A_288 : i32
      %convert_element_type3A_290 = arith.extui %lt3A_289 : i1 to i32
      %cond3A_291 = arith.constant 0 : i32
      %cond3A_292 = arith.cmpi ne, %convert_element_type3A_290, %cond3A_291 : i32
      scf.if %cond3A_292 {
        %mul3A_304 = arith.constant 80 : i32
        %mul3A_305 = arith.muli %add3A_287, %mul3A_304 : i32
        %multiple_of3A_306 = tpu.assume_multiple %mul3A_305, 8 : i32
        %dma_start3A_307 = arith.constant 0 : i32
        %dma_start3A_308 = tpu.memref_slice %arg25[%multiple_of3A_306, %dma_start3A_307] : memref<10000x128xf32, #tpu.memory_space<vmem_shared>> -> memref<80x128xf32, #tpu.memory_space<vmem_shared>>
        %dma_start3A_309 = arith.constant 0 : i32
        %dma_start3A_310 = tpu.memref_slice %arg25[%multiple_of3A_306, %dma_start3A_309] : memref<10000x128xf32, #tpu.memory_space<vmem_shared>> -> memref<80x128xf32, #tpu.memory_space<vmem_shared>>
        tpu.enqueue_dma source(%dma_start3A_310 : memref<80x128xf32, #tpu.memory_space<vmem_shared>>) target(%arg17 : memref<80x128xf32, #tpu.memory_space<vmem>>) target_semaphore(%arg30 : memref<!tpu.dma_semaphore, #tpu.memory_space<semaphore_mem>>)
      } else {
      }
      %add3A_293 = arith.constant 1 : i32
      %add3A_294 = arith.addi %mul3A_264, %add3A_293 : i32
      %mul3A_295 = arith.constant 16 : i32
      %mul3A_296 = arith.muli %mul3A_295, %add3A_294 : i32
      %add3A_297 = arith.addi %arg1, %mul3A_296 : i32
      %lt3A_298 = arith.constant 125 : i32
      %lt3A_299 = arith.cmpi slt, %add3A_297, %lt3A_298 : i32
      %convert_element_type3A_300 = arith.extui %lt3A_299 : i1 to i32
      %cond3A_301 = arith.constant 0 : i32
      %cond3A_302 = arith.cmpi ne, %convert_element_type3A_300, %cond3A_301 : i32
      scf.if %cond3A_302 {
        %mul3A_304 = arith.constant 80 : i32
        %mul3A_305 = arith.muli %add3A_297, %mul3A_304 : i32
        %multiple_of3A_306 = tpu.assume_multiple %mul3A_305, 8 : i32
        %dma_wait3A_307 = arith.constant 0 : i32
        %dma_wait3A_308 = tpu.memref_slice %arg25[%multiple_of3A_306, %dma_wait3A_307] : memref<10000x128xf32, #tpu.memory_space<vmem_shared>> -> memref<80x128xf32, #tpu.memory_space<vmem_shared>>
        %dma_wait3A_309 = arith.constant 0 : i32
        %dma_wait3A_310 = tpu.memref_slice %arg25[%multiple_of3A_306, %dma_wait3A_309] : memref<10000x128xf32, #tpu.memory_space<vmem_shared>> -> memref<80x128xf32, #tpu.memory_space<vmem_shared>>
        tpu.wait_dma2 semaphore(%arg31 : memref<!tpu.dma_semaphore, #tpu.memory_space<semaphore_mem>>) src(%dma_wait3A_310 : memref<80x128xf32, #tpu.memory_space<vmem_shared>>) dst(%arg18 : memref<80x128xf32, #tpu.memory_space<vmem>>)
        "tpu.region"() ({
          %run_scoped3A = tpu.sem_alloc : memref<!tpu.dma_semaphore, #tpu.memory_space<semaphore_mem>>
          %dma_start3A_311 = arith.constant 0 : i32
          %dma_start3A_312 = tpu.memref_slice %arg8[%arg0, %multiple_of3A_306, %dma_start3A_311] : memref<2x10000x128xf32, #tpu.memory_space<hbm>> -> memref<1x80x128xf32, #tpu.memory_space<hbm>>
          %dma_start3A_313 = tpu.memref_squeeze %dma_start3A_312 : memref<1x80x128xf32, #tpu.memory_space<hbm>> -> memref<80x128xf32, #tpu.memory_space<hbm>>
          %dma_start3A_314 = arith.constant 0 : i32
          %dma_start3A_315 = tpu.memref_slice %arg8[%arg0, %multiple_of3A_306, %dma_start3A_314] : memref<2x10000x128xf32, #tpu.memory_space<hbm>> -> memref<1x80x128xf32, #tpu.memory_space<hbm>>
          %dma_start3A_316 = tpu.memref_squeeze %dma_start3A_315 : memref<1x80x128xf32, #tpu.memory_space<hbm>> -> memref<80x128xf32, #tpu.memory_space<hbm>>
          tpu.enqueue_dma source(%arg18 : memref<80x128xf32, #tpu.memory_space<vmem>>) target(%dma_start3A_316 : memref<80x128xf32, #tpu.memory_space<hbm>>) target_semaphore(%run_scoped3A : memref<!tpu.dma_semaphore, #tpu.memory_space<semaphore_mem>>)
          %dma_wait3A_317 = arith.constant 0 : i32
          %dma_wait3A_318 = tpu.memref_slice %arg8[%arg0, %multiple_of3A_306, %dma_wait3A_317] : memref<2x10000x128xf32, #tpu.memory_space<hbm>> -> memref<1x80x128xf32, #tpu.memory_space<hbm>>
          %dma_wait3A_319 = tpu.memref_squeeze %dma_wait3A_318 : memref<1x80x128xf32, #tpu.memory_space<hbm>> -> memref<80x128xf32, #tpu.memory_space<hbm>>
          %dma_wait3A_320 = arith.constant 0 : i32
          %dma_wait3A_321 = tpu.memref_slice %arg8[%arg0, %multiple_of3A_306, %dma_wait3A_320] : memref<2x10000x128xf32, #tpu.memory_space<hbm>> -> memref<1x80x128xf32, #tpu.memory_space<hbm>>
          %dma_wait3A_322 = tpu.memref_squeeze %dma_wait3A_321 : memref<1x80x128xf32, #tpu.memory_space<hbm>> -> memref<80x128xf32, #tpu.memory_space<hbm>>
          tpu.wait_dma2 semaphore(%run_scoped3A : memref<!tpu.dma_semaphore, #tpu.memory_space<semaphore_mem>>) src(%arg18 : memref<80x128xf32, #tpu.memory_space<vmem>>) dst(%dma_wait3A_322 : memref<80x128xf32, #tpu.memory_space<hbm>>)
          tpu.yield
        }) : () -> ()
      } else {
      }
      %scan3A_303 = arith.constant 0 : i32
      scf.yield %scan3A_303 : i32
    }
    %scan3A_260 = arith.constant 4 : i32
    return
  }
}

module attributes {stable_mosaic.version = 14 : i64} {
  func.func @_build_tables_body(%arg0: i32, %arg1: memref<1000x128xf32, #tpu.memory_space<vmem>>, %arg2: memref<5x128xf32, #tpu.memory_space<vmem>>, %arg3: memref<4x1000x128xf32, #tpu.memory_space<vmem>>) attributes {dimension_semantics = [#tpu.dimension_semantics<arbitrary>], iteration_bounds = array<i64: 10>, scalar_prefetch = 0 : i64, scratch_operands = 0 : i64, tpu.core_type = #tpu.core_type<tc>, window_params = [{transform_indices = @transform_0, window_bounds = array<i64: 1000, 128>}, {pipeline_mode = #tpu.pipeline_mode<synchronous>, transform_indices = @transform_1, window_bounds = array<i64: 5, 128>}, {transform_indices = @transform_2, window_bounds = array<i64: 4, 1000, 128>}]} {
    %get3A = arith.constant 0 : index
    %get3A_0 = arith.constant 0 : index
    %get3A_1 = vector.load %arg1[%get3A, %get3A_0] : memref<1000x128xf32, #tpu.memory_space<vmem>>, vector<1000x128xf32>
    %max3A = arith.constant 0.000000e+00 : f32
    %max3A_2 = vector.broadcast %max3A : f32 to vector<1000x128xf32>
    %max3A_3 = arith.maximumf %get3A_1, %max3A_2 : vector<1000x128xf32>
    %swap3A = arith.constant 0 : index
    %swap3A_4 = arith.constant 0 : index
    %swap3A_5 = arith.constant 0 : index
    %swap3A_6 = vector.load %arg3[%swap3A, %swap3A_4, %swap3A_5] : memref<4x1000x128xf32, #tpu.memory_space<vmem>>, vector<1x1000x128xf32>
    %swap3A_7 = vector.shape_cast %swap3A_6 : vector<1x1000x128xf32> to vector<1000x128xf32>
    %swap3A_8 = vector.shape_cast %get3A_1 : vector<1000x128xf32> to vector<1x1000x128xf32>
    tpu.vector_store %arg3[%swap3A, %swap3A_4, %swap3A_5], %swap3A_8 {strides = array<i32>} : memref<4x1000x128xf32, #tpu.memory_space<vmem>>, vector<1x1000x128xf32>,
    %get3A_9 = arith.constant 2 : index
    %get3A_10 = arith.constant 0 : index
    %get3A_11 = vector.load %arg2[%get3A_9, %get3A_10] : memref<5x128xf32, #tpu.memory_space<vmem>>, vector<1x128xf32>
    %get3A_12 = vector.shape_cast %get3A_11 : vector<1x128xf32> to vector<128xf32>
    %add3A = arith.constant 1.000000e+00 : f32
    %add3A_13 = vector.broadcast %add3A : f32 to vector<128xf32>
    %add3A_14 = arith.addf %add3A_13, %get3A_12 : vector<128xf32>
    %broadcast_in_dim3A = vector.shape_cast %add3A_14 : vector<128xf32> to vector<1x128xf32>
    %mul3A = vector.broadcast %broadcast_in_dim3A : vector<1x128xf32> to vector<1000x128xf32>
    %mul3A_15 = arith.mulf %max3A_3, %mul3A : vector<1000x128xf32>
    %swap3A_16 = arith.constant 1 : index
    %swap3A_17 = arith.constant 0 : index
    %swap3A_18 = arith.constant 0 : index
    %swap3A_19 = vector.load %arg3[%swap3A_16, %swap3A_17, %swap3A_18] : memref<4x1000x128xf32, #tpu.memory_space<vmem>>, vector<1x1000x128xf32>
    %swap3A_20 = vector.shape_cast %swap3A_19 : vector<1x1000x128xf32> to vector<1000x128xf32>
    %swap3A_21 = vector.shape_cast %mul3A_15 : vector<1000x128xf32> to vector<1x1000x128xf32>
    tpu.vector_store %arg3[%swap3A_16, %swap3A_17, %swap3A_18], %swap3A_21 {strides = array<i32>} : memref<4x1000x128xf32, #tpu.memory_space<vmem>>, vector<1x1000x128xf32>,
    %get3A_22 = arith.constant 3 : index
    %get3A_23 = arith.constant 0 : index
    %get3A_24 = vector.load %arg2[%get3A_22, %get3A_23] : memref<5x128xf32, #tpu.memory_space<vmem>>, vector<1x128xf32>
    %get3A_25 = vector.shape_cast %get3A_24 : vector<1x128xf32> to vector<128xf32>
    %add3A_26 = arith.constant 1.000000e+00 : f32
    %add3A_27 = vector.broadcast %add3A_26 : f32 to vector<128xf32>
    %add3A_28 = arith.addf %add3A_27, %get3A_25 : vector<128xf32>
    %broadcast_in_dim3A_29 = vector.shape_cast %add3A_28 : vector<128xf32> to vector<1x128xf32>
    %mul3A_30 = vector.broadcast %broadcast_in_dim3A_29 : vector<1x128xf32> to vector<1000x128xf32>
    %mul3A_31 = arith.mulf %max3A_3, %mul3A_30 : vector<1000x128xf32>
    %swap3A_32 = arith.constant 2 : index
    %swap3A_33 = arith.constant 0 : index
    %swap3A_34 = arith.constant 0 : index
    %swap3A_35 = vector.load %arg3[%swap3A_32, %swap3A_33, %swap3A_34] : memref<4x1000x128xf32, #tpu.memory_space<vmem>>, vector<1x1000x128xf32>
    %swap3A_36 = vector.shape_cast %swap3A_35 : vector<1x1000x128xf32> to vector<1000x128xf32>
    %swap3A_37 = vector.shape_cast %mul3A_31 : vector<1000x128xf32> to vector<1x1000x128xf32>
    tpu.vector_store %arg3[%swap3A_32, %swap3A_33, %swap3A_34], %swap3A_37 {strides = array<i32>} : memref<4x1000x128xf32, #tpu.memory_space<vmem>>, vector<1x1000x128xf32>,
    %get3A_38 = arith.constant 4 : index
    %get3A_39 = arith.constant 0 : index
    %get3A_40 = vector.load %arg2[%get3A_38, %get3A_39] : memref<5x128xf32, #tpu.memory_space<vmem>>, vector<1x128xf32>
    %get3A_41 = vector.shape_cast %get3A_40 : vector<1x128xf32> to vector<128xf32>
    %add3A_42 = arith.constant 1.000000e+00 : f32
    %add3A_43 = vector.broadcast %add3A_42 : f32 to vector<128xf32>
    %add3A_44 = arith.addf %add3A_43, %get3A_41 : vector<128xf32>
    %broadcast_in_dim3A_45 = vector.shape_cast %add3A_44 : vector<128xf32> to vector<1x128xf32>
    %mul3A_46 = vector.broadcast %broadcast_in_dim3A_45 : vector<1x128xf32> to vector<1000x128xf32>
    %mul3A_47 = arith.mulf %max3A_3, %mul3A_46 : vector<1000x128xf32>
    %swap3A_48 = arith.constant 3 : index
    %swap3A_49 = arith.constant 0 : index
    %swap3A_50 = arith.constant 0 : index
    %swap3A_51 = vector.load %arg3[%swap3A_48, %swap3A_49, %swap3A_50] : memref<4x1000x128xf32, #tpu.memory_space<vmem>>, vector<1x1000x128xf32>
    %swap3A_52 = vector.shape_cast %swap3A_51 : vector<1x1000x128xf32> to vector<1000x128xf32>
    %swap3A_53 = vector.shape_cast %mul3A_47 : vector<1000x128xf32> to vector<1x1000x128xf32>
    tpu.vector_store %arg3[%swap3A_48, %swap3A_49, %swap3A_50], %swap3A_53 {strides = array<i32>} : memref<4x1000x128xf32, #tpu.memory_space<vmem>>, vector<1x1000x128xf32>,
    return
  }
  func.func @transform_0(%arg0: i32) -> (i32, i32) {
    %c0_i32 = arith.constant 0 : i32
    %c0_i32_0 = arith.constant 0 : i32
    return %arg0, %c0_i32 : i32, i32
  }
  func.func @transform_1(%arg0: i32) -> (i32, i32) {
    %c0_i32 = arith.constant 0 : i32
    %c0_i32_0 = arith.constant 0 : i32
    %c0_i32_1 = arith.constant 0 : i32
    return %c0_i32, %c0_i32_0 : i32, i32
  }
  func.func @transform_2(%arg0: i32) -> (i32, i32, i32) {
    %c0_i32 = arith.constant 0 : i32
    %c0_i32_0 = arith.constant 0 : i32
    %c0_i32_1 = arith.constant 0 : i32
    return %c0_i32, %arg0, %c0_i32_0 : i32, i32, i32
  }
}

module attributes {stable_mosaic.version = 14 : i64} {
  func.func @_mlp_head_body(%arg0: memref<10000x128xf32, #tpu.memory_space<vmem>>, %arg1: memref<2x10000x128xf32, #tpu.memory_space<vmem>>, %arg2: memref<5x128xf32, #tpu.memory_space<vmem>>, %arg3: memref<128x256xf32, #tpu.memory_space<vmem>>, %arg4: memref<256xf32, #tpu.memory_space<vmem>>, %arg5: memref<256xf32, #tpu.memory_space<vmem>>, %arg6: memref<256xf32, #tpu.memory_space<vmem>>, %arg7: memref<256x128xf32, #tpu.memory_space<vmem>>, %arg8: memref<128xf32, #tpu.memory_space<vmem>>, %arg9: memref<10000x128xf32, #tpu.memory_space<vmem>>) attributes {dimension_semantics = [], scalar_prefetch = 0 : i64, scratch_operands = 0 : i64, tpu.core_type = #tpu.core_type<tc>} {
    %get3A = arith.constant 0 : index
    %get3A_0 = arith.constant 0 : index
    %get3A_1 = vector.load %arg2[%get3A, %get3A_0] : memref<5x128xf32, #tpu.memory_space<vmem>>, vector<1x128xf32>
    %get3A_2 = vector.shape_cast %get3A_1 : vector<1x128xf32> to vector<128xf32>
    %add3A = arith.constant 1.000000e+00 : f32
    %add3A_3 = vector.broadcast %add3A : f32 to vector<128xf32>
    %add3A_4 = arith.addf %add3A_3, %get3A_2 : vector<128xf32>
    %broadcast_in_dim3A = vector.shape_cast %add3A_4 : vector<128xf32> to vector<1x128xf32>
    %get3A_5 = arith.constant 0 : index
    %get3A_6 = arith.constant 0 : index
    %get3A_7 = vector.load %arg0[%get3A_5, %get3A_6] : memref<10000x128xf32, #tpu.memory_space<vmem>>, vector<10000x128xf32>
    %mul3A = vector.broadcast %broadcast_in_dim3A : vector<1x128xf32> to vector<10000x128xf32>
    %mul3A_8 = arith.mulf %mul3A, %get3A_7 : vector<10000x128xf32>
    %get3A_9 = arith.constant 0 : index
    %get3A_10 = arith.constant 0 : index
    %get3A_11 = arith.constant 0 : index
    %get3A_12 = vector.load %arg1[%get3A_9, %get3A_10, %get3A_11] : memref<2x10000x128xf32, #tpu.memory_space<vmem>>, vector<1x10000x128xf32>
    %get3A_13 = vector.shape_cast %get3A_12 : vector<1x10000x128xf32> to vector<10000x128xf32>
    %add3A_14 = arith.addf %mul3A_8, %get3A_13 : vector<10000x128xf32>
    %get3A_15 = arith.constant 1 : index
    %get3A_16 = arith.constant 0 : index
    %get3A_17 = arith.constant 0 : index
    %get3A_18 = vector.load %arg1[%get3A_15, %get3A_16, %get3A_17] : memref<2x10000x128xf32, #tpu.memory_space<vmem>>, vector<1x10000x128xf32>
    %get3A_19 = vector.shape_cast %get3A_18 : vector<1x10000x128xf32> to vector<10000x128xf32>
    %add3A_20 = arith.addf %add3A_14, %get3A_19 : vector<10000x128xf32>
    %get3A_21 = arith.constant 0 : index
    %get3A_22 = arith.constant 0 : index
    %get3A_23 = vector.load %arg3[%get3A_21, %get3A_22] : memref<128x256xf32, #tpu.memory_space<vmem>>, vector<128x256xf32>
    %dot_general3A = arith.constant dense<0.000000e+00> : vector<10000x256xf32>
    %dot_general3A_24 = tpu.matmul %add3A_20, %get3A_23, %dot_general3A {dimension_numbers = #tpu.dot_dimension_numbers<[1], [0], [0], [1], [0, 0, 1, 1], [], []>, transpose_lhs_hint = false} : vector<10000x128xf32>, vector<128x256xf32>, vector<10000x256xf32> -> vector<10000x256xf32>
    %get3A_25 = arith.constant 0 : index
    %get3A_26 = vector.load %arg4[%get3A_25] : memref<256xf32, #tpu.memory_space<vmem>>, vector<256xf32>
    %broadcast_in_dim3A_27 = vector.shape_cast %get3A_26 : vector<256xf32> to vector<1x256xf32>
    %add3A_28 = vector.broadcast %broadcast_in_dim3A_27 : vector<1x256xf32> to vector<10000x256xf32>
    %add3A_29 = arith.addf %dot_general3A_24, %add3A_28 : vector<10000x256xf32>
    %reduce_sum3A = arith.constant dense<0.000000e+00> : vector<256xf32>
    %reduce_sum3A_30 = vector.multi_reduction <add>, %add3A_29, %reduce_sum3A [0] : vector<10000x256xf32> to vector<256xf32>
    %div3A = arith.constant 1.000000e+04 : f32
    %div3A_31 = vector.broadcast %div3A : f32 to vector<256xf32>
    %div3A_32 = arith.divf %reduce_sum3A_30, %div3A_31 : vector<256xf32>
    %broadcast_in_dim3A_33 = vector.shape_cast %div3A_32 : vector<256xf32> to vector<1x256xf32>
    %sub3A = vector.broadcast %broadcast_in_dim3A_33 : vector<1x256xf32> to vector<10000x256xf32>
    %sub3A_34 = arith.subf %add3A_29, %sub3A : vector<10000x256xf32>
    %integer_pow3A = arith.mulf %sub3A_34, %sub3A_34 : vector<10000x256xf32>
    %reduce_sum3A_35 = arith.constant dense<0.000000e+00> : vector<256xf32>
    %reduce_sum3A_36 = vector.multi_reduction <add>, %integer_pow3A, %reduce_sum3A_35 [0] : vector<10000x256xf32> to vector<256xf32>
    %div3A_37 = arith.constant 1.000000e+04 : f32
    %div3A_38 = vector.broadcast %div3A_37 : f32 to vector<256xf32>
    %div3A_39 = arith.divf %reduce_sum3A_36, %div3A_38 : vector<256xf32>
    %broadcast_in_dim3A_40 = vector.shape_cast %div3A_32 : vector<256xf32> to vector<1x256xf32>
    %sub3A_41 = vector.broadcast %broadcast_in_dim3A_40 : vector<1x256xf32> to vector<10000x256xf32>
    %sub3A_42 = arith.subf %add3A_29, %sub3A_41 : vector<10000x256xf32>
    %add3A_43 = arith.constant 9.99999974E-6 : f32
    %add3A_44 = vector.broadcast %add3A_43 : f32 to vector<256xf32>
    %add3A_45 = arith.addf %div3A_39, %add3A_44 : vector<256xf32>
    %sqrt3A = math.sqrt %add3A_45 : vector<256xf32>
    %broadcast_in_dim3A_46 = vector.shape_cast %sqrt3A : vector<256xf32> to vector<1x256xf32>
    %div3A_47 = vector.broadcast %broadcast_in_dim3A_46 : vector<1x256xf32> to vector<10000x256xf32>
    %div3A_48 = arith.divf %sub3A_42, %div3A_47 : vector<10000x256xf32>
    %get3A_49 = arith.constant 0 : index
    %get3A_50 = vector.load %arg5[%get3A_49] : memref<256xf32, #tpu.memory_space<vmem>>, vector<256xf32>
    %broadcast_in_dim3A_51 = vector.shape_cast %get3A_50 : vector<256xf32> to vector<1x256xf32>
    %mul3A_52 = vector.broadcast %broadcast_in_dim3A_51 : vector<1x256xf32> to vector<10000x256xf32>
    %mul3A_53 = arith.mulf %div3A_48, %mul3A_52 : vector<10000x256xf32>
    %get3A_54 = arith.constant 0 : index
    %get3A_55 = vector.load %arg6[%get3A_54] : memref<256xf32, #tpu.memory_space<vmem>>, vector<256xf32>
    %broadcast_in_dim3A_56 = vector.shape_cast %get3A_55 : vector<256xf32> to vector<1x256xf32>
    %add3A_57 = vector.broadcast %broadcast_in_dim3A_56 : vector<1x256xf32> to vector<10000x256xf32>
    %add3A_58 = arith.addf %mul3A_53, %add3A_57 : vector<10000x256xf32>
    %max3A = arith.constant 0.000000e+00 : f32
    %max3A_59 = vector.broadcast %max3A : f32 to vector<10000x256xf32>
    %max3A_60 = arith.maximumf %add3A_58, %max3A_59 : vector<10000x256xf32>
    %get3A_61 = arith.constant 0 : index
    %get3A_62 = arith.constant 0 : index
    %get3A_63 = vector.load %arg7[%get3A_61, %get3A_62] : memref<256x128xf32, #tpu.memory_space<vmem>>, vector<256x128xf32>
    %dot_general3A_64 = arith.constant dense<0.000000e+00> : vector<10000x128xf32>
    %dot_general3A_65 = tpu.matmul %max3A_60, %get3A_63, %dot_general3A_64 {dimension_numbers = #tpu.dot_dimension_numbers<[1], [0], [0], [1], [0, 0, 1, 1], [], []>, transpose_lhs_hint = false} : vector<10000x256xf32>, vector<256x128xf32>, vector<10000x128xf32> -> vector<10000x128xf32>
    %get3A_66 = arith.constant 0 : index
    %get3A_67 = vector.load %arg8[%get3A_66] : memref<128xf32, #tpu.memory_space<vmem>>, vector<128xf32>
    %broadcast_in_dim3A_68 = vector.shape_cast %get3A_67 : vector<128xf32> to vector<1x128xf32>
    %add3A_69 = vector.broadcast %broadcast_in_dim3A_68 : vector<1x128xf32> to vector<10000x128xf32>
    %add3A_70 = arith.addf %dot_general3A_65, %add3A_69 : vector<10000x128xf32>
    %swap3A = arith.constant 0 : index
    %swap3A_71 = arith.constant 0 : index
    %swap3A_72 = vector.load %arg9[%swap3A, %swap3A_71] : memref<10000x128xf32, #tpu.memory_space<vmem>>, vector<10000x128xf32>
    tpu.vector_store %arg9[%swap3A, %swap3A_71], %add3A_70 {strides = array<i32>} : memref<10000x128xf32, #tpu.memory_space<vmem>>, vector<10000x128xf32>,
    return
  }
}

</mosaic_0001>

<sc_bundles>
// kernel: kernel.5.cloned.1.call-start
scs
__scs_entry_jumppad:
0x0: {  	(pc) =	sbr.rel $0x88, $3  }
0x1: {  	(tag) =	ssettag $0x0;
	lr =	simm.s32 $0x1  }
0x2: {  	[smem:$0x3F96] =	sst lr;
	_ =	strace $0xD0000000  }
0x3: {  	_ = 	snop  }
0x4: {  	_ = 	snop  }
0x5: {  	_ = 	snop  }
0x6: {  	_ = 	snop  }
0x7: {  	_ = 	snop  }
__scs_overlays_trampoline_lowered:
0x8: {  	[smem:$0x3FA5] =	sst s0  }
0x9: {  	[smem:$0x3FA6] =	sst s1  }
0xa: {  	[smem:$0x3FA7] =	sst s2  }
0xb: {  	[smem:$0x3FA8] =	sst s3  }
0xc: {  	[smem:$0x3FA9] =	sst s4  }
0xd: {  	[smem:$0x3FAA] =	sst s5  }
0xe: {  	[smem:$0x3FAB] =	sst s6  }
0xf: {  	[smem:$0x3FAC] =	sst s7  }
0x10: {  	[smem:$0x3FAD] =	sst s8  }
0x11: {  	[smem:$0x3FAE] =	sst s9;
	s0 =	simm.s32 @!p0 $0x0  }
0x12: {  	s1 =	sld [smem:$0x3F94];
	s0 =	simm.s32 @p0 $0x1  }
0x13: {  	[smem:$0x3FAF] =	sst s0;
	s0 =	simm.s32 @!p1 $0x0  }
0x14: {  	s2 =	sld [smem:$0x3F93];
	s0 =	simm.s32 @p1 $0x1  }
0x15: {  	[smem:$0x3FB0] =	sst s0;
	s0 =	simm.s32 @!p2 $0x0  }
0x16: {  	s3 =	sld [smem:$0x3FDB];
	s0 =	simm.s32 @p2 $0x1  }
0x17: {  	s4 =	simm.s32 $0x1BF5;
	[smem:$0x3FB2] =	sst s0  }
0x18: {  	s0 =	sld [smem:$0x3F95];
	_ =	swait.ge [sflag:s4], $0x0  }
0x19: {  	s7 =	sld [smem:$0x3F96]  }
0x1a: {  	s8 =	sadd.s32 $0xFFFFE003, lr  }
0x1b: {  	s9 =	sadd.s32 $0xFFFFFEF7, lr;
	s5 =	simm.s32 $0xFFFFFFFF;
	p2 =	slt.u32 s8, $0xFFFFF086  }
0x1c: {  	p1 =	slt.u32 s9, $0xF7A;
	s5 =	simm.s32 @!p2 $0x0  }
0x1d: {  	s5 =	simm.s32 @p1 $0x1;
	p0 =	seq.s32 s7, s2  }
0x1e: {  	s7 =	smul.u32 @!p0 $0xF7A, s2;
	p2 =	seq.s32 @!p0 s5, $0x0  }
0x1f: {  	s9 =	smul.u32 $0xF7A, s1;
	s8 =	simm.s32 @!p0 $0x1BF5;
	p2 =	por !p2, p0  }
0x20: {  	[sflag:s8] =	ssyncset.s32 @!p0 $0xFFFFF086;
	s6 =	sadd.s32 @!p0 s3, s7;
	s7 =	simm.s32 @!p0 $0x108  }
0x21: {  	s3 =	sadd.s32 s3, s9;
	s6 =	sadd.s32 @!p0 $0x88, s6;
	s7 =	simm.s32 @p2 $0x1082  }
0x22: {  	[simem:s7], [sflag:s8] =	dma.local @!p0 [hbm:s6], $0xF7A  }
0x23: {  	s9 =	sor.u32 $0xD0000000, s2;
	s6 =	simm.s32 $0x108;
	_ =	swait.ge @!p0 [sflag:s8], $0x0  }
0x24: {  	s3 =	sadd.s32 $0x88, s3;
	s6 =	simm.s32 @!p1 $0x1082;
	[sflag:s4] =	ssyncset.s32 $0xFFFFF086  }
0x25: {  	[simem:s6], [sflag:s4] =	dma.local [hbm:s3], $0xF7A  }
0x26: {  	[smem:$0x3F96] =	sst s1;
	(tag) =	ssettag s2;
	_ =	strace s9  }
0x27: {  	s1 =	sld [smem:$0x3FA6]  }
0x28: {  	s2 =	sld [smem:$0x3FA7]  }
0x29: {  	s4 =	sld [smem:$0x3FA9]  }
0x2a: {  	p0 =	seq.s32 s5, $0x0;
	s5 =	sld [smem:$0x3FAA]  }
0x2b: {  	s6 =	sld [smem:$0x3FAB]  }
0x2c: {  	s7 =	sld [smem:$0x3FAC]  }
0x2d: {  	s3 =	simm.s32 $0x108;
	s8 =	sld [smem:$0x3FAD]  }
0x2e: {  	s3 =	simm.s32 @!p0 $0x1082;
	s9 =	sld [smem:$0x3FAE]  }
0x2f: {  	lr =	sadd.s32 s0, s3;
	s0 =	sld [smem:$0x3FA5]  }
0x30: {  	s3 =	sld [smem:$0x3FA8]  }
0x31: {  	[smem:$0x3FB1] =	sst s10  }
0x32: {  	s10 =	sld [smem:$0x3FAF];
	_ =	sdelay $0x3  }
0x33: {  	p0 =	seq.s32 s10, $0x1;
	s10 =	sld [smem:$0x3FB1];
	_ =	sdelay $0x3  }
0x34: {  	[smem:$0x3FB1] =	sst s10  }
0x35: {  	s10 =	sld [smem:$0x3FB0];
	_ =	sdelay $0x3  }
0x36: {  	p1 =	seq.s32 s10, $0x1;
	s10 =	sld [smem:$0x3FB1];
	_ =	sdelay $0x3  }
0x37: {  	[smem:$0x3FB1] =	sst s10  }
0x38: {  	s10 =	sld [smem:$0x3FB2]  }
0x39: {  	_ = 	snop;
	(pc) =	sbr.ind lr, $3  }
0x3a: {  	_ = 	snop  }
0x3b: {  	_ = 	snop  }
0x3c: {  	p2 =	seq.s32 s10, $0x1;
	s10 =	sld [smem:$0x3FB1]  }
0x3d: {  	_ =	shalt  }
0x3e: {  	_ =	shalt  }
0x3f: {  	_ =	shalt  }
0x40: {  	_ =	shalt  }
0x41: {  	_ =	shalt  }
0x42: {  	_ =	shalt  }
0x43: {  	_ =	shalt  }
0x44: {  	_ =	shalt  }
0x45: {  	_ =	shalt  }
0x46: {  	_ =	shalt  }
0x47: {  	_ =	shalt  }
0x48: {  	_ =	shalt  }
0x49: {  	_ =	shalt  }
0x4a: {  	_ =	shalt  }
0x4b: {  	_ =	shalt  }
0x4c: {  	_ =	shalt  }
0x4d: {  	_ =	shalt  }
0x4e: {  	_ =	shalt  }
0x4f: {  	_ =	shalt  }
0x50: {  	_ =	shalt  }
0x51: {  	_ =	shalt  }
0x52: {  	_ =	shalt  }
0x53: {  	_ =	shalt  }
0x54: {  	_ =	shalt  }
0x55: {  	_ =	shalt  }
0x56: {  	_ =	shalt  }
0x57: {  	_ =	shalt  }
0x58: {  	_ =	shalt  }
0x59: {  	_ =	shalt  }
0x5a: {  	_ =	shalt  }
0x5b: {  	_ =	shalt  }
0x5c: {  	_ =	shalt  }
0x5d: {  	_ =	shalt  }
0x5e: {  	_ =	shalt  }
0x5f: {  	_ =	shalt  }
0x60: {  	_ =	shalt  }
0x61: {  	_ =	shalt  }
0x62: {  	_ =	shalt  }
0x63: {  	_ =	shalt  }
0x64: {  	_ =	shalt  }
0x65: {  	_ =	shalt  }
0x66: {  	_ =	shalt  }
0x67: {  	_ =	shalt  }
0x68: {  	_ =	shalt  }
0x69: {  	_ =	shalt  }
0x6a: {  	_ =	shalt  }
0x6b: {  	_ =	shalt  }
0x6c: {  	_ =	shalt  }
0x6d: {  	_ =	shalt  }
0x6e: {  	_ =	shalt  }
0x6f: {  	_ =	shalt  }
0x70: {  	_ =	shalt  }
0x71: {  	_ =	shalt  }
0x72: {  	_ =	shalt  }
0x73: {  	_ =	shalt  }
0x74: {  	_ =	shalt  }
0x75: {  	_ =	shalt  }
0x76: {  	_ =	shalt  }
0x77: {  	_ =	shalt  }
0x78: {  	_ =	shalt  }
0x79: {  	_ =	shalt  }
0x7a: {  	_ =	shalt  }
0x7b: {  	_ =	shalt  }
0x7c: {  	_ =	shalt  }
0x7d: {  	_ =	shalt  }
0x7e: {  	_ =	shalt  }
0x7f: {  	_ =	shalt  }
0x80: {  	_ =	shalt  }
0x81: {  	_ =	shalt  }
0x82: {  	_ =	shalt  }
0x83: {  	_ =	shalt  }
0x84: {  	_ =	shalt  }
0x85: {  	_ =	shalt  }
0x86: {  	_ =	shalt  }
0x87: {  	_ =	shalt  }
.Lfunc_end0:
.L_simem_size_0:
called_computation_lowered:
.L_overlay_start_0:
0x88: {  	s2 =	sld [smem:$0x3FD9]  }
0x89: {  	s3 =	sld [smem:$0x3FFE];
	_ =	sdelay $0x1  }
0x8a: {  	s1 =	srdreg.scid  }
0x8b: {  	s0 =	sand.u32 $0x1, s1  }
0x8c: {  	s17 =	sshll.u32 s0, $0xA;
	s2 =	sadd.s32 s3, s2  }
0x8d: {  	s2 =	sadd.s32 s2, s17  }
0x8e: {  	[smem:$0x3FBD] =	sst s2  }
0x8f: {  	_ = 	snop  }
0x90: {  	s2 =	sld [smem:$0x3FC7]  }
0x91: {  	s18 =	sld [smem:$0x3FC6]  }
0x92: {  	s4 =	sld [smem:$0x3FC5]  }
0x93: {  	s5 =	sld [smem:$0x3FD0];
	(tm) =	ssettm $0x1  }
0x94: {  	s6 =	sld [smem:$0x3FFB];
	_ =	sdelay $0x3  }
0x95: {  	_ =	strace s6  }
0x96: {  	s6 =	sld [smem:$0x3FFC];
	_ =	sdelay $0x3  }
0x97: {  	_ =	strace s6  }
0x98: {  	s6 =	sld [smem:$0x3FFD];
	_ =	sdelay $0x3  }
0x99: {  	_ =	strace s6  }
0x9a: {  	_ =	strace $0x8FFFFFFF  }
0x9b: {  	s19 =	sld [smem:$0x3FDB];
	_ =	sdelay $0x1  }
0x9c: {  	s7 =	simm.s32 $_scs_section_size  }
0x9d: {  	s8 =	simm.s32 $_size__tile_overlayer_lowered;
	s9 =	simm.s32 $_tile_overlayer_lowered  }
0x9e: {  	s22 =	simm.s32 $0x1BFF;
	s21 =	sshll.u32 s9, $0x1;
	s6 =	sadd.s32 s7, s19  }
0x9f: {  	s10 =	simm.s32 $0x0;
	s20 =	sshll.u32 s8, $0x1;
	s8 =	sadd.s32 s21, s6  }
0xa0: {  	[timem:s10], [sflag:s22] =	dma.local [hbm:s8], s20  }
0xa1: {  	_ =	swait.ge [sflag:s22], s20  }
0xa2: {  	s7 =	ssub.s32 $0x0, s20;
	[sflag:s22] =	ssyncset.done $0x0  }
0xa3: {  	[sflag:s22] =	ssyncadd.s32 s7;
	_ =	sdelay $0x1  }
0xa4: {  	s23 =	simm.s32 $0x1B8B  }
0xa5: {  	_ =	swait.ge [sflag:s23], $0x1  }
0xa6: {  	[sflag:s23] =	ssyncset.done $0x0  }
0xa7: {  	s25 =	simm.s32 $0x1B8E;
	s24 =	sld [smem:$0x3FFE];
	[sflag:s23] =	ssyncadd.s32 $0xFFFFFFFF  }
0xa8: {  	s26 =	simm.s32 $execute0_lowered;
	[smem:$0x3FD2] =	sst s25  }
0xa9: {  	s8 =	sshll.u32 s26, $0x1;
	_ =	strace $0x80000046;
	[dreg:$0x1] =	wrdreg $0xFFFFFFFF  }
0xaa: {  	s28 =	simm.s32 $_size_execute0_lowered;
	s6 =	sadd.s32 s6, s8;
	[dreg:$0x0] =	wrdreg $0x0  }
0xab: {  	s8 =	sshll.u32 s28, $0x1;
	[dreg:$0x2] =	wrdreg s6  }
0xac: {  	[dreg:$0x3] =	wrdreg s8  }
0xad: {  	[dreg:$0x4] =	wrdreg $0xC0  }
0xae: {  	_ =	task [dreg:s10], $0x5FFFF  }
0xaf: {  	[dreg:$0x1] =	wrdreg $0xFFFFFFFF  }
0xb0: {  	[dreg:$0x0] =	wrdreg $0x60  }
0xb1: {  	[dreg:$0x2] =	wrdreg s24  }
0xb2: {  	[dreg:$0x3] =	wrdreg s5  }
0xb3: {  	[dreg:$0x4] =	wrdreg s2  }
0xb4: {  	[dreg:$0x5] =	wrdreg s18  }
0xb5: {  	[dreg:$0x6] =	wrdreg s4  }
0xb6: {  	[dreg:$0x7] =	wrdreg $0xA8000  }
0xb7: {  	[dreg:$0x8] =	wrdreg $0x9  }
0xb8: {  	_ =	task.clear_ibuf [dreg:s10], $0x9FFFF;
	_ =	strace $0x90000046  }
0xb9: {  	s29 =	simm.s32 $0x9;
	_ =	strace $0x80000048  }
0xba: {  	_ =	swait.ge [sflag:s29], $0x1  }
0xbb: {  	[sflag:s29] =	ssyncadd.s32 $0xFFFFFFFF  }
0xbc: {  	_ =	strace $0x90000048  }
0xbd: {  	_ =	sfence  }
0xbe: {  	s30 =	sld [smem:$0x0];
	_ =	sdelay $0x2  }
0xbf: {  	s31 =	sshll.u32 s1, $0xD;
	s1 =	sshrl.u32 s1, $0x2  }
0xc0: {  	s3 =	sand.u32 $0x4000, s31;
	s1 =	sadd.s32 s1, s30  }
0xc1: {  	s0 =	sor.u32 s3, s0;
	s1 =	sshll.u32 s1, $0x11  }
0xc2: {  	s0 =	sor.u32 s1, s0  }
0xc3: {  	s0 =	sadd.s32 $0x8F2B, s0  }
0xc4: {  	[sflag:s0] =	ssyncadd.remote.s32 $0x1  }
0xc5: {  	_ =	sfence.sel $0xFFFF  }
0xc6: {  	[dreg:$0x0] =	wrdreg $0xFFFFFFFF;
	(pc) =	sbr.abs _section_cstart, $3  }
0xc7: {  	[dreg:$0x1] =	wrdreg $0xFFFFFFFF  }
0xc8: {  	_ =	task.clear_ibuf [dreg:s10], $0x2FFFF;
	_ =	strace $0x9FFFFFFF  }
0xc9: {  	(tm) =	ssettm $0x7FFFFFFF  }
tec
execute0_lowered:
.L_overlay_start_1:
0x0: {  	(tag) =	ssettag $0x1  }
0x1: {  	s3 =	rddreg [dreg:$0x0]  }
0x2: {  	s0 =	rddreg [dreg:$0x1]  }
0x3: {  	s1 =	rddreg [dreg:$0x2]  }
0x4: {  	s2 =	rddreg [dreg:$0x3];
	s4 =	srdreg.scid  }
0x5: {  	s6 =	rddreg [dreg:$0x5];
	s23 =	stileid.u32;
	s7 =	simm.s32 $0x0  }
0x6: {  	s28 =	simm.s32 $0x1;
	s30 =	simm.s32 $0x50;
	s29 =	simm.s32 $0x4  }
0x7: {  	s4 =	sand.u32 $0x1, s4;
	[smem:$0x7FF] =	sst s7;
	s17 =	smul.u32 $0x2800, s23  }
0x8: {  	s12 =	sor.u32 $0x60, s23;
	s8 =	sadd.s32 $0xB000, s3;
	s10 =	smul.u32 $0x138800, s4  }
0x9: {  	s13 =	sor.u32 $0x70, s23;
	s9 =	sadd.s32 $0x1200, s3;
	s14 =	smul.u32 $0x2800, s12  }
0xa: {  	s3 =	sadd.s32 $0xA7400, s3;
	s16 =	sor.u32 $0x10, s23;
	s15 =	smul.u32 $0x2800, s13  }
0xb: {  	s20 =	sor.u32 $0x30, s23;
	s21 =	sor.u32 $0x50, s23;
	s19 =	smul.u32 $0x2800, s16  }
0xc: {  	s5 =	sshll.u32 s4, $0x4;
	_ =	strace $0x80000047;
	s25 =	smul.u32 $0x2800, s20  }
0xd: {  	s4 =	ssub.s32 $0x2, s4;
	s22 =	smul.u32 $0x2800, s21;
	s5 =	sor.u32 s23, s5  }
0xe: {  	p0 =	sgt.u32 s13, $0x7C;
	s18 =	sshrl.u32 s4, $0x1;
	s11 =	smul.u32 $0x50, s5  }
0xf: {  	s4 =	ssub.s32 s4, s18;
	s14 =	sadd.s32 s10, s14;
	s15 =	sadd.s32 s10, s15  }
0x10: {  	s17 =	sadd.s32 s10, s17;
	s19 =	sadd.s32 s10, s19;
	s18 =	sadd.s32 s10, s25  }
0x11: {  	s22 =	sadd.s32 s10, s22;
	s5 =	smul.u32 $0x500, s5;
	s14 =	sshrl.u32 s14, $0x3  }
0x12: {  	s26 =	sshrl.u32 s15, $0x3;
	s31 =	sshrl.u32 s17, $0x3;
	s4 =	smax.u32 s4, $0x1  }
0x13: {  	s15 =	sshrl.u32 s19, $0x3;
	s14 =	sadd.s32 s3, s14;
	[dreg:$0x14] =	wrdreg s4  }
0x14: {  	s18 =	sshrl.u32 s18, $0x3;
	s5 =	sadd.s32 s2, s5;
	[dreg:$0x7] =	wrdreg s14  }
0x15: {  	s19 =	sshrl.u32 s22, $0x3;
	s17 =	sadd.s32 s3, s31;
	[dreg:$0x12] =	wrdreg s5  }
0x16: {  	s24 =	sshrl.u32 s11, $0x3;
	s14 =	sadd.s32 s3, s26;
	[dreg:$0x9] =	wrdreg s17  }
0x17: {  	s10 =	sadd.s32 $0xA00, s11;
	s26 =	sadd.s32 s9, s24;
	[dreg:$0x8] =	wrdreg s14  }
0x18: {  	s22 =	sshrl.u32 s10, $0x3;
	s31 =	sadd.s32 s1, s24;
	[dreg:$0xf] =	wrdreg s26  }
0x19: {  	s14 =	sadd.s32 s3, s15;
	s25 =	sadd.s32 s9, s22;
	[dreg:$0x10] =	wrdreg s31  }
0x1a: {  	s15 =	sadd.s32 s0, s24;
	s26 =	smul.u32 $0xA000, s20;
	[dreg:$0xa] =	wrdreg s14  }
0x1b: {  	s24 =	sadd.s32 $0x1E00, s11;
	s31 =	smul.u32 $0xA000, s21;
	[dreg:$0xd] =	wrdreg s25  }
0x1c: {  	s14 =	sadd.s32 s3, s18;
	[dreg:$0x11] =	wrdreg s15;
	s18 =	smul.u32 $0xA000, s23  }
0x1d: {  	s3 =	sadd.s32 s3, s19;
	s19 =	smul.u32 $0xA000, s13;
	[dreg:$0xb] =	wrdreg s14  }
0x1e: {  	s23 =	sadd.s32 $0x1400, s11;
	[dreg:$0xc] =	wrdreg s3;
	s3 =	sadd.s32 s1, s22  }
0x1f: {  	s22 =	smul.u32 $0xA000, s16;
	s11 =	sshrl.u32 s26, $0x2;
	s13 =	sshrl.u32 s31, $0x2  }
0x20: {  	s26 =	sadd.s32 $0x14000, s17;
	[dreg:$0xe] =	wrdreg s3;
	s3 =	smul.u32 $0xA000, s12  }
0x21: {  	s12 =	sshrl.u32 s18, $0x2;
	s14 =	sadd.s32 s11, s6;
	[smem:$0x7FC] =	sst s26  }
0x22: {  	s5 =	sshrl.u32 s19, $0x2;
	s15 =	sadd.s32 s13, s6;
	[dreg:$0x18] =	wrdreg s14  }
0x23: {  	s26 =	simm.s32 $0x200;
	s4 =	sadd.s32 s5, s6;
	[dreg:$0x19] =	wrdreg s15  }
0x24: {  	s5 =	sshrl.u32 s22, $0x2;
	s22 =	sadd.s32 $0xA000, s17;
	[dreg:$0x16] =	wrdreg s4  }
0x25: {  	s13 =	simm.s32 $0x6;
	s25 =	sadd.s32 s12, s6;
	[dreg:$0x1f] =	wrdreg s22  }
0x26: {  	s14 =	simm.s32 $0x2C00;
	s16 =	sadd.s32 $0x28000, s25;
	[dreg:$0x13] =	wrdreg s25  }
0x27: {  	s15 =	simm.s32 $0x5;
	s18 =	sadd.s32 $0x50000, s25;
	[dreg:$0x1a] =	wrdreg s16  }
0x28: {  	s17 =	simm.s32 $0x9;
	s19 =	sadd.s32 $0x78000, s25;
	[dreg:$0x1b] =	wrdreg s18  }
0x29: {  	s3 =	sshrl.u32 s3, $0x2;
	s20 =	sadd.s32 $0xA0000, s25;
	[dreg:$0x1c] =	wrdreg s19  }
0x2a: {  	s21 =	sadd.s32 $0xC8000, s25;
	s31 =	sadd.s32 $0xF0000, s25;
	[dreg:$0x1d] =	wrdreg s20  }
.Ltmp0:
0x2b: {  	s22 =	simm.s32 $0x180;
	[dreg:$0x1e] =	wrdreg s21;
	(pc) =	sbr.rel .LBB2_1-.Ltmp0, $4  }
0x2c: {  	s4 =	simm.s32 $0x2;
	s3 =	sadd.s32 s3, s6;
	[smem:$0x7FD] =	sst s31  }
0x2d: {  	s18 =	simm.s32 $0xB;
	s19 =	simm.s32 $0x400;
	s20 =	simm.s32 $0x100  }
0x2e: {  	s16 =	simm.s32 $0x3;
	[dreg:$0x15] =	wrdreg s3;
	s3 =	sadd.s32 s5, s6  }
0x2f: {  	v0 =	vimm.f32 $0.0e+00;
	s21 =	simm.s32 $0x0;
	[dreg:$0x17] =	wrdreg s3;
	s3 =	simm.s32 $0x280  }
.LBB2_30:
0x30: {  	_ =	swait.ge [sflag:s16], $0x50  }
0x31: {  	[sflag:s16] =	ssyncset.done $0x0  }
0x32: {  	[sflag:s16] =	ssyncadd.s32 $0xFFFFFFB0  }
0x33: {  	[spmem:s6] =	stream.indirect.scatter.add.f32 [tilespmem:s19], [sflag:$0x9], $0x80, s26, s30, $0xb8;
	[tilespmem:$0x1E080] =	vst v63  }
0x34: {  	_ =	swait.ge [sflag:s17], $0x2800  }
0x35: {  	[sflag:s17] =	ssyncset.done $0x0  }
0x36: {  	[sflag:s17] =	ssyncadd.s32 $0xFFFFD800  }
0x37: {  	[bflag:$0x0] =	sbarrier.arrive $0xFFFF  }
0x38: {  	[tilespmem:s19], [sflag:$0x5] =	stream.linear.gather [spmem:s25], $0x2800, $0x38;
	[tilespmem:$0x1E080] =	vst v63  }
0x39: {  	s5 =	rddreg [dreg:$0x17]  }
0x3a: {  	[tilespmem:s14], [sflag:$0x6] =	stream.linear.gather [spmem:s5], $0x2800, $0x38;
	[tilespmem:$0x1E080] =	vst v63  }
0x3b: {  	_ =	swait.ge [sflag:s15], $0x2800  }
0x3c: {  	[sflag:s15] =	ssyncset.done $0x0  }
0x3d: {  	s12 =	rddreg [dreg:$0x9];
	[sflag:s15] =	ssyncadd.s32 $0xFFFFD800  }
0x3e: {  	[hbm4b:s12+s7] =	stream.linear.scatter [tilespmem:s19], [sflag:$0xC], $0x2800, $0x38;
	[tilespmem:$0x1E080] =	vst v63  }
0x3f: {  	s12 =	simm.s32 $0xC  }
0x40: {  	_ =	swait.ge [sflag:s12], $0x2800  }
0x41: {  	[sflag:s12] =	ssyncset.done $0x0  }
0x42: {  	s31 =	rddreg [dreg:$0x1b];
	[sflag:s12] =	ssyncadd.s32 $0xFFFFD800  }
0x43: {  	[tilespmem:s19], [sflag:$0x5] =	stream.linear.gather [spmem:s31], $0x2800, $0x38;
	[tilespmem:$0x1E080] =	vst v63  }
0x44: {  	_ =	swait.ge [sflag:s13], $0x2800  }
0x45: {  	[sflag:s13] =	ssyncset.done $0x0  }
0x46: {  	s11 =	rddreg [dreg:$0xa];
	[sflag:s13] =	ssyncadd.s32 $0xFFFFD800  }
0x47: {  	[hbm4b:s11+s7] =	stream.linear.scatter [tilespmem:s14], [sflag:$0xB], $0x2800, $0x38;
	[tilespmem:$0x1E080] =	vst v63  }
0x48: {  	_ =	swait.ge [sflag:s18], $0x2800  }
0x49: {  	[sflag:s18] =	ssyncset.done $0x0  }
0x4a: {  	s31 =	rddreg [dreg:$0x18];
	[sflag:s18] =	ssyncadd.s32 $0xFFFFD800  }
0x4b: {  	[tilespmem:s14], [sflag:$0x6] =	stream.linear.gather [spmem:s31], $0x2800, $0x38;
	[tilespmem:$0x1E080] =	vst v63  }
0x4c: {  	_ =	swait.ge [sflag:s15], $0x2800  }
0x4d: {  	[sflag:s15] =	ssyncset.done $0x0  }
0x4e: {  	s11 =	rddreg [dreg:$0x1f];
	[sflag:s15] =	ssyncadd.s32 $0xFFFFD800  }
0x4f: {  	[hbm4b:s11+s7] =	stream.linear.scatter [tilespmem:s19], [sflag:$0xC], $0x2800, $0x38;
	[tilespmem:$0x1E080] =	vst v63  }
0x50: {  	_ =	swait.ge [sflag:s12], $0x2800  }
0x51: {  	[sflag:s12] =	ssyncset.done $0x0  }
0x52: {  	s31 =	rddreg [dreg:$0x1d];
	[sflag:s12] =	ssyncadd.s32 $0xFFFFD800  }
0x53: {  	[tilespmem:s19], [sflag:$0x5] =	stream.linear.gather [spmem:s31], $0x2800, $0x38;
	[tilespmem:$0x1E080] =	vst v63  }
0x54: {  	_ =	swait.ge [sflag:s13], $0x2800  }
0x55: {  	[sflag:s13] =	ssyncset.done $0x0  }
0x56: {  	s11 =	rddreg [dreg:$0xb];
	[sflag:s13] =	ssyncadd.s32 $0xFFFFD800  }
0x57: {  	[hbm4b:s11+s7] =	stream.linear.scatter [tilespmem:s14], [sflag:$0xB], $0x2800, $0x38;
	[tilespmem:$0x1E080] =	vst v63  }
0x58: {  	_ =	swait.ge [sflag:s18], $0x2800  }
0x59: {  	[sflag:s18] =	ssyncset.done $0x0  }
0x5a: {  	s31 =	rddreg [dreg:$0x19];
	[sflag:s18] =	ssyncadd.s32 $0xFFFFD800  }
0x5b: {  	[tilespmem:s14], [sflag:$0x6] =	stream.linear.gather [spmem:s31], $0x2800, $0x38;
	[tilespmem:$0x1E080] =	vst v63  }
0x5c: {  	_ =	swait.ge [sflag:s15], $0x2800  }
0x5d: {  	s11 =	sld [smem:$0x7FC]  }
0x5e: {  	[sflag:s15] =	ssyncset.done $0x0  }
0x5f: {  	[sflag:s15] =	ssyncadd.s32 $0xFFFFD800  }
0x60: {  	[hbm4b:s11+s7] =	stream.linear.scatter [tilespmem:s19], [sflag:$0xC], $0x2800, $0x38;
	[tilespmem:$0x1E080] =	vst v63  }
0x61: {  	_ =	swait.ge [sflag:s12], $0x2800  }
0x62: {  	s31 =	sld [smem:$0x7FD]  }
0x63: {  	[sflag:s12] =	ssyncset.done $0x0  }
0x64: {  	[sflag:s12] =	ssyncadd.s32 $0xFFFFD800  }
0x65: {  	[tilespmem:s19], [sflag:$0x5] =	stream.linear.gather [spmem:s31], $0x2800, $0x38;
	[tilespmem:$0x1E080] =	vst v63  }
0x66: {  	_ =	swait.ge [sflag:s13], $0x2800  }
0x67: {  	[sflag:s13] =	ssyncset.done $0x0  }
0x68: {  	s11 =	rddreg [dreg:$0xc];
	[sflag:s13] =	ssyncadd.s32 $0xFFFFD800  }
0x69: {  	[hbm4b:s11+s7] =	stream.linear.scatter [tilespmem:s14], [sflag:$0xB], $0x2800, $0x38;
	[tilespmem:$0x1E080] =	vst v63  }
0x6a: {  	_ =	swait.ge [sflag:s18], $0x2800  }
0x6b: {  	[sflag:s18] =	ssyncset.done $0x0  }
0x6c: {  	s5 =	simm.s32 @!p0 $0x2C00;
	s11 =	rddreg [dreg:$0x16];
	[sflag:s18] =	ssyncadd.s32 $0xFFFFD800  }
0x6d: {  	[tilespmem:s5], [sflag:$0x6] =	stream.linear.gather @!p0 [spmem:s11], $0x2800, $0x38;
	[tilespmem:$0x1E080] =	vst v63  }
0x6e: {  	_ =	swait.ge [sflag:s15], $0x2800  }
0x6f: {  	[sflag:s15] =	ssyncset.done $0x0  }
0x70: {  	s31 =	rddreg [dreg:$0x7];
	[sflag:s15] =	ssyncadd.s32 $0xFFFFD800  }
0x71: {  	[hbm4b:s31+s7] =	stream.linear.scatter [tilespmem:s19], [sflag:$0xC], $0x2800, $0x38;
	[tilespmem:$0x1E080] =	vst v63  }
0x72: {  	_ =	swait.ge [sflag:s12], $0x2800  }
0x73: {  	[sflag:s12] =	ssyncset.done $0x0  }
0x74: {  	s11 =	simm.s32 @!p0 $0x6;
	[sflag:s12] =	ssyncadd.s32 $0xFFFFD800  }
0x75: {  	_ =	swait.ge @!p0 [sflag:s11], $0x2800  }
0x76: {  	[sflag:s11] =	ssyncset.done @!p0 $0x0  }
0x77: {  	s12 =	rddreg [dreg:$0x8];
	[sflag:s11] =	ssyncadd.s32 @!p0 $0xFFFFD800;
	s11 =	simm.s32 @!p0 $0x0  }
0x78: {  	[hbm4b:s12+s11] =	stream.linear.scatter @!p0 [tilespmem:s5], [sflag:$0xB], $0x2800, $0x38;
	[tilespmem:$0x1E080] =	vst v63  }
0x79: {  	s5 =	simm.s32 @!p0 $0xB  }
0x7a: {  	_ =	swait.ge @!p0 [sflag:s5], $0x2800  }
0x7b: {  	s21 =	sadd.s32 $0x1, s21;
	s31 =	rddreg [dreg:$0x14]  }
0x7c: {  	p1 =	sne.s32 s21, s31  }
.Ltmp1:
0x7d: {  	_ = 	snop;
	(pc) =	sbr.rel @!p1 .LBB2_31-.Ltmp1, $3  }
0x7e: {  	_ =	sdelay $0x1  }
0x7f: {  	[sflag:s5] =	ssyncset.done @!p0 $0x0  }
0x80: {  	[sflag:s5] =	ssyncadd.s32 @!p0 $0xFFFFD800  }
.LBB2_1:
0x81: {  	[smem:$0x7FB] =	sst s21  }
0x82: {  	s5 =	rddreg [dreg:$0x4];
	s11 =	simm.s32 $0xA500  }
0x83: {  	[tilespmem:s11], [sflag:$0xB] =	stream.linear.gather [hbm4b:s5+s7], $0x280, $0x38;
	[tilespmem:$0x1E080] =	vst v63  }
0x84: {  	_ =	swait.ge [sflag:s18], $0x280  }
0x85: {  	[sflag:s18] =	ssyncset.done $0x0  }
0x86: {  	[sflag:s18] =	ssyncadd.s32 $0xFFFFFD80  }
0x87: {  	v1 =	vld [tilespmem:$0xA580]  }
0x88: {  	v2 =	vld [tilespmem:$0xA590]  }
0x89: {  	v3 =	vld [tilespmem:$0xA5A0]  }
0x8a: {  	v4 =	vld [tilespmem:$0xA5B0]  }
0x8b: {  	v5 =	vld [tilespmem:$0xA5C0]  }
0x8c: {  	v6 =	vld [tilespmem:$0xA5D0];
	v1 =	vadd.f32 $1.000000000e+00, v1  }
0x8d: {  	v7 =	vld [tilespmem:$0xA5E0];
	v2 =	vadd.f32 $1.000000000e+00, v2  }
0x8e: {  	[tilespmem:$0xA780] =	vst v1;
	v1 =	vadd.f32 $1.000000000e+00, v3;
	v3 =	vld [tilespmem:$0xA5F0]  }
0x8f: {  	[tilespmem:$0xA790] =	vst v2;
	v2 =	vadd.f32 $1.000000000e+00, v4  }
0x90: {  	[tilespmem:$0xA7A0] =	vst v1;
	v1 =	vadd.f32 $1.000000000e+00, v5  }
0x91: {  	[tilespmem:$0xA7B0] =	vst v2;
	v2 =	vadd.f32 $1.000000000e+00, v6  }
0x92: {  	[tilespmem:$0xA7C0] =	vst v1;
	v1 =	vadd.f32 $1.000000000e+00, v7  }
0x93: {  	[tilespmem:$0xA7D0] =	vst v2;
	v2 =	vadd.f32 $1.000000000e+00, v3  }
0x94: {  	[tilespmem:$0xA7E0] =	vst v1  }
0x95: {  	s5 =	simm.s32 $0x0;
	s11 =	simm.s32 $0x200;
	[tilespmem:$0xA7F0] =	vst v2  }
.LBB2_2:
0x96: {  	p1 =	sne.s32 s11, $0x9E00;
	[tilespmem:s5+$0x470] =	vst v0  }
0x97: {  	[tilespmem:s5+$0x400] =	vst v0  }
0x98: {  	[tilespmem:s5+$0x410] =	vst v0  }
.Ltmp2:
0x99: {  	[tilespmem:s5+$0x420] =	vst v0;
	(pc) =	sbr.rel @p1 .LBB2_2-.Ltmp2, $4  }
0x9a: {  	[tilespmem:s5+$0x430] =	vst v0  }
0x9b: {  	[tilespmem:s5+$0x440] =	vst v0  }
0x9c: {  	[tilespmem:s5+$0x450] =	vst v0  }
0x9d: {  	[tilespmem:s5+$0x460] =	vst v0;
	s5 =	sshra.s32 s11, $0x2;
	s11 =	sadd.s32 $0x200, s11  }
0x9e: {  	[tilespmem:s5+$0x470] =	vst v0  }
0x9f: {  	[tilespmem:s5+$0x400] =	vst v0  }
0xa0: {  	[tilespmem:s5+$0x410] =	vst v0  }
0xa1: {  	[tilespmem:s5+$0x420] =	vst v0  }
0xa2: {  	[tilespmem:s5+$0x430] =	vst v0  }
0xa3: {  	[tilespmem:s5+$0x440] =	vst v0  }
0xa4: {  	[tilespmem:s5+$0x450] =	vst v0  }
0xa5: {  	[tilespmem:s5+$0x460] =	vst v0  }
0xa6: {  	[spmem:s25] =	stream.linear.scatter [tilespmem:s19], [sflag:$0xB], $0x2800, $0x38;
	[tilespmem:$0x1E080] =	vst v63  }
0xa7: {  	_ =	swait.ge [sflag:s18], $0x2800  }
0xa8: {  	[sflag:s18] =	ssyncset.done $0x0  }
0xa9: {  	s21 =	rddreg [dreg:$0x1a];
	[sflag:s18] =	ssyncadd.s32 $0xFFFFD800  }
0xaa: {  	[spmem:s21] =	stream.linear.scatter [tilespmem:s19], [sflag:$0xB], $0x2800, $0x38;
	[tilespmem:$0x1E080] =	vst v63  }
0xab: {  	_ =	swait.ge [sflag:s18], $0x2800  }
0xac: {  	[sflag:s18] =	ssyncset.done $0x0  }
0xad: {  	s25 =	rddreg [dreg:$0x1b];
	[sflag:s18] =	ssyncadd.s32 $0xFFFFD800  }
0xae: {  	[spmem:s25] =	stream.linear.scatter [tilespmem:s19], [sflag:$0xB], $0x2800, $0x38;
	[tilespmem:$0x1E080] =	vst v63  }
0xaf: {  	_ =	swait.ge [sflag:s18], $0x2800  }
0xb0: {  	[sflag:s18] =	ssyncset.done $0x0  }
0xb1: {  	s31 =	rddreg [dreg:$0x1c];
	[sflag:s18] =	ssyncadd.s32 $0xFFFFD800  }
0xb2: {  	[spmem:s31] =	stream.linear.scatter [tilespmem:s19], [sflag:$0xB], $0x2800, $0x38;
	[tilespmem:$0x1E080] =	vst v63  }
0xb3: {  	_ =	swait.ge [sflag:s18], $0x2800  }
0xb4: {  	[sflag:s18] =	ssyncset.done $0x0  }
0xb5: {  	s11 =	rddreg [dreg:$0x1d];
	[sflag:s18] =	ssyncadd.s32 $0xFFFFD800  }
0xb6: {  	[spmem:s11] =	stream.linear.scatter [tilespmem:s19], [sflag:$0xB], $0x2800, $0x38;
	[tilespmem:$0x1E080] =	vst v63  }
0xb7: {  	_ =	swait.ge [sflag:s18], $0x2800  }
0xb8: {  	[sflag:s18] =	ssyncset.done $0x0  }
0xb9: {  	s12 =	rddreg [dreg:$0x1e];
	[sflag:s18] =	ssyncadd.s32 $0xFFFFD800  }
0xba: {  	[spmem:s12] =	stream.linear.scatter [tilespmem:s19], [sflag:$0xB], $0x2800, $0x38;
	[tilespmem:$0x1E080] =	vst v63  }
0xbb: {  	_ =	swait.ge [sflag:s18], $0x2800  }
0xbc: {  	[sflag:s18] =	ssyncset.done $0x0  }
0xbd: {  	s21 =	rddreg [dreg:$0x15];
	[sflag:s18] =	ssyncadd.s32 $0xFFFFD800  }
0xbe: {  	[spmem:s21] =	stream.linear.scatter [tilespmem:s19], [sflag:$0xB], $0x2800, $0x38;
	[tilespmem:$0x1E080] =	vst v63  }
0xbf: {  	_ =	swait.ge [sflag:s18], $0x2800  }
0xc0: {  	[sflag:s18] =	ssyncset.done $0x0  }
0xc1: {  	s5 =	simm.s32 @!p0 $0x400;
	s11 =	rddreg [dreg:$0x16];
	[sflag:s18] =	ssyncadd.s32 $0xFFFFD800  }
0xc2: {  	[spmem:s11] =	stream.linear.scatter @!p0 [tilespmem:s5], [sflag:$0xB], $0x2800, $0x38;
	[tilespmem:$0x1E080] =	vst v63  }
0xc3: {  	s5 =	simm.s32 @!p0 $0xB  }
0xc4: {  	_ =	swait.ge @!p0 [sflag:s5], $0x2800  }
0xc5: {  	[sflag:s5] =	ssyncset.done @!p0 $0x0  }
0xc6: {  	[sflag:s5] =	ssyncadd.s32 @!p0 $0xFFFFD800  }
0xc7: {  	[bflag:$0x0] =	sbarrier.arrive $0xFFFF  }
0xc8: {  	s25 =	rddreg [dreg:$0xf]  }
0xc9: {  	[tilespmem:s7], [sflag:$0x1] =	stream.linear.gather [hbm4b:s25+s7], $0x50, $0x38;
	[tilespmem:$0x1E080] =	vst v63  }
0xca: {  	s31 =	rddreg [dreg:$0x10]  }
0xcb: {  	[tilespmem:s20], [sflag:$0x1] =	stream.linear.gather [hbm4b:s31+s7], $0x50, $0x38;
	[tilespmem:$0x1E080] =	vst v63  }
0xcc: {  	s12 =	simm.s32 $0x80;
	s11 =	rddreg [dreg:$0xd]  }
0xcd: {  	[tilespmem:s12], [sflag:$0x2] =	stream.linear.gather [hbm4b:s11+s7], $0x50, $0x38;
	[tilespmem:$0x1E080] =	vst v63  }
0xce: {  	s18 =	rddreg [dreg:$0xe]  }
0xcf: {  	[tilespmem:s22], [sflag:$0x2] =	stream.linear.gather [hbm4b:s18+s7], $0x50, $0x38;
	[tilespmem:$0x1E080] =	vst v63  }
0xd0: {  	s21 =	rddreg [dreg:$0x11]  }
0xd1: {  	[tilespmem:s26], [sflag:$0x3] =	stream.linear.gather [hbm4b:s21+s7], $0x50, $0x38;
	[tilespmem:$0x1E080] =	vst v63  }
0xd2: {  	_ =	swait.ge [sflag:s28], $0x50  }
0xd3: {  	[sflag:s28] =	ssyncset.done $0x0  }
0xd4: {  	[sflag:s28] =	ssyncadd.s32 $0xFFFFFFB0  }
0xd5: {  	_ =	swait.ge [sflag:s28], $0x50  }
0xd6: {  	[sflag:s28] =	ssyncset.done $0x0  }
0xd7: {  	[sflag:s28] =	ssyncadd.s32 $0xFFFFFFB0  }
0xd8: {  	v1 =	vld [tilespmem:$0x100];
	_ =	sdelay $0x4  }
0xd9: {  	v1 =	vxor.u32 $0x80000000, v1  }
0xda: {  	(xrf0) =	vmin.scan.msk.u32 $0xffff, v1;
	_ =	sdelay $0x5  }
0xdb: {  	v3 =	vld [tilespmem:$0x0];
	v2, _, _ =	vpop (xrf0)  }
0xdc: {  	v4 =	vld [tilespmem:$0x10];
	(v2sf) =	vpush v2, $0xF  }
0xdd: {  	v5 =	vld [tilespmem:$0x120]  }
0xde: {  	v6 =	vld [tilespmem:$0x20]  }
0xdf: {  	v7 =	vld [tilespmem:$0x130]  }
0xe0: {  	v1 =	vld [tilespmem:$0x100]  }
0xe1: {  	v2 =	vld [tilespmem:$0x110]  }
0xe2: {  	v62 =	vld [tilespmem:$0x100]  }
0xe3: {  	v63 =	vld [tilespmem:$0x140]  }
0xe4: {  	v8 =	vld [tilespmem:$0x140]  }
0xe5: {  	v9 =	vld [tilespmem:$0x30];
	v1 =	vmul.u32 $0x2710, v1  }
0xe6: {  	v10 =	vld [tilespmem:$0x40];
	v2 =	vmul.u32 $0x2710, v2  }
0xe7: {  	[tilespmem:$0xA400] =	vst v62;
	v1 =	vadd.s32 v3, v1;
	v3 =	vmul.u32 $0x2710, v5  }
0xe8: {  	v61 =	vmul.u32 $0x2710, v7;
	[tilespmem:$0xA410] =	vst v63;
	v1 =	vadd.s32 $0xFFFFD8F0, v1;
	v2 =	vadd.s32 v4, v2  }
0xe9: {  	[tilespmem:$0x300] =	vst v1;
	v1 =	vadd.s32 $0xFFFFD8F0, v2;
	v2 =	vadd.s32 v6, v3;
	v3 =	vmul.u32 $0x2710, v8  }
0xea: {  	[tilespmem:$0x310] =	vst v1;
	v1 =	vadd.s32 $0xFFFFD8F0, v2;
	v2 =	vadd.s32 v9, v61  }
0xeb: {  	[tilespmem:$0x320] =	vst v1;
	v1 =	vadd.s32 v10, v3;
	v2 =	vadd.s32 $0xFFFFD8F0, v2;
	s25 =	spop (v2sf)  }
0xec: {  	[tilespmem:$0x330] =	vst v2;
	v1 =	vadd.s32 $0xFFFFD8F0, v1;
	p1 =	sne.s32 s25, $0x80000001  }
0xed: {  	s12 =	rddreg [dreg:$0x12];
	[tilespmem:$0x340] =	vst v1;
	s5 =	simm.s32 @!p1 $0x0;
	s11 =	simm.s32 @!p1 $0x5400  }
0xee: {  	[tilespmem:s11], [sflag:$0x7] =	stream.linear.gather @!p1 [hbm4b:s12+s5], $0x2800, $0x38;
	[tilespmem:$0x1E080] =	vst v63  }
0xef: {  	s31 =	simm.s32 $0x300;
	s25 =	simm.s32 $0x0  }
0xf0: {  	[tilespmem:s19], [sflag:$0x5] =	stream.indirect.gather [hbm4b:s8+s30], $0x80, s31, s30, $0xb8;
	[tilespmem:$0x1E080] =	vst v63  }
.LBB2_4:
0xf1: {  	p1 =	seq.s32 s25, $0x0;
	s5 =	smul.u32 $0x1400, s25  }
0xf2: {  	s11 =	simm.s32 @!p1 $0xA  }
0xf3: {  	_ =	swait.ge @!p1 [sflag:s11], $0x2800;
	s12 =	sadd.s32 s5, s10  }
0xf4: {  	[sflag:s11] =	ssyncset.done @!p1 $0x0;
	s18 =	sshrl.u32 s12, $0x3  }
0xf5: {  	[sflag:s11] =	ssyncadd.s32 @!p1 $0xFFFFD800;
	s31 =	sadd.s32 s0, s18  }
0xf6: {  	[tilespmem:s3], [sflag:$0x4] =	stream.linear.gather [hbm4b:s31+s7], $0x50, $0x38;
	[tilespmem:$0x1E080] =	vst v63  }
0xf7: {  	_ =	swait.ge [sflag:s4], $0x50  }
0xf8: {  	[sflag:s4] =	ssyncset.done $0x0  }
0xf9: {  	[sflag:s4] =	ssyncadd.s32 $0xFFFFFFB0  }
0xfa: {  	_ =	swait.ge [sflag:s4], $0x50  }
0xfb: {  	[sflag:s4] =	ssyncset.done $0x0  }
0xfc: {  	[sflag:s4] =	ssyncadd.s32 $0xFFFFFFB0  }
0xfd: {  	v1 =	vld [tilespmem:$0x180];
	_ =	sdelay $0x4  }
0xfe: {  	v1 =	vxor.u32 $0x80000000, v1  }
0xff: {  	(xrf0) =	vmin.scan.msk.u32 $0xffff, v1;
	_ =	sdelay $0x5  }
0x100: {  	v1, _, _ =	vpop (xrf0)  }
0x101: {  	v2 =	vld [tilespmem:$0x180];
	(v2sf) =	vpush v1, $0xF  }
0x102: {  	v3 =	vld [tilespmem:$0x190]  }
0x103: {  	v4 =	vld [tilespmem:$0x90]  }
0x104: {  	v5 =	vld [tilespmem:$0x1A0]  }
0x105: {  	v6 =	vld [tilespmem:$0xA0]  }
0x106: {  	v7 =	vld [tilespmem:$0x1B0]  }
0x107: {  	v62 =	vld [tilespmem:$0x180]  }
0x108: {  	v1 =	vld [tilespmem:$0x80]  }
0x109: {  	v63 =	vld [tilespmem:$0x1C0]  }
0x10a: {  	v8 =	vld [tilespmem:$0x1C0]  }
0x10b: {  	v9 =	vld [tilespmem:$0xB0];
	v2 =	vmul.u32 $0x2710, v2  }
0x10c: {  	v10 =	vld [tilespmem:$0xC0];
	v3 =	vmul.u32 $0x2710, v3  }
0x10d: {  	[tilespmem:$0xA480] =	vst v62;
	v1 =	vadd.s32 v1, v2;
	v2 =	vmul.u32 $0x2710, v5  }
0x10e: {  	v61 =	vmul.u32 $0x2710, v7;
	[tilespmem:$0xA490] =	vst v63;
	v3 =	vadd.s32 v4, v3;
	v1 =	vadd.s32 $0xFFFFD8F0, v1  }
0x10f: {  	[tilespmem:$0x380] =	vst v1;
	v1 =	vadd.s32 $0xFFFFD8F0, v3;
	v2 =	vadd.s32 v6, v2;
	v3 =	vmul.u32 $0x2710, v8  }
0x110: {  	[tilespmem:$0x390] =	vst v1;
	v1 =	vadd.s32 $0xFFFFD8F0, v2;
	v2 =	vadd.s32 v9, v61;
	s18 =	spop (v2sf)  }
0x111: {  	[tilespmem:$0x3A0] =	vst v1;
	v1 =	vadd.s32 v10, v3;
	v2 =	vadd.s32 $0xFFFFD8F0, v2;
	p1 =	sne.s32 s18, $0x80000001  }
0x112: {  	[tilespmem:$0x3B0] =	vst v2;
	v1 =	vadd.s32 $0xFFFFD8F0, v1;
	s11 =	sshll.u32 @!p1 s12, $0x4  }
0x113: {  	[tilespmem:$0x3C0] =	vst v1;
	s12 =	simm.s32 @!p1 $0x0;
	s18 =	simm.s32 @!p1 $0x7C00;
	s11 =	sadd.s32 @!p1 s2, s11  }
0x114: {  	[tilespmem:s18], [sflag:$0x8] =	stream.linear.gather @!p1 [hbm4b:s11+s12], $0x2800, $0x38;
	[tilespmem:$0x1E080] =	vst v63  }
0x115: {  	s21 =	simm.s32 $0x380  }
0x116: {  	[tilespmem:s14], [sflag:$0x6] =	stream.indirect.gather [hbm4b:s8+s30], $0x80, s21, s30, $0xb8;
	[tilespmem:$0x1E080] =	vst v63  }
0x117: {  	_ =	swait.ge [sflag:s15], $0x2800  }
0x118: {  	[sflag:s15] =	ssyncset.done $0x0  }
0x119: {  	[sflag:s15] =	ssyncadd.s32 $0xFFFFD800  }
0x11a: {  	v1 =	vld [tilespmem:$0xA400]  }
0x11b: {  	v2 =	vld [tilespmem:$0xA410];
	_ =	sdelay $0x3  }
0x11c: {  	v1 =	vxor.u32 $0x80000000, v1  }
0x11d: {  	(xrf0) =	vmin.scan.msk.u32 $0xffff, v1;
	v1 =	vxor.u32 $0x80000000, v2  }
0x11e: {  	(xrf0) =	vmax.scan.msk.u32 $0xffff, v1;
	_ =	sdelay $0x4  }
0x11f: {  	v1, _, _ =	vpop (xrf0)  }
0x120: {  	(v2sf) =	vpush v1, $0xF;
	v1, _, _ =	vpop (xrf0)  }
0x121: {  	(v2sf) =	vpush v1, $0xF;
	_ =	sdelay $0xd  }
0x122: {  	s31 =	spop (v2sf)  }
0x123: {  	s11 =	spop (v2sf)  }
0x124: {  	p2 =	sne.s32 s11, $0x80000001  }
.Ltmp3:
0x125: {  	p1 =	sne.s32 s31, $0x80000001;
	(pc) =	sbr.rel @p2 .LBB2_8-.Ltmp3, $4  }
0x126: {  	s12 =	simm.s32 @!p1 $0x7  }
0x127: {  	_ =	swait.ge @!p1 [sflag:s12], $0x2800  }
0x128: {  	[sflag:s12] =	ssyncset.done @!p1 $0x0  }
0x129: {  	[sflag:s12] =	ssyncadd.s32 @!p1 $0xFFFFD800  }
0x12a: {  	s11 =	simm.s32 $0x0  }
0x12b: {  	v1 =	vld [tilespmem:s11+$0x5400]  }
0x12c: {  	v2 =	vld [tilespmem:s11+$0x400];
	_ =	sdelay $0x2  }
0x12d: {  	v3 =	vld [tilespmem:$0xA780];
	_ =	sdelay $0x1  }
0x12e: {  	v1 =	vadd.f32 v1, v2;
	_ =	sdelay $0x1  }
0x12f: {  	v2 =	vld [tilespmem:s11+$0x5410];
	v1 =	vmax.f32 v1, $0.0e+00  }
0x130: {  	v1 =	vmul.f32 v1, v3;
	v3 =	vld [tilespmem:s11+$0x410];
	_ =	sdelay $0x1  }
0x131: {  	[tilespmem:s11+$0x400] =	vst v1  }
0x132: {  	v1 =	vld [tilespmem:$0xA790];
	_ =	sdelay $0x1  }
0x133: {  	v2 =	vadd.f32 v2, v3;
	_ =	sdelay $0x1  }
0x134: {  	v3 =	vld [tilespmem:s11+$0x5420];
	v2 =	vmax.f32 v2, $0.0e+00  }
0x135: {  	v1 =	vmul.f32 v2, v1;
	v2 =	vld [tilespmem:s11+$0x420];
	_ =	sdelay $0x1  }
0x136: {  	[tilespmem:s11+$0x410] =	vst v1  }
0x137: {  	v1 =	vld [tilespmem:$0xA7A0];
	_ =	sdelay $0x1  }
0x138: {  	v2 =	vadd.f32 v3, v2;
	_ =	sdelay $0x1  }
0x139: {  	v3 =	vld [tilespmem:s11+$0x5430];
	v2 =	vmax.f32 v2, $0.0e+00  }
0x13a: {  	v1 =	vmul.f32 v2, v1;
	v2 =	vld [tilespmem:s11+$0x430];
	_ =	sdelay $0x1  }
0x13b: {  	[tilespmem:s11+$0x420] =	vst v1  }
0x13c: {  	v1 =	vld [tilespmem:$0xA7B0];
	_ =	sdelay $0x1  }
0x13d: {  	v2 =	vadd.f32 v3, v2;
	_ =	sdelay $0x1  }
0x13e: {  	v3 =	vld [tilespmem:s11+$0x5440];
	v2 =	vmax.f32 v2, $0.0e+00  }
0x13f: {  	v1 =	vmul.f32 v2, v1;
	v2 =	vld [tilespmem:s11+$0x440];
	_ =	sdelay $0x1  }
0x140: {  	[tilespmem:s11+$0x430] =	vst v1  }
0x141: {  	v1 =	vld [tilespmem:$0xA7C0];
	_ =	sdelay $0x1  }
0x142: {  	v2 =	vadd.f32 v3, v2;
	_ =	sdelay $0x1  }
0x143: {  	v3 =	vld [tilespmem:s11+$0x5450];
	v2 =	vmax.f32 v2, $0.0e+00  }
0x144: {  	v1 =	vmul.f32 v2, v1;
	v2 =	vld [tilespmem:s11+$0x450];
	_ =	sdelay $0x1  }
0x145: {  	[tilespmem:s11+$0x440] =	vst v1  }
0x146: {  	v1 =	vld [tilespmem:$0xA7D0];
	_ =	sdelay $0x1  }
0x147: {  	v2 =	vadd.f32 v3, v2;
	_ =	sdelay $0x1  }
0x148: {  	v3 =	vld [tilespmem:s11+$0x5460];
	v2 =	vmax.f32 v2, $0.0e+00  }
0x149: {  	v1 =	vmul.f32 v2, v1;
	v2 =	vld [tilespmem:s11+$0x460];
	_ =	sdelay $0x1  }
0x14a: {  	[tilespmem:s11+$0x450] =	vst v1  }
0x14b: {  	v1 =	vld [tilespmem:$0xA7E0];
	_ =	sdelay $0x1  }
0x14c: {  	v2 =	vadd.f32 v3, v2;
	_ =	sdelay $0x1  }
0x14d: {  	v4 =	vld [tilespmem:s11+$0x5470];
	v2 =	vmax.f32 v2, $0.0e+00  }
0x14e: {  	v3 =	vld [tilespmem:s11+$0x470];
	v1 =	vmul.f32 v2, v1;
	_ =	sdelay $0x1  }
0x14f: {  	[tilespmem:s11+$0x460] =	vst v1  }
0x150: {  	v2 =	vld [tilespmem:$0xA7F0];
	_ =	sdelay $0x1  }
0x151: {  	v3 =	vadd.f32 v4, v3  }
0x152: {  	s18 =	simm.s32 $0x80  }
0x153: {  	s12 =	simm.s32 $0x400;
	v1 =	vld [tilespmem:s18+$0x5400];
	v3 =	vmax.f32 v3, $0.0e+00  }
.LBB2_6:
0x154: {  	p1 =	seq.s32 s12, $0x9E00;
	v4 =	vld [tilespmem:s18+$0x400];
	v2 =	vmul.f32 v3, v2;
	_ =	sdelay $0x1  }
0x155: {  	[tilespmem:s11+$0x470] =	vst v2;
	s11 =	smov.u32 s18  }
0x156: {  	v2 =	vld [tilespmem:$0xA780];
	_ =	sdelay $0x1  }
0x157: {  	v1 =	vadd.f32 v1, v4;
	_ =	sdelay $0x1  }
0x158: {  	v1 =	vmax.f32 v1, $0.0e+00;
	v3 =	vld [tilespmem:s11+$0x5410]  }
0x159: {  	v1 =	vmul.f32 v1, v2;
	v2 =	vld [tilespmem:s11+$0x410];
	_ =	sdelay $0x1  }
0x15a: {  	[tilespmem:s11+$0x400] =	vst v1  }
0x15b: {  	v1 =	vld [tilespmem:$0xA790];
	_ =	sdelay $0x1  }
0x15c: {  	v2 =	vadd.f32 v3, v2;
	_ =	sdelay $0x1  }
0x15d: {  	v2 =	vmax.f32 v2, $0.0e+00;
	v3 =	vld [tilespmem:s11+$0x5420]  }
0x15e: {  	v1 =	vmul.f32 v2, v1;
	v2 =	vld [tilespmem:s11+$0x420];
	_ =	sdelay $0x1  }
0x15f: {  	[tilespmem:s11+$0x410] =	vst v1  }
0x160: {  	v1 =	vld [tilespmem:$0xA7A0];
	_ =	sdelay $0x1  }
0x161: {  	v2 =	vadd.f32 v3, v2;
	_ =	sdelay $0x1  }
0x162: {  	v2 =	vmax.f32 v2, $0.0e+00;
	v3 =	vld [tilespmem:s11+$0x5430]  }
0x163: {  	v1 =	vmul.f32 v2, v1;
	v2 =	vld [tilespmem:s11+$0x430];
	_ =	sdelay $0x1  }
0x164: {  	[tilespmem:s11+$0x420] =	vst v1  }
0x165: {  	v1 =	vld [tilespmem:$0xA7B0];
	_ =	sdelay $0x1  }
0x166: {  	v2 =	vadd.f32 v3, v2;
	_ =	sdelay $0x1  }
0x167: {  	v2 =	vmax.f32 v2, $0.0e+00;
	v3 =	vld [tilespmem:s11+$0x5440]  }
0x168: {  	v1 =	vmul.f32 v2, v1;
	v2 =	vld [tilespmem:s11+$0x440];
	_ =	sdelay $0x1  }
0x169: {  	[tilespmem:s11+$0x430] =	vst v1  }
0x16a: {  	v1 =	vld [tilespmem:$0xA7C0];
	_ =	sdelay $0x1  }
0x16b: {  	v2 =	vadd.f32 v3, v2;
	_ =	sdelay $0x1  }
0x16c: {  	v2 =	vmax.f32 v2, $0.0e+00;
	v3 =	vld [tilespmem:s11+$0x5450]  }
0x16d: {  	v1 =	vmul.f32 v2, v1;
	v2 =	vld [tilespmem:s11+$0x450];
	_ =	sdelay $0x1  }
0x16e: {  	[tilespmem:s11+$0x440] =	vst v1  }
0x16f: {  	v1 =	vld [tilespmem:$0xA7D0];
	_ =	sdelay $0x1  }
0x170: {  	v2 =	vadd.f32 v3, v2;
	_ =	sdelay $0x1  }
0x171: {  	v2 =	vmax.f32 v2, $0.0e+00;
	v3 =	vld [tilespmem:s11+$0x5460]  }
0x172: {  	v1 =	vmul.f32 v2, v1;
	v2 =	vld [tilespmem:s11+$0x460];
	_ =	sdelay $0x1  }
0x173: {  	[tilespmem:s11+$0x450] =	vst v1  }
0x174: {  	v1 =	vld [tilespmem:$0xA7E0];
	_ =	sdelay $0x1  }
0x175: {  	v2 =	vadd.f32 v3, v2;
	_ =	sdelay $0x1  }
0x176: {  	v2 =	vmax.f32 v2, $0.0e+00;
	v3 =	vld [tilespmem:s11+$0x5470]  }
0x177: {  	v1 =	vmul.f32 v2, v1;
	v4 =	vld [tilespmem:s11+$0x470];
	_ =	sdelay $0x1  }
0x178: {  	[tilespmem:s11+$0x460] =	vst v1  }
.Ltmp4:
0x179: {  	v2 =	vld [tilespmem:$0xA7F0];
	(pc) =	sbr.rel @!p1 .LBB2_6-.Ltmp4, $4  }
0x17a: {  	_ = 	snop  }
0x17b: {  	v3 =	vadd.f32 v3, v4  }
0x17c: {  	s18 =	sshra.s32 s12, $0x2  }
0x17d: {  	s12 =	sadd.s32 $0x200, s12;
	v1 =	vld [tilespmem:s18+$0x5400];
	v3 =	vmax.f32 v3, $0.0e+00  }
0x17e: {  	v4 =	vld [tilespmem:s18+$0x400];
	v2 =	vmul.f32 v3, v2;
	_ =	sdelay $0x1  }
0x17f: {  	[tilespmem:s11+$0x470] =	vst v2  }
0x180: {  	v2 =	vld [tilespmem:$0xA780];
	_ =	sdelay $0x1  }
0x181: {  	v1 =	vadd.f32 v1, v4;
	_ =	sdelay $0x1  }
0x182: {  	v3 =	vld [tilespmem:s18+$0x5410];
	v1 =	vmax.f32 v1, $0.0e+00  }
0x183: {  	v1 =	vmul.f32 v1, v2;
	v2 =	vld [tilespmem:s18+$0x410];
	_ =	sdelay $0x1  }
0x184: {  	[tilespmem:s18+$0x400] =	vst v1  }
0x185: {  	v1 =	vld [tilespmem:$0xA790];
	_ =	sdelay $0x1  }
0x186: {  	v2 =	vadd.f32 v3, v2;
	_ =	sdelay $0x1  }
0x187: {  	v3 =	vld [tilespmem:s18+$0x5420];
	v2 =	vmax.f32 v2, $0.0e+00  }
0x188: {  	v1 =	vmul.f32 v2, v1;
	v2 =	vld [tilespmem:s18+$0x420];
	_ =	sdelay $0x1  }
0x189: {  	[tilespmem:s18+$0x410] =	vst v1  }
0x18a: {  	v1 =	vld [tilespmem:$0xA7A0];
	_ =	sdelay $0x1  }
0x18b: {  	v2 =	vadd.f32 v3, v2;
	_ =	sdelay $0x1  }
0x18c: {  	v3 =	vld [tilespmem:s18+$0x5430];
	v2 =	vmax.f32 v2, $0.0e+00  }
0x18d: {  	v1 =	vmul.f32 v2, v1;
	v2 =	vld [tilespmem:s18+$0x430];
	_ =	sdelay $0x1  }
0x18e: {  	[tilespmem:s18+$0x420] =	vst v1  }
0x18f: {  	v1 =	vld [tilespmem:$0xA7B0];
	_ =	sdelay $0x1  }
0x190: {  	v2 =	vadd.f32 v3, v2;
	_ =	sdelay $0x1  }
0x191: {  	v3 =	vld [tilespmem:s18+$0x5440];
	v2 =	vmax.f32 v2, $0.0e+00  }
0x192: {  	v1 =	vmul.f32 v2, v1;
	v2 =	vld [tilespmem:s18+$0x440];
	_ =	sdelay $0x1  }
0x193: {  	[tilespmem:s18+$0x430] =	vst v1  }
0x194: {  	v1 =	vld [tilespmem:$0xA7C0];
	_ =	sdelay $0x1  }
0x195: {  	v2 =	vadd.f32 v3, v2;
	_ =	sdelay $0x1  }
0x196: {  	v3 =	vld [tilespmem:s18+$0x5450];
	v2 =	vmax.f32 v2, $0.0e+00  }
0x197: {  	v1 =	vmul.f32 v2, v1;
	v2 =	vld [tilespmem:s18+$0x450];
	_ =	sdelay $0x1  }
0x198: {  	[tilespmem:s18+$0x440] =	vst v1  }
0x199: {  	v1 =	vld [tilespmem:$0xA7D0];
	_ =	sdelay $0x1  }
0x19a: {  	v2 =	vadd.f32 v3, v2;
	_ =	sdelay $0x1  }
0x19b: {  	v3 =	vld [tilespmem:s18+$0x5460];
	v2 =	vmax.f32 v2, $0.0e+00  }
0x19c: {  	v1 =	vmul.f32 v2, v1;
	v2 =	vld [tilespmem:s18+$0x460];
	_ =	sdelay $0x1  }
0x19d: {  	[tilespmem:s18+$0x450] =	vst v1  }
0x19e: {  	v1 =	vld [tilespmem:$0xA7E0];
	_ =	sdelay $0x1  }
0x19f: {  	v2 =	vadd.f32 v3, v2;
	_ =	sdelay $0x1  }
0x1a0: {  	v3 =	vld [tilespmem:s18+$0x5470];
	v2 =	vmax.f32 v2, $0.0e+00  }
0x1a1: {  	v1 =	vmul.f32 v2, v1;
	v2 =	vld [tilespmem:s18+$0x470];
	_ =	sdelay $0x1  }
0x1a2: {  	[tilespmem:s18+$0x460] =	vst v1  }
0x1a3: {  	v1 =	vld [tilespmem:$0xA7F0];
	_ =	sdelay $0x1  }
0x1a4: {  	v2 =	vadd.f32 v3, v2  }
.Ltmp5:
0x1a5: {  	_ = 	snop;
	(pc) =	sbr.rel .LBB2_12-.Ltmp5, $3  }
0x1a6: {  	v2 =	vmax.f32 v2, $0.0e+00  }
0x1a7: {  	v1 =	vmul.f32 v2, v1;
	_ =	sdelay $0x1  }
0x1a8: {  	[tilespmem:s18+$0x470] =	vst v1  }
.LBB2_8:
0x1a9: {  	p2 =	slt.u32 @!p1 s11, $0x80000002  }
0x1aa: {  	p1 =	por p1, p2  }
.Ltmp6:
0x1ab: {  	_ = 	snop;
	(pc) =	sbr.rel @p1 .LBB2_12-.Ltmp6, $1  }
0x1ac: {  	_ =	sdelay $0x3  }
0x1ad: {  	s11 =	simm.s32 $0x0;
	s21 =	simm.s32 $0x440  }
0x1ae: {  	s12 =	simm.s32 $0x5440;
	v1 =	vmov s11;
	v2 =	vld [tilespmem:s21+$0xFFFFFFC0]  }
0x1af: {  	v3 =	vld [tilespmem:s12+$0xFFFFFFC0];
	_ =	sdelay $0x2  }
0x1b0: {  	v4 =	vld [tilespmem:$0xA780]  }
0x1b1: {  	v1 =	vld.idx.msk [tilespmem:v1+s20+$0x0], $0xffff  }
0x1b2: {  	v3 =	vadd.f32 v3, v2;
	_ =	sdelay $0x1  }
0x1b3: {  	v3 =	vmax.f32 v3, $0.0e+00  }
0x1b4: {  	v3 =	vmul.f32 v3, v4  }
0x1b5: {  	vm0 =	veq.s32 v1, $0x1  }
0x1b6: {  	v1 =	vsel vm0, v3, v2  }
0x1b7: {  	[tilespmem:s21+$0xFFFFFFC0] =	vst v1;
	v1 =	vld [tilespmem:s21+$0xFFFFFFD0]  }
0x1b8: {  	v2 =	vld [tilespmem:s12+$0xFFFFFFD0];
	_ =	sdelay $0x2  }
0x1b9: {  	v3 =	vld [tilespmem:$0xA790];
	_ =	sdelay $0x1  }
0x1ba: {  	v2 =	vadd.f32 v2, v1;
	_ =	sdelay $0x1  }
0x1bb: {  	v2 =	vmax.f32 v2, $0.0e+00  }
0x1bc: {  	v2 =	vmul.f32 v2, v3;
	_ =	sdelay $0x1  }
0x1bd: {  	v1 =	vsel vm0, v2, v1  }
0x1be: {  	[tilespmem:s21+$0xFFFFFFD0] =	vst v1;
	v1 =	vld [tilespmem:s21+$0xFFFFFFE0]  }
0x1bf: {  	v2 =	vld [tilespmem:s12+$0xFFFFFFE0];
	_ =	sdelay $0x2  }
0x1c0: {  	v3 =	vld [tilespmem:$0xA7A0];
	_ =	sdelay $0x1  }
0x1c1: {  	v2 =	vadd.f32 v2, v1;
	_ =	sdelay $0x1  }
0x1c2: {  	v2 =	vmax.f32 v2, $0.0e+00  }
0x1c3: {  	v2 =	vmul.f32 v2, v3;
	_ =	sdelay $0x1  }
0x1c4: {  	v1 =	vsel vm0, v2, v1  }
0x1c5: {  	[tilespmem:s21+$0xFFFFFFE0] =	vst v1;
	v1 =	vld [tilespmem:s21+$0xFFFFFFF0]  }
0x1c6: {  	v2 =	vld [tilespmem:s12+$0xFFFFFFF0];
	_ =	sdelay $0x2  }
0x1c7: {  	v3 =	vld [tilespmem:$0xA7B0];
	_ =	sdelay $0x1  }
0x1c8: {  	v2 =	vadd.f32 v2, v1;
	_ =	sdelay $0x1  }
0x1c9: {  	v2 =	vmax.f32 v2, $0.0e+00  }
0x1ca: {  	v2 =	vmul.f32 v2, v3;
	_ =	sdelay $0x1  }
0x1cb: {  	v1 =	vsel vm0, v2, v1  }
0x1cc: {  	[tilespmem:s21+$0xFFFFFFF0] =	vst v1;
	v1 =	vld [tilespmem:s21+$0x0]  }
0x1cd: {  	v2 =	vld [tilespmem:s12+$0x0];
	_ =	sdelay $0x2  }
0x1ce: {  	v3 =	vld [tilespmem:$0xA7C0];
	_ =	sdelay $0x1  }
0x1cf: {  	v2 =	vadd.f32 v2, v1;
	_ =	sdelay $0x1  }
0x1d0: {  	v2 =	vmax.f32 v2, $0.0e+00  }
0x1d1: {  	v2 =	vmul.f32 v2, v3;
	_ =	sdelay $0x1  }
0x1d2: {  	v1 =	vsel vm0, v2, v1  }
0x1d3: {  	[tilespmem:s21+$0x0] =	vst v1;
	v1 =	vld [tilespmem:s21+$0x10]  }
0x1d4: {  	v2 =	vld [tilespmem:s12+$0x10];
	_ =	sdelay $0x2  }
0x1d5: {  	v3 =	vld [tilespmem:$0xA7D0];
	_ =	sdelay $0x1  }
0x1d6: {  	v2 =	vadd.f32 v2, v1;
	_ =	sdelay $0x1  }
0x1d7: {  	v2 =	vmax.f32 v2, $0.0e+00  }
0x1d8: {  	v2 =	vmul.f32 v2, v3;
	_ =	sdelay $0x1  }
0x1d9: {  	v1 =	vsel vm0, v2, v1  }
0x1da: {  	[tilespmem:s21+$0x10] =	vst v1;
	v1 =	vld [tilespmem:s21+$0x20]  }
0x1db: {  	v2 =	vld [tilespmem:s12+$0x20];
	_ =	sdelay $0x2  }
0x1dc: {  	v3 =	vld [tilespmem:$0xA7E0];
	_ =	sdelay $0x1  }
0x1dd: {  	v2 =	vadd.f32 v2, v1;
	_ =	sdelay $0x1  }
0x1de: {  	v2 =	vmax.f32 v2, $0.0e+00  }
0x1df: {  	v2 =	vmul.f32 v2, v3;
	_ =	sdelay $0x1  }
0x1e0: {  	v1 =	vsel vm0, v2, v1  }
0x1e1: {  	v2 =	vld [tilespmem:s21+$0x30];
	[tilespmem:s21+$0x20] =	vst v1  }
0x1e2: {  	v1 =	vld [tilespmem:s12+$0x30];
	_ =	sdelay $0x2  }
0x1e3: {  	v3 =	vld [tilespmem:$0xA7F0];
	_ =	sdelay $0x1  }
0x1e4: {  	v1 =	vadd.f32 v1, v2;
	_ =	sdelay $0x1  }
0x1e5: {  	v1 =	vmax.f32 v1, $0.0e+00  }
0x1e6: {  	v3 =	vmul.f32 v1, v3  }
0x1e7: {  	s31 =	simm.s32 $0x1  }
0x1e8: {  	s18 =	simm.s32 $0x2;
	s11 =	simm.s32 $0x4C0;
	v1 =	vmov s31;
	v2 =	vsel vm0, v3, v2  }
.LBB2_10:
0x1e9: {  	p1 =	sne.s32 s18, $0x4F;
	s12 =	sadd.s32 $0x80, s12  }
0x1ea: {  	v3 =	vld [tilespmem:s11+$0xFFFFFFC0];
	[tilespmem:s21+$0x30] =	vst v2;
	s31 =	smov.u32 s18;
	s18 =	sadd.s32 $0x1, s18;
	s21 =	smov.u32 s11  }
0x1eb: {  	v2 =	vld [tilespmem:s12+$0xFFFFFFC0];
	_ =	sdelay $0x1  }
0x1ec: {  	v4 =	vld [tilespmem:$0xA780]  }
0x1ed: {  	v1 =	vld.idx.msk [tilespmem:v1+s20+$0x0], $0xffff;
	_ =	sdelay $0x1  }
0x1ee: {  	v2 =	vadd.f32 v2, v3;
	_ =	sdelay $0x1  }
0x1ef: {  	v2 =	vmax.f32 v2, $0.0e+00  }
0x1f0: {  	v2 =	vmul.f32 v2, v4  }
0x1f1: {  	vm0 =	veq.s32 v1, $0x1  }
0x1f2: {  	v1 =	vsel vm0, v2, v3  }
0x1f3: {  	[tilespmem:s11+$0xFFFFFFC0] =	vst v1;
	v1 =	vld [tilespmem:s11+$0xFFFFFFD0]  }
0x1f4: {  	v2 =	vld [tilespmem:s12+$0xFFFFFFD0];
	_ =	sdelay $0x2  }
0x1f5: {  	v3 =	vld [tilespmem:$0xA790];
	_ =	sdelay $0x1  }
0x1f6: {  	v2 =	vadd.f32 v2, v1;
	_ =	sdelay $0x1  }
0x1f7: {  	v2 =	vmax.f32 v2, $0.0e+00  }
0x1f8: {  	v2 =	vmul.f32 v2, v3;
	_ =	sdelay $0x1  }
0x1f9: {  	v1 =	vsel vm0, v2, v1  }
0x1fa: {  	[tilespmem:s11+$0xFFFFFFD0] =	vst v1;
	v1 =	vld [tilespmem:s11+$0xFFFFFFE0]  }
0x1fb: {  	v2 =	vld [tilespmem:s12+$0xFFFFFFE0];
	_ =	sdelay $0x2  }
0x1fc: {  	v3 =	vld [tilespmem:$0xA7A0];
	_ =	sdelay $0x1  }
0x1fd: {  	v2 =	vadd.f32 v2, v1;
	_ =	sdelay $0x1  }
0x1fe: {  	v2 =	vmax.f32 v2, $0.0e+00  }
0x1ff: {  	v2 =	vmul.f32 v2, v3;
	_ =	sdelay $0x1  }
0x200: {  	v1 =	vsel vm0, v2, v1  }
0x201: {  	[tilespmem:s11+$0xFFFFFFE0] =	vst v1;
	v1 =	vld [tilespmem:s11+$0xFFFFFFF0]  }
0x202: {  	v2 =	vld [tilespmem:s12+$0xFFFFFFF0];
	_ =	sdelay $0x2  }
0x203: {  	v3 =	vld [tilespmem:$0xA7B0];
	_ =	sdelay $0x1  }
0x204: {  	v2 =	vadd.f32 v2, v1;
	_ =	sdelay $0x1  }
0x205: {  	v2 =	vmax.f32 v2, $0.0e+00  }
0x206: {  	v2 =	vmul.f32 v2, v3;
	_ =	sdelay $0x1  }
0x207: {  	v1 =	vsel vm0, v2, v1  }
0x208: {  	[tilespmem:s11+$0xFFFFFFF0] =	vst v1;
	v1 =	vld [tilespmem:s11+$0x0]  }
0x209: {  	v2 =	vld [tilespmem:s12+$0x0];
	_ =	sdelay $0x2  }
0x20a: {  	v3 =	vld [tilespmem:$0xA7C0];
	_ =	sdelay $0x1  }
0x20b: {  	v2 =	vadd.f32 v2, v1;
	_ =	sdelay $0x1  }
0x20c: {  	v2 =	vmax.f32 v2, $0.0e+00  }
0x20d: {  	v2 =	vmul.f32 v2, v3;
	_ =	sdelay $0x1  }
0x20e: {  	v1 =	vsel vm0, v2, v1  }
0x20f: {  	[tilespmem:s11+$0x0] =	vst v1;
	v1 =	vld [tilespmem:s11+$0x10]  }
0x210: {  	v2 =	vld [tilespmem:s12+$0x10]  }
0x211: {  	v3 =	vld [tilespmem:$0xA7D0];
	_ =	sdelay $0x3  }
0x212: {  	v2 =	vadd.f32 v2, v1;
	_ =	sdelay $0x1  }
0x213: {  	v2 =	vmax.f32 v2, $0.0e+00  }
0x214: {  	v2 =	vmul.f32 v2, v3;
	_ =	sdelay $0x1  }
0x215: {  	v1 =	vsel vm0, v2, v1  }
0x216: {  	[tilespmem:s11+$0x10] =	vst v1;
	v1 =	vld [tilespmem:s11+$0x20]  }
0x217: {  	v2 =	vld [tilespmem:s12+$0x20]  }
0x218: {  	v3 =	vld [tilespmem:$0xA7E0];
	_ =	sdelay $0x3  }
0x219: {  	v2 =	vadd.f32 v2, v1;
	_ =	sdelay $0x1  }
0x21a: {  	v2 =	vmax.f32 v2, $0.0e+00  }
0x21b: {  	v2 =	vmul.f32 v2, v3;
	_ =	sdelay $0x1  }
0x21c: {  	v1 =	vsel vm0, v2, v1  }
0x21d: {  	[tilespmem:s11+$0x20] =	vst v1;
	v2 =	vld [tilespmem:s11+$0x30]  }
0x21e: {  	v1 =	vld [tilespmem:s12+$0x30]  }
0x21f: {  	v3 =	vld [tilespmem:$0xA7F0];
	_ =	sdelay $0x3  }
0x220: {  	v1 =	vadd.f32 v1, v2  }
.Ltmp7:
0x221: {  	(pc) =	sbr.rel @p1 .LBB2_10-.Ltmp7, $3  }
0x222: {  	v1 =	vmax.f32 v1, $0.0e+00  }
0x223: {  	v3 =	vmul.f32 v1, v3;
	_ =	sdelay $0x1  }
0x224: {  	s11 =	sadd.s32 $0x80, s11;
	v1 =	vmov s31;
	v2 =	vsel vm0, v3, v2  }
0x225: {  	v3 =	vld [tilespmem:s11+$0xFFFFFFC0];
	[tilespmem:s21+$0x30] =	vst v2;
	s12 =	sadd.s32 $0x80, s12  }
0x226: {  	v2 =	vld [tilespmem:s12+$0xFFFFFFC0];
	_ =	sdelay $0x2  }
0x227: {  	v4 =	vld [tilespmem:$0xA780]  }
0x228: {  	v1 =	vld.idx.msk [tilespmem:v1+s20+$0x0], $0xffff  }
0x229: {  	v2 =	vadd.f32 v2, v3;
	_ =	sdelay $0x1  }
0x22a: {  	v2 =	vmax.f32 v2, $0.0e+00  }
0x22b: {  	v2 =	vmul.f32 v2, v4  }
0x22c: {  	vm0 =	veq.s32 v1, $0x1  }
0x22d: {  	v1 =	vsel vm0, v2, v3  }
0x22e: {  	[tilespmem:s11+$0xFFFFFFC0] =	vst v1;
	v1 =	vld [tilespmem:s11+$0xFFFFFFD0]  }
0x22f: {  	v2 =	vld [tilespmem:s12+$0xFFFFFFD0];
	_ =	sdelay $0x2  }
0x230: {  	v3 =	vld [tilespmem:$0xA790];
	_ =	sdelay $0x1  }
0x231: {  	v2 =	vadd.f32 v2, v1;
	_ =	sdelay $0x1  }
0x232: {  	v2 =	vmax.f32 v2, $0.0e+00  }
0x233: {  	v2 =	vmul.f32 v2, v3;
	_ =	sdelay $0x1  }
0x234: {  	v1 =	vsel vm0, v2, v1  }
0x235: {  	[tilespmem:s11+$0xFFFFFFD0] =	vst v1;
	v1 =	vld [tilespmem:s11+$0xFFFFFFE0]  }
0x236: {  	v2 =	vld [tilespmem:s12+$0xFFFFFFE0];
	_ =	sdelay $0x2  }
0x237: {  	v3 =	vld [tilespmem:$0xA7A0];
	_ =	sdelay $0x1  }
0x238: {  	v2 =	vadd.f32 v2, v1;
	_ =	sdelay $0x1  }
0x239: {  	v2 =	vmax.f32 v2, $0.0e+00  }
0x23a: {  	v2 =	vmul.f32 v2, v3;
	_ =	sdelay $0x1  }
0x23b: {  	v1 =	vsel vm0, v2, v1  }
0x23c: {  	[tilespmem:s11+$0xFFFFFFE0] =	vst v1;
	v1 =	vld [tilespmem:s11+$0xFFFFFFF0]  }
0x23d: {  	v2 =	vld [tilespmem:s12+$0xFFFFFFF0];
	_ =	sdelay $0x2  }
0x23e: {  	v3 =	vld [tilespmem:$0xA7B0];
	_ =	sdelay $0x1  }
0x23f: {  	v2 =	vadd.f32 v2, v1;
	_ =	sdelay $0x1  }
0x240: {  	v2 =	vmax.f32 v2, $0.0e+00  }
0x241: {  	v2 =	vmul.f32 v2, v3;
	_ =	sdelay $0x1  }
0x242: {  	v1 =	vsel vm0, v2, v1  }
0x243: {  	[tilespmem:s11+$0xFFFFFFF0] =	vst v1;
	v1 =	vld [tilespmem:s11+$0x0]  }
0x244: {  	v2 =	vld [tilespmem:s12+$0x0];
	_ =	sdelay $0x2  }
0x245: {  	v3 =	vld [tilespmem:$0xA7C0];
	_ =	sdelay $0x1  }
0x246: {  	v2 =	vadd.f32 v2, v1;
	_ =	sdelay $0x1  }
0x247: {  	v2 =	vmax.f32 v2, $0.0e+00  }
0x248: {  	v2 =	vmul.f32 v2, v3;
	_ =	sdelay $0x1  }
0x249: {  	v1 =	vsel vm0, v2, v1  }
0x24a: {  	[tilespmem:s11+$0x0] =	vst v1;
	v1 =	vld [tilespmem:s11+$0x10]  }
0x24b: {  	v2 =	vld [tilespmem:s12+$0x10];
	_ =	sdelay $0x2  }
0x24c: {  	v3 =	vld [tilespmem:$0xA7D0];
	_ =	sdelay $0x1  }
0x24d: {  	v2 =	vadd.f32 v2, v1;
	_ =	sdelay $0x1  }
0x24e: {  	v2 =	vmax.f32 v2, $0.0e+00  }
0x24f: {  	v2 =	vmul.f32 v2, v3;
	_ =	sdelay $0x1  }
0x250: {  	v1 =	vsel vm0, v2, v1  }
0x251: {  	[tilespmem:s11+$0x10] =	vst v1;
	v1 =	vld [tilespmem:s11+$0x20]  }
0x252: {  	v2 =	vld [tilespmem:s12+$0x20];
	_ =	sdelay $0x2  }
0x253: {  	v3 =	vld [tilespmem:$0xA7E0];
	_ =	sdelay $0x1  }
0x254: {  	v2 =	vadd.f32 v2, v1;
	_ =	sdelay $0x1  }
0x255: {  	v2 =	vmax.f32 v2, $0.0e+00  }
0x256: {  	v2 =	vmul.f32 v2, v3;
	_ =	sdelay $0x1  }
0x257: {  	v1 =	vsel vm0, v2, v1  }
0x258: {  	[tilespmem:s11+$0x20] =	vst v1;
	v1 =	vld [tilespmem:s11+$0x30]  }
0x259: {  	v2 =	vld [tilespmem:s12+$0x30];
	_ =	sdelay $0x2  }
0x25a: {  	v3 =	vld [tilespmem:$0xA7F0];
	_ =	sdelay $0x1  }
0x25b: {  	v2 =	vadd.f32 v2, v1;
	_ =	sdelay $0x1  }
0x25c: {  	v2 =	vmax.f32 v2, $0.0e+00  }
0x25d: {  	v2 =	vmul.f32 v2, v3;
	_ =	sdelay $0x1  }
0x25e: {  	v1 =	vsel vm0, v2, v1  }
0x25f: {  	[tilespmem:s11+$0x30] =	vst v1  }
.LBB2_12:
0x260: {  	_ =	swait.ge [sflag:s16], $0x50  }
0x261: {  	s11 =	sadd.s32 s5, s23;
	[sflag:s16] =	ssyncset.done $0x0  }
0x262: {  	s12 =	sshrl.u32 s11, $0x3;
	[sflag:s16] =	ssyncadd.s32 $0xFFFFFFB0  }
0x263: {  	[spmem:s6] =	stream.indirect.scatter.add.f32 [tilespmem:s19], [sflag:$0x9], $0x80, s26, s30, $0xb8;
	[tilespmem:$0x1E080] =	vst v63  }
0x264: {  	s18 =	sadd.s32 s9, s12  }
0x265: {  	[tilespmem:s7], [sflag:$0x1] =	stream.linear.gather [hbm4b:s18+s7], $0x50, $0x38;
	[tilespmem:$0x1E080] =	vst v63  }
0x266: {  	s31 =	sadd.s32 s1, s12  }
0x267: {  	[tilespmem:s20], [sflag:$0x1] =	stream.linear.gather [hbm4b:s31+s7], $0x50, $0x38;
	[tilespmem:$0x1E080] =	vst v63  }
0x268: {  	_ =	swait.ge [sflag:s17], $0x2800  }
0x269: {  	[sflag:s17] =	ssyncset.done $0x0  }
0x26a: {  	s12 =	sadd.s32 s0, s12;
	[sflag:s17] =	ssyncadd.s32 $0xFFFFD800  }
0x26b: {  	[tilespmem:s26], [sflag:$0x3] =	stream.linear.gather [hbm4b:s12+s7], $0x50, $0x38;
	[tilespmem:$0x1E080] =	vst v63  }
0x26c: {  	_ =	swait.ge [sflag:s28], $0x50  }
0x26d: {  	[sflag:s28] =	ssyncset.done $0x0  }
0x26e: {  	[sflag:s28] =	ssyncadd.s32 $0xFFFFFFB0  }
0x26f: {  	_ =	swait.ge [sflag:s28], $0x50  }
0x270: {  	[sflag:s28] =	ssyncset.done $0x0  }
0x271: {  	[sflag:s28] =	ssyncadd.s32 $0xFFFFFFB0  }
0x272: {  	v1 =	vld [tilespmem:$0x100];
	_ =	sdelay $0x4  }
0x273: {  	v1 =	vxor.u32 $0x80000000, v1  }
0x274: {  	(xrf0) =	vmin.scan.msk.u32 $0xffff, v1;
	_ =	sdelay $0x5  }
0x275: {  	v1, _, _ =	vpop (xrf0)  }
0x276: {  	v2 =	vld [tilespmem:$0x100];
	(v2sf) =	vpush v1, $0xF  }
0x277: {  	v3 =	vld [tilespmem:$0x110]  }
0x278: {  	v4 =	vld [tilespmem:$0x10]  }
0x279: {  	v5 =	vld [tilespmem:$0x120]  }
0x27a: {  	v6 =	vld [tilespmem:$0x20]  }
0x27b: {  	v7 =	vld [tilespmem:$0x130]  }
0x27c: {  	v62 =	vld [tilespmem:$0x100]  }
0x27d: {  	v1 =	vld [tilespmem:$0x0]  }
0x27e: {  	v63 =	vld [tilespmem:$0x140]  }
0x27f: {  	v8 =	vld [tilespmem:$0x140]  }
0x280: {  	v9 =	vld [tilespmem:$0x30];
	v2 =	vmul.u32 $0x2710, v2  }
0x281: {  	v10 =	vld [tilespmem:$0x40];
	v3 =	vmul.u32 $0x2710, v3  }
0x282: {  	[tilespmem:$0xA400] =	vst v62;
	v1 =	vadd.s32 v1, v2;
	v2 =	vmul.u32 $0x2710, v5  }
0x283: {  	v61 =	vmul.u32 $0x2710, v7;
	[tilespmem:$0xA410] =	vst v63;
	v3 =	vadd.s32 v4, v3;
	v1 =	vadd.s32 $0xFFFFD8F0, v1  }
0x284: {  	[tilespmem:$0x300] =	vst v1;
	v1 =	vadd.s32 $0xFFFFD8F0, v3;
	v2 =	vadd.s32 v6, v2;
	v3 =	vmul.u32 $0x2710, v8  }
0x285: {  	[tilespmem:$0x310] =	vst v1;
	v1 =	vadd.s32 $0xFFFFD8F0, v2;
	v2 =	vadd.s32 v9, v61;
	s18 =	spop (v2sf)  }
0x286: {  	[tilespmem:$0x320] =	vst v1;
	v1 =	vadd.s32 v10, v3;
	v2 =	vadd.s32 $0xFFFFD8F0, v2;
	p1 =	sne.s32 s18, $0x80000001  }
0x287: {  	[tilespmem:$0x330] =	vst v2;
	v1 =	vadd.s32 $0xFFFFD8F0, v1;
	s11 =	sshll.u32 @!p1 s11, $0x4  }
0x288: {  	[tilespmem:$0x340] =	vst v1;
	s12 =	simm.s32 @!p1 $0x0;
	s18 =	simm.s32 @!p1 $0x5400;
	s11 =	sadd.s32 @!p1 s2, s11  }
0x289: {  	[tilespmem:s18], [sflag:$0x7] =	stream.linear.gather @!p1 [hbm4b:s11+s12], $0x2800, $0x38;
	[tilespmem:$0x1E080] =	vst v63  }
0x28a: {  	s21 =	simm.s32 $0x300  }
0x28b: {  	[tilespmem:s19], [sflag:$0x5] =	stream.indirect.gather [hbm4b:s8+s30], $0x80, s21, s30, $0xb8;
	[tilespmem:$0x1E080] =	vst v63  }
0x28c: {  	_ =	swait.ge [sflag:s13], $0x2800  }
0x28d: {  	[sflag:s13] =	ssyncset.done $0x0  }
0x28e: {  	[sflag:s13] =	ssyncadd.s32 $0xFFFFD800  }
0x28f: {  	v1 =	vld [tilespmem:$0xA480]  }
0x290: {  	v2 =	vld [tilespmem:$0xA490];
	_ =	sdelay $0x3  }
0x291: {  	v1 =	vxor.u32 $0x80000000, v1  }
0x292: {  	(xrf0) =	vmin.scan.msk.u32 $0xffff, v1;
	v1 =	vxor.u32 $0x80000000, v2  }
0x293: {  	(xrf0) =	vmax.scan.msk.u32 $0xffff, v1;
	_ =	sdelay $0x4  }
0x294: {  	v1, _, _ =	vpop (xrf0)  }
0x295: {  	(v2sf) =	vpush v1, $0xF;
	v1, _, _ =	vpop (xrf0)  }
0x296: {  	(v2sf) =	vpush v1, $0xF;
	_ =	sdelay $0xd  }
0x297: {  	s31 =	spop (v2sf)  }
0x298: {  	s11 =	spop (v2sf)  }
0x299: {  	p2 =	sne.s32 s11, $0x80000001  }
.Ltmp8:
0x29a: {  	p1 =	sne.s32 s31, $0x80000001;
	(pc) =	sbr.rel @p2 .LBB2_16-.Ltmp8, $4  }
0x29b: {  	s12 =	simm.s32 @!p1 $0x8  }
0x29c: {  	_ =	swait.ge @!p1 [sflag:s12], $0x2800  }
0x29d: {  	[sflag:s12] =	ssyncset.done @!p1 $0x0  }
0x29e: {  	[sflag:s12] =	ssyncadd.s32 @!p1 $0xFFFFD800  }
0x29f: {  	s11 =	simm.s32 $0x0  }
0x2a0: {  	v1 =	vld [tilespmem:s11+$0x7C00]  }
0x2a1: {  	v2 =	vld [tilespmem:s11+$0x2C00];
	_ =	sdelay $0x2  }
0x2a2: {  	v3 =	vld [tilespmem:$0xA780];
	_ =	sdelay $0x1  }
0x2a3: {  	v1 =	vadd.f32 v1, v2;
	_ =	sdelay $0x1  }
0x2a4: {  	v2 =	vld [tilespmem:s11+$0x7C10];
	v1 =	vmax.f32 v1, $0.0e+00  }
0x2a5: {  	v1 =	vmul.f32 v1, v3;
	v3 =	vld [tilespmem:s11+$0x2C10];
	_ =	sdelay $0x1  }
0x2a6: {  	[tilespmem:s11+$0x2C00] =	vst v1  }
0x2a7: {  	v1 =	vld [tilespmem:$0xA790];
	_ =	sdelay $0x1  }
0x2a8: {  	v2 =	vadd.f32 v2, v3;
	_ =	sdelay $0x1  }
0x2a9: {  	v3 =	vld [tilespmem:s11+$0x7C20];
	v2 =	vmax.f32 v2, $0.0e+00  }
0x2aa: {  	v1 =	vmul.f32 v2, v1;
	v2 =	vld [tilespmem:s11+$0x2C20];
	_ =	sdelay $0x1  }
0x2ab: {  	[tilespmem:s11+$0x2C10] =	vst v1  }
0x2ac: {  	v1 =	vld [tilespmem:$0xA7A0];
	_ =	sdelay $0x1  }
0x2ad: {  	v2 =	vadd.f32 v3, v2;
	_ =	sdelay $0x1  }
0x2ae: {  	v3 =	vld [tilespmem:s11+$0x7C30];
	v2 =	vmax.f32 v2, $0.0e+00  }
0x2af: {  	v1 =	vmul.f32 v2, v1;
	v2 =	vld [tilespmem:s11+$0x2C30];
	_ =	sdelay $0x1  }
0x2b0: {  	[tilespmem:s11+$0x2C20] =	vst v1  }
0x2b1: {  	v1 =	vld [tilespmem:$0xA7B0];
	_ =	sdelay $0x1  }
0x2b2: {  	v2 =	vadd.f32 v3, v2;
	_ =	sdelay $0x1  }
0x2b3: {  	v3 =	vld [tilespmem:s11+$0x7C40];
	v2 =	vmax.f32 v2, $0.0e+00  }
0x2b4: {  	v1 =	vmul.f32 v2, v1;
	v2 =	vld [tilespmem:s11+$0x2C40];
	_ =	sdelay $0x1  }
0x2b5: {  	[tilespmem:s11+$0x2C30] =	vst v1  }
0x2b6: {  	v1 =	vld [tilespmem:$0xA7C0];
	_ =	sdelay $0x1  }
0x2b7: {  	v2 =	vadd.f32 v3, v2;
	_ =	sdelay $0x1  }
0x2b8: {  	v3 =	vld [tilespmem:s11+$0x7C50];
	v2 =	vmax.f32 v2, $0.0e+00  }
0x2b9: {  	v1 =	vmul.f32 v2, v1;
	v2 =	vld [tilespmem:s11+$0x2C50];
	_ =	sdelay $0x1  }
0x2ba: {  	[tilespmem:s11+$0x2C40] =	vst v1  }
0x2bb: {  	v1 =	vld [tilespmem:$0xA7D0];
	_ =	sdelay $0x1  }
0x2bc: {  	v2 =	vadd.f32 v3, v2;
	_ =	sdelay $0x1  }
0x2bd: {  	v3 =	vld [tilespmem:s11+$0x7C60];
	v2 =	vmax.f32 v2, $0.0e+00  }
0x2be: {  	v1 =	vmul.f32 v2, v1;
	v2 =	vld [tilespmem:s11+$0x2C60];
	_ =	sdelay $0x1  }
0x2bf: {  	[tilespmem:s11+$0x2C50] =	vst v1  }
0x2c0: {  	v1 =	vld [tilespmem:$0xA7E0];
	_ =	sdelay $0x1  }
0x2c1: {  	v2 =	vadd.f32 v3, v2;
	_ =	sdelay $0x1  }
0x2c2: {  	v4 =	vld [tilespmem:s11+$0x7C70];
	v2 =	vmax.f32 v2, $0.0e+00  }
0x2c3: {  	v3 =	vld [tilespmem:s11+$0x2C70];
	v1 =	vmul.f32 v2, v1;
	_ =	sdelay $0x1  }
0x2c4: {  	[tilespmem:s11+$0x2C60] =	vst v1  }
0x2c5: {  	v2 =	vld [tilespmem:$0xA7F0];
	_ =	sdelay $0x1  }
0x2c6: {  	v3 =	vadd.f32 v4, v3  }
0x2c7: {  	s18 =	simm.s32 $0x80  }
0x2c8: {  	s12 =	simm.s32 $0x400;
	v1 =	vld [tilespmem:s18+$0x7C00];
	v3 =	vmax.f32 v3, $0.0e+00  }
.LBB2_14:
0x2c9: {  	p1 =	seq.s32 s12, $0x9E00;
	v4 =	vld [tilespmem:s18+$0x2C00];
	v2 =	vmul.f32 v3, v2;
	_ =	sdelay $0x1  }
0x2ca: {  	[tilespmem:s11+$0x2C70] =	vst v2;
	s11 =	smov.u32 s18  }
0x2cb: {  	v2 =	vld [tilespmem:$0xA780];
	_ =	sdelay $0x1  }
0x2cc: {  	v1 =	vadd.f32 v1, v4;
	_ =	sdelay $0x1  }
0x2cd: {  	v1 =	vmax.f32 v1, $0.0e+00;
	v3 =	vld [tilespmem:s11+$0x7C10]  }
0x2ce: {  	v1 =	vmul.f32 v1, v2;
	v2 =	vld [tilespmem:s11+$0x2C10];
	_ =	sdelay $0x1  }
0x2cf: {  	[tilespmem:s11+$0x2C00] =	vst v1  }
0x2d0: {  	v1 =	vld [tilespmem:$0xA790];
	_ =	sdelay $0x1  }
0x2d1: {  	v2 =	vadd.f32 v3, v2;
	_ =	sdelay $0x1  }
0x2d2: {  	v2 =	vmax.f32 v2, $0.0e+00;
	v3 =	vld [tilespmem:s11+$0x7C20]  }
0x2d3: {  	v1 =	vmul.f32 v2, v1;
	v2 =	vld [tilespmem:s11+$0x2C20];
	_ =	sdelay $0x1  }
0x2d4: {  	[tilespmem:s11+$0x2C10] =	vst v1  }
0x2d5: {  	v1 =	vld [tilespmem:$0xA7A0];
	_ =	sdelay $0x1  }
0x2d6: {  	v2 =	vadd.f32 v3, v2;
	_ =	sdelay $0x1  }
0x2d7: {  	v2 =	vmax.f32 v2, $0.0e+00;
	v3 =	vld [tilespmem:s11+$0x7C30]  }
0x2d8: {  	v1 =	vmul.f32 v2, v1;
	v2 =	vld [tilespmem:s11+$0x2C30];
	_ =	sdelay $0x1  }
0x2d9: {  	[tilespmem:s11+$0x2C20] =	vst v1  }
0x2da: {  	v1 =	vld [tilespmem:$0xA7B0];
	_ =	sdelay $0x1  }
0x2db: {  	v2 =	vadd.f32 v3, v2;
	_ =	sdelay $0x1  }
0x2dc: {  	v2 =	vmax.f32 v2, $0.0e+00;
	v3 =	vld [tilespmem:s11+$0x7C40]  }
0x2dd: {  	v1 =	vmul.f32 v2, v1;
	v2 =	vld [tilespmem:s11+$0x2C40];
	_ =	sdelay $0x1  }
0x2de: {  	[tilespmem:s11+$0x2C30] =	vst v1  }
0x2df: {  	v1 =	vld [tilespmem:$0xA7C0];
	_ =	sdelay $0x1  }
0x2e0: {  	v2 =	vadd.f32 v3, v2;
	_ =	sdelay $0x1  }
0x2e1: {  	v2 =	vmax.f32 v2, $0.0e+00;
	v3 =	vld [tilespmem:s11+$0x7C50]  }
0x2e2: {  	v1 =	vmul.f32 v2, v1;
	v2 =	vld [tilespmem:s11+$0x2C50];
	_ =	sdelay $0x1  }
0x2e3: {  	[tilespmem:s11+$0x2C40] =	vst v1  }
0x2e4: {  	v1 =	vld [tilespmem:$0xA7D0];
	_ =	sdelay $0x1  }
0x2e5: {  	v2 =	vadd.f32 v3, v2;
	_ =	sdelay $0x1  }
0x2e6: {  	v2 =	vmax.f32 v2, $0.0e+00;
	v3 =	vld [tilespmem:s11+$0x7C60]  }
0x2e7: {  	v1 =	vmul.f32 v2, v1;
	v2 =	vld [tilespmem:s11+$0x2C60];
	_ =	sdelay $0x1  }
0x2e8: {  	[tilespmem:s11+$0x2C50] =	vst v1  }
0x2e9: {  	v1 =	vld [tilespmem:$0xA7E0];
	_ =	sdelay $0x1  }
0x2ea: {  	v2 =	vadd.f32 v3, v2;
	_ =	sdelay $0x1  }
0x2eb: {  	v2 =	vmax.f32 v2, $0.0e+00;
	v3 =	vld [tilespmem:s11+$0x7C70]  }
0x2ec: {  	v1 =	vmul.f32 v2, v1;
	v4 =	vld [tilespmem:s11+$0x2C70];
	_ =	sdelay $0x1  }
0x2ed: {  	[tilespmem:s11+$0x2C60] =	vst v1  }
.Ltmp9:
0x2ee: {  	v2 =	vld [tilespmem:$0xA7F0];
	(pc) =	sbr.rel @!p1 .LBB2_14-.Ltmp9, $4  }
0x2ef: {  	_ = 	snop  }
0x2f0: {  	v3 =	vadd.f32 v3, v4  }
0x2f1: {  	s18 =	sshra.s32 s12, $0x2  }
0x2f2: {  	s12 =	sadd.s32 $0x200, s12;
	v1 =	vld [tilespmem:s18+$0x7C00];
	v3 =	vmax.f32 v3, $0.0e+00  }
0x2f3: {  	v4 =	vld [tilespmem:s18+$0x2C00];
	v2 =	vmul.f32 v3, v2;
	_ =	sdelay $0x1  }
0x2f4: {  	[tilespmem:s11+$0x2C70] =	vst v2  }
0x2f5: {  	v2 =	vld [tilespmem:$0xA780];
	_ =	sdelay $0x1  }
0x2f6: {  	v1 =	vadd.f32 v1, v4;
	_ =	sdelay $0x1  }
0x2f7: {  	v3 =	vld [tilespmem:s18+$0x7C10];
	v1 =	vmax.f32 v1, $0.0e+00  }
0x2f8: {  	v1 =	vmul.f32 v1, v2;
	v2 =	vld [tilespmem:s18+$0x2C10];
	_ =	sdelay $0x1  }
0x2f9: {  	[tilespmem:s18+$0x2C00] =	vst v1  }
0x2fa: {  	v1 =	vld [tilespmem:$0xA790];
	_ =	sdelay $0x1  }
0x2fb: {  	v2 =	vadd.f32 v3, v2;
	_ =	sdelay $0x1  }
0x2fc: {  	v3 =	vld [tilespmem:s18+$0x7C20];
	v2 =	vmax.f32 v2, $0.0e+00  }
0x2fd: {  	v1 =	vmul.f32 v2, v1;
	v2 =	vld [tilespmem:s18+$0x2C20];
	_ =	sdelay $0x1  }
0x2fe: {  	[tilespmem:s18+$0x2C10] =	vst v1  }
0x2ff: {  	v1 =	vld [tilespmem:$0xA7A0];
	_ =	sdelay $0x1  }
0x300: {  	v2 =	vadd.f32 v3, v2;
	_ =	sdelay $0x1  }
0x301: {  	v3 =	vld [tilespmem:s18+$0x7C30];
	v2 =	vmax.f32 v2, $0.0e+00  }
0x302: {  	v1 =	vmul.f32 v2, v1;
	v2 =	vld [tilespmem:s18+$0x2C30];
	_ =	sdelay $0x1  }
0x303: {  	[tilespmem:s18+$0x2C20] =	vst v1  }
0x304: {  	v1 =	vld [tilespmem:$0xA7B0];
	_ =	sdelay $0x1  }
0x305: {  	v2 =	vadd.f32 v3, v2;
	_ =	sdelay $0x1  }
0x306: {  	v3 =	vld [tilespmem:s18+$0x7C40];
	v2 =	vmax.f32 v2, $0.0e+00  }
0x307: {  	v1 =	vmul.f32 v2, v1;
	v2 =	vld [tilespmem:s18+$0x2C40];
	_ =	sdelay $0x1  }
0x308: {  	[tilespmem:s18+$0x2C30] =	vst v1  }
0x309: {  	v1 =	vld [tilespmem:$0xA7C0];
	_ =	sdelay $0x1  }
0x30a: {  	v2 =	vadd.f32 v3, v2;
	_ =	sdelay $0x1  }
0x30b: {  	v3 =	vld [tilespmem:s18+$0x7C50];
	v2 =	vmax.f32 v2, $0.0e+00  }
0x30c: {  	v1 =	vmul.f32 v2, v1;
	v2 =	vld [tilespmem:s18+$0x2C50];
	_ =	sdelay $0x1  }
0x30d: {  	[tilespmem:s18+$0x2C40] =	vst v1  }
0x30e: {  	v1 =	vld [tilespmem:$0xA7D0];
	_ =	sdelay $0x1  }
0x30f: {  	v2 =	vadd.f32 v3, v2;
	_ =	sdelay $0x1  }
0x310: {  	v3 =	vld [tilespmem:s18+$0x7C60];
	v2 =	vmax.f32 v2, $0.0e+00  }
0x311: {  	v1 =	vmul.f32 v2, v1;
	v2 =	vld [tilespmem:s18+$0x2C60];
	_ =	sdelay $0x1  }
0x312: {  	[tilespmem:s18+$0x2C50] =	vst v1  }
0x313: {  	v1 =	vld [tilespmem:$0xA7E0];
	_ =	sdelay $0x1  }
0x314: {  	v2 =	vadd.f32 v3, v2;
	_ =	sdelay $0x1  }
0x315: {  	v3 =	vld [tilespmem:s18+$0x7C70];
	v2 =	vmax.f32 v2, $0.0e+00  }
0x316: {  	v1 =	vmul.f32 v2, v1;
	v2 =	vld [tilespmem:s18+$0x2C70];
	_ =	sdelay $0x1  }
0x317: {  	[tilespmem:s18+$0x2C60] =	vst v1  }
0x318: {  	v1 =	vld [tilespmem:$0xA7F0];
	_ =	sdelay $0x1  }
0x319: {  	v2 =	vadd.f32 v3, v2  }
.Ltmp10:
0x31a: {  	_ = 	snop;
	(pc) =	sbr.rel .LBB2_20-.Ltmp10, $3  }
0x31b: {  	v2 =	vmax.f32 v2, $0.0e+00  }
0x31c: {  	v1 =	vmul.f32 v2, v1;
	_ =	sdelay $0x1  }
0x31d: {  	[tilespmem:s18+$0x2C70] =	vst v1  }
.LBB2_16:
0x31e: {  	p2 =	slt.u32 @!p1 s11, $0x80000002  }
0x31f: {  	p1 =	por p1, p2  }
.Ltmp11:
0x320: {  	_ = 	snop;
	(pc) =	sbr.rel @p1 .LBB2_20-.Ltmp11, $1  }
0x321: {  	_ =	sdelay $0x3  }
0x322: {  	s11 =	simm.s32 $0x0;
	s21 =	simm.s32 $0x2C40  }
0x323: {  	s12 =	simm.s32 $0x7C40;
	v1 =	vmov s11;
	v2 =	vld [tilespmem:s21+$0xFFFFFFC0]  }
0x324: {  	v3 =	vld [tilespmem:s12+$0xFFFFFFC0];
	_ =	sdelay $0x2  }
0x325: {  	v4 =	vld [tilespmem:$0xA780]  }
0x326: {  	v1 =	vld.idx.msk [tilespmem:v1+s22+$0x0], $0xffff  }
0x327: {  	v3 =	vadd.f32 v3, v2;
	_ =	sdelay $0x1  }
0x328: {  	v3 =	vmax.f32 v3, $0.0e+00  }
0x329: {  	v3 =	vmul.f32 v3, v4  }
0x32a: {  	vm0 =	veq.s32 v1, $0x1  }
0x32b: {  	v1 =	vsel vm0, v3, v2  }
0x32c: {  	[tilespmem:s21+$0xFFFFFFC0] =	vst v1;
	v1 =	vld [tilespmem:s21+$0xFFFFFFD0]  }
0x32d: {  	v2 =	vld [tilespmem:s12+$0xFFFFFFD0];
	_ =	sdelay $0x2  }
0x32e: {  	v3 =	vld [tilespmem:$0xA790];
	_ =	sdelay $0x1  }
0x32f: {  	v2 =	vadd.f32 v2, v1;
	_ =	sdelay $0x1  }
0x330: {  	v2 =	vmax.f32 v2, $0.0e+00  }
0x331: {  	v2 =	vmul.f32 v2, v3;
	_ =	sdelay $0x1  }
0x332: {  	v1 =	vsel vm0, v2, v1  }
0x333: {  	[tilespmem:s21+$0xFFFFFFD0] =	vst v1;
	v1 =	vld [tilespmem:s21+$0xFFFFFFE0]  }
0x334: {  	v2 =	vld [tilespmem:s12+$0xFFFFFFE0];
	_ =	sdelay $0x2  }
0x335: {  	v3 =	vld [tilespmem:$0xA7A0];
	_ =	sdelay $0x1  }
0x336: {  	v2 =	vadd.f32 v2, v1;
	_ =	sdelay $0x1  }
0x337: {  	v2 =	vmax.f32 v2, $0.0e+00  }
0x338: {  	v2 =	vmul.f32 v2, v3;
	_ =	sdelay $0x1  }
0x339: {  	v1 =	vsel vm0, v2, v1  }
0x33a: {  	[tilespmem:s21+$0xFFFFFFE0] =	vst v1;
	v1 =	vld [tilespmem:s21+$0xFFFFFFF0]  }
0x33b: {  	v2 =	vld [tilespmem:s12+$0xFFFFFFF0];
	_ =	sdelay $0x2  }
0x33c: {  	v3 =	vld [tilespmem:$0xA7B0];
	_ =	sdelay $0x1  }
0x33d: {  	v2 =	vadd.f32 v2, v1;
	_ =	sdelay $0x1  }
0x33e: {  	v2 =	vmax.f32 v2, $0.0e+00  }
0x33f: {  	v2 =	vmul.f32 v2, v3;
	_ =	sdelay $0x1  }
0x340: {  	v1 =	vsel vm0, v2, v1  }
0x341: {  	[tilespmem:s21+$0xFFFFFFF0] =	vst v1;
	v1 =	vld [tilespmem:s21+$0x0]  }
0x342: {  	v2 =	vld [tilespmem:s12+$0x0];
	_ =	sdelay $0x2  }
0x343: {  	v3 =	vld [tilespmem:$0xA7C0];
	_ =	sdelay $0x1  }
0x344: {  	v2 =	vadd.f32 v2, v1;
	_ =	sdelay $0x1  }
0x345: {  	v2 =	vmax.f32 v2, $0.0e+00  }
0x346: {  	v2 =	vmul.f32 v2, v3;
	_ =	sdelay $0x1  }
0x347: {  	v1 =	vsel vm0, v2, v1  }
0x348: {  	[tilespmem:s21+$0x0] =	vst v1;
	v1 =	vld [tilespmem:s21+$0x10]  }
0x349: {  	v2 =	vld [tilespmem:s12+$0x10];
	_ =	sdelay $0x2  }
0x34a: {  	v3 =	vld [tilespmem:$0xA7D0];
	_ =	sdelay $0x1  }
0x34b: {  	v2 =	vadd.f32 v2, v1;
	_ =	sdelay $0x1  }
0x34c: {  	v2 =	vmax.f32 v2, $0.0e+00  }
0x34d: {  	v2 =	vmul.f32 v2, v3;
	_ =	sdelay $0x1  }
0x34e: {  	v1 =	vsel vm0, v2, v1  }
0x34f: {  	[tilespmem:s21+$0x10] =	vst v1;
	v1 =	vld [tilespmem:s21+$0x20]  }
0x350: {  	v2 =	vld [tilespmem:s12+$0x20];
	_ =	sdelay $0x2  }
0x351: {  	v3 =	vld [tilespmem:$0xA7E0];
	_ =	sdelay $0x1  }
0x352: {  	v2 =	vadd.f32 v2, v1;
	_ =	sdelay $0x1  }
0x353: {  	v2 =	vmax.f32 v2, $0.0e+00  }
0x354: {  	v2 =	vmul.f32 v2, v3;
	_ =	sdelay $0x1  }
0x355: {  	v1 =	vsel vm0, v2, v1  }
0x356: {  	v2 =	vld [tilespmem:s21+$0x30];
	[tilespmem:s21+$0x20] =	vst v1  }
0x357: {  	v1 =	vld [tilespmem:s12+$0x30];
	_ =	sdelay $0x2  }
0x358: {  	v3 =	vld [tilespmem:$0xA7F0];
	_ =	sdelay $0x1  }
0x359: {  	v1 =	vadd.f32 v1, v2;
	_ =	sdelay $0x1  }
0x35a: {  	v1 =	vmax.f32 v1, $0.0e+00  }
0x35b: {  	v3 =	vmul.f32 v1, v3  }
0x35c: {  	s31 =	simm.s32 $0x1  }
0x35d: {  	s18 =	simm.s32 $0x2;
	s11 =	simm.s32 $0x2CC0;
	v1 =	vmov s31;
	v2 =	vsel vm0, v3, v2  }
.LBB2_18:
0x35e: {  	p1 =	sne.s32 s18, $0x4F;
	s12 =	sadd.s32 $0x80, s12  }
0x35f: {  	v3 =	vld [tilespmem:s11+$0xFFFFFFC0];
	[tilespmem:s21+$0x30] =	vst v2;
	s31 =	smov.u32 s18;
	s18 =	sadd.s32 $0x1, s18;
	s21 =	smov.u32 s11  }
0x360: {  	v2 =	vld [tilespmem:s12+$0xFFFFFFC0];
	_ =	sdelay $0x1  }
0x361: {  	v4 =	vld [tilespmem:$0xA780]  }
0x362: {  	v1 =	vld.idx.msk [tilespmem:v1+s22+$0x0], $0xffff;
	_ =	sdelay $0x1  }
0x363: {  	v2 =	vadd.f32 v2, v3;
	_ =	sdelay $0x1  }
0x364: {  	v2 =	vmax.f32 v2, $0.0e+00  }
0x365: {  	v2 =	vmul.f32 v2, v4  }
0x366: {  	vm0 =	veq.s32 v1, $0x1  }
0x367: {  	v1 =	vsel vm0, v2, v3  }
0x368: {  	[tilespmem:s11+$0xFFFFFFC0] =	vst v1;
	v1 =	vld [tilespmem:s11+$0xFFFFFFD0]  }
0x369: {  	v2 =	vld [tilespmem:s12+$0xFFFFFFD0];
	_ =	sdelay $0x2  }
0x36a: {  	v3 =	vld [tilespmem:$0xA790];
	_ =	sdelay $0x1  }
0x36b: {  	v2 =	vadd.f32 v2, v1;
	_ =	sdelay $0x1  }
0x36c: {  	v2 =	vmax.f32 v2, $0.0e+00  }
0x36d: {  	v2 =	vmul.f32 v2, v3;
	_ =	sdelay $0x1  }
0x36e: {  	v1 =	vsel vm0, v2, v1  }
0x36f: {  	[tilespmem:s11+$0xFFFFFFD0] =	vst v1;
	v1 =	vld [tilespmem:s11+$0xFFFFFFE0]  }
0x370: {  	v2 =	vld [tilespmem:s12+$0xFFFFFFE0];
	_ =	sdelay $0x2  }
0x371: {  	v3 =	vld [tilespmem:$0xA7A0];
	_ =	sdelay $0x1  }
0x372: {  	v2 =	vadd.f32 v2, v1;
	_ =	sdelay $0x1  }
0x373: {  	v2 =	vmax.f32 v2, $0.0e+00  }
0x374: {  	v2 =	vmul.f32 v2, v3;
	_ =	sdelay $0x1  }
0x375: {  	v1 =	vsel vm0, v2, v1  }
0x376: {  	[tilespmem:s11+$0xFFFFFFE0] =	vst v1;
	v1 =	vld [tilespmem:s11+$0xFFFFFFF0]  }
0x377: {  	v2 =	vld [tilespmem:s12+$0xFFFFFFF0];
	_ =	sdelay $0x2  }
0x378: {  	v3 =	vld [tilespmem:$0xA7B0];
	_ =	sdelay $0x1  }
0x379: {  	v2 =	vadd.f32 v2, v1;
	_ =	sdelay $0x1  }
0x37a: {  	v2 =	vmax.f32 v2, $0.0e+00  }
0x37b: {  	v2 =	vmul.f32 v2, v3;
	_ =	sdelay $0x1  }
0x37c: {  	v1 =	vsel vm0, v2, v1  }
0x37d: {  	[tilespmem:s11+$0xFFFFFFF0] =	vst v1;
	v1 =	vld [tilespmem:s11+$0x0]  }
0x37e: {  	v2 =	vld [tilespmem:s12+$0x0];
	_ =	sdelay $0x2  }
0x37f: {  	v3 =	vld [tilespmem:$0xA7C0];
	_ =	sdelay $0x1  }
0x380: {  	v2 =	vadd.f32 v2, v1;
	_ =	sdelay $0x1  }
0x381: {  	v2 =	vmax.f32 v2, $0.0e+00  }
0x382: {  	v2 =	vmul.f32 v2, v3;
	_ =	sdelay $0x1  }
0x383: {  	v1 =	vsel vm0, v2, v1  }
0x384: {  	[tilespmem:s11+$0x0] =	vst v1;
	v1 =	vld [tilespmem:s11+$0x10]  }
0x385: {  	v2 =	vld [tilespmem:s12+$0x10]  }
0x386: {  	v3 =	vld [tilespmem:$0xA7D0];
	_ =	sdelay $0x3  }
0x387: {  	v2 =	vadd.f32 v2, v1;
	_ =	sdelay $0x1  }
0x388: {  	v2 =	vmax.f32 v2, $0.0e+00  }
0x389: {  	v2 =	vmul.f32 v2, v3;
	_ =	sdelay $0x1  }
0x38a: {  	v1 =	vsel vm0, v2, v1  }
0x38b: {  	[tilespmem:s11+$0x10] =	vst v1;
	v1 =	vld [tilespmem:s11+$0x20]  }
0x38c: {  	v2 =	vld [tilespmem:s12+$0x20]  }
0x38d: {  	v3 =	vld [tilespmem:$0xA7E0];
	_ =	sdelay $0x3  }
0x38e: {  	v2 =	vadd.f32 v2, v1;
	_ =	sdelay $0x1  }
0x38f: {  	v2 =	vmax.f32 v2, $0.0e+00  }
0x390: {  	v2 =	vmul.f32 v2, v3;
	_ =	sdelay $0x1  }
0x391: {  	v1 =	vsel vm0, v2, v1  }
0x392: {  	[tilespmem:s11+$0x20] =	vst v1;
	v2 =	vld [tilespmem:s11+$0x30]  }
0x393: {  	v1 =	vld [tilespmem:s12+$0x30]  }
0x394: {  	v3 =	vld [tilespmem:$0xA7F0];
	_ =	sdelay $0x3  }
0x395: {  	v1 =	vadd.f32 v1, v2  }
.Ltmp12:
0x396: {  	(pc) =	sbr.rel @p1 .LBB2_18-.Ltmp12, $3  }
0x397: {  	v1 =	vmax.f32 v1, $0.0e+00  }
0x398: {  	v3 =	vmul.f32 v1, v3;
	_ =	sdelay $0x1  }
0x399: {  	s11 =	sadd.s32 $0x80, s11;
	v1 =	vmov s31;
	v2 =	vsel vm0, v3, v2  }
0x39a: {  	v3 =	vld [tilespmem:s11+$0xFFFFFFC0];
	[tilespmem:s21+$0x30] =	vst v2;
	s12 =	sadd.s32 $0x80, s12  }
0x39b: {  	v2 =	vld [tilespmem:s12+$0xFFFFFFC0];
	_ =	sdelay $0x2  }
0x39c: {  	v4 =	vld [tilespmem:$0xA780]  }
0x39d: {  	v1 =	vld.idx.msk [tilespmem:v1+s22+$0x0], $0xffff  }
0x39e: {  	v2 =	vadd.f32 v2, v3;
	_ =	sdelay $0x1  }
0x39f: {  	v2 =	vmax.f32 v2, $0.0e+00  }
0x3a0: {  	v2 =	vmul.f32 v2, v4  }
0x3a1: {  	vm0 =	veq.s32 v1, $0x1  }
0x3a2: {  	v1 =	vsel vm0, v2, v3  }
0x3a3: {  	[tilespmem:s11+$0xFFFFFFC0] =	vst v1;
	v1 =	vld [tilespmem:s11+$0xFFFFFFD0]  }
0x3a4: {  	v2 =	vld [tilespmem:s12+$0xFFFFFFD0];
	_ =	sdelay $0x2  }
0x3a5: {  	v3 =	vld [tilespmem:$0xA790];
	_ =	sdelay $0x1  }
0x3a6: {  	v2 =	vadd.f32 v2, v1;
	_ =	sdelay $0x1  }
0x3a7: {  	v2 =	vmax.f32 v2, $0.0e+00  }
0x3a8: {  	v2 =	vmul.f32 v2, v3;
	_ =	sdelay $0x1  }
0x3a9: {  	v1 =	vsel vm0, v2, v1  }
0x3aa: {  	[tilespmem:s11+$0xFFFFFFD0] =	vst v1;
	v1 =	vld [tilespmem:s11+$0xFFFFFFE0]  }
0x3ab: {  	v2 =	vld [tilespmem:s12+$0xFFFFFFE0];
	_ =	sdelay $0x2  }
0x3ac: {  	v3 =	vld [tilespmem:$0xA7A0];
	_ =	sdelay $0x1  }
0x3ad: {  	v2 =	vadd.f32 v2, v1;
	_ =	sdelay $0x1  }
0x3ae: {  	v2 =	vmax.f32 v2, $0.0e+00  }
0x3af: {  	v2 =	vmul.f32 v2, v3;
	_ =	sdelay $0x1  }
0x3b0: {  	v1 =	vsel vm0, v2, v1  }
0x3b1: {  	[tilespmem:s11+$0xFFFFFFE0] =	vst v1;
	v1 =	vld [tilespmem:s11+$0xFFFFFFF0]  }
0x3b2: {  	v2 =	vld [tilespmem:s12+$0xFFFFFFF0];
	_ =	sdelay $0x2  }
0x3b3: {  	v3 =	vld [tilespmem:$0xA7B0];
	_ =	sdelay $0x1  }
0x3b4: {  	v2 =	vadd.f32 v2, v1;
	_ =	sdelay $0x1  }
0x3b5: {  	v2 =	vmax.f32 v2, $0.0e+00  }
0x3b6: {  	v2 =	vmul.f32 v2, v3;
	_ =	sdelay $0x1  }
0x3b7: {  	v1 =	vsel vm0, v2, v1  }
0x3b8: {  	[tilespmem:s11+$0xFFFFFFF0] =	vst v1;
	v1 =	vld [tilespmem:s11+$0x0]  }
0x3b9: {  	v2 =	vld [tilespmem:s12+$0x0];
	_ =	sdelay $0x2  }
0x3ba: {  	v3 =	vld [tilespmem:$0xA7C0];
	_ =	sdelay $0x1  }
0x3bb: {  	v2 =	vadd.f32 v2, v1;
	_ =	sdelay $0x1  }
0x3bc: {  	v2 =	vmax.f32 v2, $0.0e+00  }
0x3bd: {  	v2 =	vmul.f32 v2, v3;
	_ =	sdelay $0x1  }
0x3be: {  	v1 =	vsel vm0, v2, v1  }
0x3bf: {  	[tilespmem:s11+$0x0] =	vst v1;
	v1 =	vld [tilespmem:s11+$0x10]  }
0x3c0: {  	v2 =	vld [tilespmem:s12+$0x10];
	_ =	sdelay $0x2  }
0x3c1: {  	v3 =	vld [tilespmem:$0xA7D0];
	_ =	sdelay $0x1  }
0x3c2: {  	v2 =	vadd.f32 v2, v1;
	_ =	sdelay $0x1  }
0x3c3: {  	v2 =	vmax.f32 v2, $0.0e+00  }
0x3c4: {  	v2 =	vmul.f32 v2, v3;
	_ =	sdelay $0x1  }
0x3c5: {  	v1 =	vsel vm0, v2, v1  }
0x3c6: {  	[tilespmem:s11+$0x10] =	vst v1;
	v1 =	vld [tilespmem:s11+$0x20]  }
0x3c7: {  	v2 =	vld [tilespmem:s12+$0x20];
	_ =	sdelay $0x2  }
0x3c8: {  	v3 =	vld [tilespmem:$0xA7E0];
	_ =	sdelay $0x1  }
0x3c9: {  	v2 =	vadd.f32 v2, v1;
	_ =	sdelay $0x1  }
0x3ca: {  	v2 =	vmax.f32 v2, $0.0e+00  }
0x3cb: {  	v2 =	vmul.f32 v2, v3;
	_ =	sdelay $0x1  }
0x3cc: {  	v1 =	vsel vm0, v2, v1  }
0x3cd: {  	[tilespmem:s11+$0x20] =	vst v1;
	v1 =	vld [tilespmem:s11+$0x30]  }
0x3ce: {  	v2 =	vld [tilespmem:s12+$0x30];
	_ =	sdelay $0x2  }
0x3cf: {  	v3 =	vld [tilespmem:$0xA7F0];
	_ =	sdelay $0x1  }
0x3d0: {  	v2 =	vadd.f32 v2, v1;
	_ =	sdelay $0x1  }
0x3d1: {  	v2 =	vmax.f32 v2, $0.0e+00  }
0x3d2: {  	v2 =	vmul.f32 v2, v3;
	_ =	sdelay $0x1  }
0x3d3: {  	v1 =	vsel vm0, v2, v1  }
0x3d4: {  	[tilespmem:s11+$0x30] =	vst v1  }
.LBB2_20:
0x3d5: {  	p1 =	seq.s32 s25, $0x3D  }
.Ltmp13:
0x3d6: {  	_ = 	snop;
	(pc) =	sbr.rel @p1 .LBB2_22-.Ltmp13, $4  }
0x3d7: {  	_ =	swait.ge [sflag:s29], $0x50  }
0x3d8: {  	[sflag:s29] =	ssyncset.done $0x0  }
0x3d9: {  	[sflag:s29] =	ssyncadd.s32 $0xFFFFFFB0  }
0x3da: {  	[spmem:s6] =	stream.indirect.scatter.add.f32 [tilespmem:s14], [sflag:$0xA], $0x80, s3, s30, $0xb8;
	[tilespmem:$0x1E080] =	vst v63  }
0x3db: {  	s5 =	sadd.s32 s5, s24  }
.Ltmp14:
0x3dc: {  	s5 =	sshrl.u32 s5, $0x3;
	(pc) =	sbr.rel .LBB2_4-.Ltmp14, $4  }
0x3dd: {  	s12 =	simm.s32 $0x80;
	s11 =	sadd.s32 s9, s5  }
0x3de: {  	[tilespmem:s12], [sflag:$0x2] =	stream.linear.gather [hbm4b:s11+s7], $0x50, $0x38;
	[tilespmem:$0x1E080] =	vst v63  }
0x3df: {  	s25 =	sadd.s32 $0x1, s25;
	s5 =	sadd.s32 s1, s5  }
0x3e0: {  	[tilespmem:s22], [sflag:$0x2] =	stream.linear.gather [hbm4b:s5+s7], $0x50, $0x38;
	[tilespmem:$0x1E080] =	vst v63  }
.LBB2_22:
0x3e1: {  	s5 =	simm.s32 $0xA  }
0x3e2: {  	_ =	swait.ge [sflag:s5], $0x2800  }
0x3e3: {  	[sflag:s5] =	ssyncset.done $0x0  }
0x3e4: {  	[sflag:s5] =	ssyncadd.s32 $0xFFFFD800  }
0x3e5: {  	_ =	swait.ge [sflag:s15], $0x2800  }
0x3e6: {  	[sflag:s15] =	ssyncset.done $0x0  }
0x3e7: {  	[sflag:s15] =	ssyncadd.s32 $0xFFFFD800  }
0x3e8: {  	v1 =	vld [tilespmem:$0xA400]  }
0x3e9: {  	v2 =	vld [tilespmem:$0xA410];
	_ =	sdelay $0x3  }
0x3ea: {  	v1 =	vxor.u32 $0x80000000, v1  }
0x3eb: {  	(xrf0) =	vmin.scan.msk.u32 $0xffff, v1;
	v1 =	vxor.u32 $0x80000000, v2  }
0x3ec: {  	(xrf0) =	vmax.scan.msk.u32 $0xffff, v1;
	_ =	sdelay $0x4  }
0x3ed: {  	v1, _, _ =	vpop (xrf0)  }
0x3ee: {  	(v2sf) =	vpush v1, $0xF;
	v1, _, _ =	vpop (xrf0)  }
0x3ef: {  	(v2sf) =	vpush v1, $0xF;
	_ =	sdelay $0xd  }
0x3f0: {  	s31 =	spop (v2sf)  }
0x3f1: {  	s5 =	spop (v2sf)  }
0x3f2: {  	p2 =	sne.s32 s5, $0x80000001  }
.Ltmp15:
0x3f3: {  	p1 =	sne.s32 s31, $0x80000001;
	(pc) =	sbr.rel @p2 .LBB2_26-.Ltmp15, $4  }
0x3f4: {  	s11 =	simm.s32 @!p1 $0x7  }
0x3f5: {  	_ =	swait.ge @!p1 [sflag:s11], $0x2800  }
0x3f6: {  	[sflag:s11] =	ssyncset.done @!p1 $0x0  }
0x3f7: {  	[sflag:s11] =	ssyncadd.s32 @!p1 $0xFFFFD800  }
0x3f8: {  	s5 =	simm.s32 $0x0  }
0x3f9: {  	v1 =	vld [tilespmem:s5+$0x5400]  }
0x3fa: {  	v2 =	vld [tilespmem:s5+$0x400];
	_ =	sdelay $0x2  }
0x3fb: {  	v3 =	vld [tilespmem:$0xA780];
	_ =	sdelay $0x1  }
0x3fc: {  	v1 =	vadd.f32 v1, v2;
	_ =	sdelay $0x1  }
0x3fd: {  	v2 =	vld [tilespmem:s5+$0x5410];
	v1 =	vmax.f32 v1, $0.0e+00  }
0x3fe: {  	v1 =	vmul.f32 v1, v3;
	v3 =	vld [tilespmem:s5+$0x410];
	_ =	sdelay $0x1  }
0x3ff: {  	[tilespmem:s5+$0x400] =	vst v1  }
0x400: {  	v1 =	vld [tilespmem:$0xA790];
	_ =	sdelay $0x1  }
0x401: {  	v2 =	vadd.f32 v2, v3;
	_ =	sdelay $0x1  }
0x402: {  	v3 =	vld [tilespmem:s5+$0x5420];
	v2 =	vmax.f32 v2, $0.0e+00  }
0x403: {  	v1 =	vmul.f32 v2, v1;
	v2 =	vld [tilespmem:s5+$0x420];
	_ =	sdelay $0x1  }
0x404: {  	[tilespmem:s5+$0x410] =	vst v1  }
0x405: {  	v1 =	vld [tilespmem:$0xA7A0];
	_ =	sdelay $0x1  }
0x406: {  	v2 =	vadd.f32 v3, v2;
	_ =	sdelay $0x1  }
0x407: {  	v3 =	vld [tilespmem:s5+$0x5430];
	v2 =	vmax.f32 v2, $0.0e+00  }
0x408: {  	v1 =	vmul.f32 v2, v1;
	v2 =	vld [tilespmem:s5+$0x430];
	_ =	sdelay $0x1  }
0x409: {  	[tilespmem:s5+$0x420] =	vst v1  }
0x40a: {  	v1 =	vld [tilespmem:$0xA7B0];
	_ =	sdelay $0x1  }
0x40b: {  	v2 =	vadd.f32 v3, v2;
	_ =	sdelay $0x1  }
0x40c: {  	v3 =	vld [tilespmem:s5+$0x5440];
	v2 =	vmax.f32 v2, $0.0e+00  }
0x40d: {  	v1 =	vmul.f32 v2, v1;
	v2 =	vld [tilespmem:s5+$0x440];
	_ =	sdelay $0x1  }
0x40e: {  	[tilespmem:s5+$0x430] =	vst v1  }
0x40f: {  	v1 =	vld [tilespmem:$0xA7C0];
	_ =	sdelay $0x1  }
0x410: {  	v2 =	vadd.f32 v3, v2;
	_ =	sdelay $0x1  }
0x411: {  	v3 =	vld [tilespmem:s5+$0x5450];
	v2 =	vmax.f32 v2, $0.0e+00  }
0x412: {  	v1 =	vmul.f32 v2, v1;
	v2 =	vld [tilespmem:s5+$0x450];
	_ =	sdelay $0x1  }
0x413: {  	[tilespmem:s5+$0x440] =	vst v1  }
0x414: {  	v1 =	vld [tilespmem:$0xA7D0];
	_ =	sdelay $0x1  }
0x415: {  	v2 =	vadd.f32 v3, v2;
	_ =	sdelay $0x1  }
0x416: {  	v3 =	vld [tilespmem:s5+$0x5460];
	v2 =	vmax.f32 v2, $0.0e+00  }
0x417: {  	v1 =	vmul.f32 v2, v1;
	v2 =	vld [tilespmem:s5+$0x460];
	_ =	sdelay $0x1  }
0x418: {  	[tilespmem:s5+$0x450] =	vst v1  }
0x419: {  	v1 =	vld [tilespmem:$0xA7E0];
	_ =	sdelay $0x1  }
0x41a: {  	v2 =	vadd.f32 v3, v2;
	_ =	sdelay $0x1  }
0x41b: {  	v4 =	vld [tilespmem:s5+$0x5470];
	v2 =	vmax.f32 v2, $0.0e+00  }
0x41c: {  	v3 =	vld [tilespmem:s5+$0x470];
	v1 =	vmul.f32 v2, v1;
	_ =	sdelay $0x1  }
0x41d: {  	[tilespmem:s5+$0x460] =	vst v1  }
0x41e: {  	v2 =	vld [tilespmem:$0xA7F0];
	_ =	sdelay $0x1  }
0x41f: {  	v3 =	vadd.f32 v4, v3  }
0x420: {  	s12 =	simm.s32 $0x80  }
0x421: {  	s11 =	simm.s32 $0x400;
	s25 =	rddreg [dreg:$0x13];
	s18 =	simm.s32 $0xB;
	v1 =	vld [tilespmem:s12+$0x5400];
	v3 =	vmax.f32 v3, $0.0e+00  }
.LBB2_24:
0x422: {  	p1 =	seq.s32 s11, $0x9E00;
	v4 =	vld [tilespmem:s12+$0x400];
	v2 =	vmul.f32 v3, v2;
	_ =	sdelay $0x1  }
0x423: {  	[tilespmem:s5+$0x470] =	vst v2;
	s5 =	smov.u32 s12  }
0x424: {  	v2 =	vld [tilespmem:$0xA780];
	_ =	sdelay $0x1  }
0x425: {  	v1 =	vadd.f32 v1, v4;
	_ =	sdelay $0x1  }
0x426: {  	v1 =	vmax.f32 v1, $0.0e+00;
	v3 =	vld [tilespmem:s5+$0x5410]  }
0x427: {  	v1 =	vmul.f32 v1, v2;
	v2 =	vld [tilespmem:s5+$0x410];
	_ =	sdelay $0x1  }
0x428: {  	[tilespmem:s5+$0x400] =	vst v1  }
0x429: {  	v1 =	vld [tilespmem:$0xA790];
	_ =	sdelay $0x1  }
0x42a: {  	v2 =	vadd.f32 v3, v2;
	_ =	sdelay $0x1  }
0x42b: {  	v2 =	vmax.f32 v2, $0.0e+00;
	v3 =	vld [tilespmem:s5+$0x5420]  }
0x42c: {  	v1 =	vmul.f32 v2, v1;
	v2 =	vld [tilespmem:s5+$0x420];
	_ =	sdelay $0x1  }
0x42d: {  	[tilespmem:s5+$0x410] =	vst v1  }
0x42e: {  	v1 =	vld [tilespmem:$0xA7A0];
	_ =	sdelay $0x1  }
0x42f: {  	v2 =	vadd.f32 v3, v2;
	_ =	sdelay $0x1  }
0x430: {  	v2 =	vmax.f32 v2, $0.0e+00;
	v3 =	vld [tilespmem:s5+$0x5430]  }
0x431: {  	v1 =	vmul.f32 v2, v1;
	v2 =	vld [tilespmem:s5+$0x430];
	_ =	sdelay $0x1  }
0x432: {  	[tilespmem:s5+$0x420] =	vst v1  }
0x433: {  	v1 =	vld [tilespmem:$0xA7B0];
	_ =	sdelay $0x1  }
0x434: {  	v2 =	vadd.f32 v3, v2;
	_ =	sdelay $0x1  }
0x435: {  	v2 =	vmax.f32 v2, $0.0e+00;
	v3 =	vld [tilespmem:s5+$0x5440]  }
0x436: {  	v1 =	vmul.f32 v2, v1;
	v2 =	vld [tilespmem:s5+$0x440];
	_ =	sdelay $0x1  }
0x437: {  	[tilespmem:s5+$0x430] =	vst v1  }
0x438: {  	v1 =	vld [tilespmem:$0xA7C0];
	_ =	sdelay $0x1  }
0x439: {  	v2 =	vadd.f32 v3, v2;
	_ =	sdelay $0x1  }
0x43a: {  	v2 =	vmax.f32 v2, $0.0e+00;
	v3 =	vld [tilespmem:s5+$0x5450]  }
0x43b: {  	v1 =	vmul.f32 v2, v1;
	v2 =	vld [tilespmem:s5+$0x450];
	_ =	sdelay $0x1  }
0x43c: {  	[tilespmem:s5+$0x440] =	vst v1  }
0x43d: {  	v1 =	vld [tilespmem:$0xA7D0];
	_ =	sdelay $0x1  }
0x43e: {  	v2 =	vadd.f32 v3, v2;
	_ =	sdelay $0x1  }
0x43f: {  	v2 =	vmax.f32 v2, $0.0e+00;
	v3 =	vld [tilespmem:s5+$0x5460]  }
0x440: {  	v1 =	vmul.f32 v2, v1;
	v2 =	vld [tilespmem:s5+$0x460];
	_ =	sdelay $0x1  }
0x441: {  	[tilespmem:s5+$0x450] =	vst v1  }
0x442: {  	v1 =	vld [tilespmem:$0xA7E0];
	_ =	sdelay $0x1  }
0x443: {  	v2 =	vadd.f32 v3, v2;
	_ =	sdelay $0x1  }
0x444: {  	v2 =	vmax.f32 v2, $0.0e+00;
	v3 =	vld [tilespmem:s5+$0x5470]  }
0x445: {  	v1 =	vmul.f32 v2, v1;
	v4 =	vld [tilespmem:s5+$0x470];
	_ =	sdelay $0x1  }
0x446: {  	[tilespmem:s5+$0x460] =	vst v1  }
.Ltmp16:
0x447: {  	v2 =	vld [tilespmem:$0xA7F0];
	(pc) =	sbr.rel @!p1 .LBB2_24-.Ltmp16, $4  }
0x448: {  	_ = 	snop  }
0x449: {  	v3 =	vadd.f32 v3, v4  }
0x44a: {  	s12 =	sshra.s32 s11, $0x2  }
0x44b: {  	s11 =	sadd.s32 $0x200, s11;
	v1 =	vld [tilespmem:s12+$0x5400];
	v3 =	vmax.f32 v3, $0.0e+00  }
0x44c: {  	v4 =	vld [tilespmem:s12+$0x400];
	v2 =	vmul.f32 v3, v2;
	_ =	sdelay $0x1  }
0x44d: {  	[tilespmem:s5+$0x470] =	vst v2  }
0x44e: {  	v2 =	vld [tilespmem:$0xA780];
	_ =	sdelay $0x1  }
0x44f: {  	v1 =	vadd.f32 v1, v4;
	_ =	sdelay $0x1  }
0x450: {  	v3 =	vld [tilespmem:s12+$0x5410];
	v1 =	vmax.f32 v1, $0.0e+00  }
0x451: {  	v1 =	vmul.f32 v1, v2;
	v2 =	vld [tilespmem:s12+$0x410];
	_ =	sdelay $0x1  }
0x452: {  	[tilespmem:s12+$0x400] =	vst v1  }
0x453: {  	v1 =	vld [tilespmem:$0xA790];
	_ =	sdelay $0x1  }
0x454: {  	v2 =	vadd.f32 v3, v2;
	_ =	sdelay $0x1  }
0x455: {  	v3 =	vld [tilespmem:s12+$0x5420];
	v2 =	vmax.f32 v2, $0.0e+00  }
0x456: {  	v1 =	vmul.f32 v2, v1;
	v2 =	vld [tilespmem:s12+$0x420];
	_ =	sdelay $0x1  }
0x457: {  	[tilespmem:s12+$0x410] =	vst v1  }
0x458: {  	v1 =	vld [tilespmem:$0xA7A0];
	_ =	sdelay $0x1  }
0x459: {  	v2 =	vadd.f32 v3, v2;
	_ =	sdelay $0x1  }
0x45a: {  	v3 =	vld [tilespmem:s12+$0x5430];
	v2 =	vmax.f32 v2, $0.0e+00  }
0x45b: {  	v1 =	vmul.f32 v2, v1;
	v2 =	vld [tilespmem:s12+$0x430];
	_ =	sdelay $0x1  }
0x45c: {  	[tilespmem:s12+$0x420] =	vst v1  }
0x45d: {  	v1 =	vld [tilespmem:$0xA7B0];
	_ =	sdelay $0x1  }
0x45e: {  	v2 =	vadd.f32 v3, v2;
	_ =	sdelay $0x1  }
0x45f: {  	v3 =	vld [tilespmem:s12+$0x5440];
	v2 =	vmax.f32 v2, $0.0e+00  }
0x460: {  	v1 =	vmul.f32 v2, v1;
	v2 =	vld [tilespmem:s12+$0x440];
	_ =	sdelay $0x1  }
0x461: {  	[tilespmem:s12+$0x430] =	vst v1  }
0x462: {  	v1 =	vld [tilespmem:$0xA7C0];
	_ =	sdelay $0x1  }
0x463: {  	v2 =	vadd.f32 v3, v2;
	_ =	sdelay $0x1  }
0x464: {  	v3 =	vld [tilespmem:s12+$0x5450];
	v2 =	vmax.f32 v2, $0.0e+00  }
0x465: {  	v1 =	vmul.f32 v2, v1;
	v2 =	vld [tilespmem:s12+$0x450];
	_ =	sdelay $0x1  }
0x466: {  	[tilespmem:s12+$0x440] =	vst v1  }
0x467: {  	v1 =	vld [tilespmem:$0xA7D0];
	_ =	sdelay $0x1  }
0x468: {  	v2 =	vadd.f32 v3, v2;
	_ =	sdelay $0x1  }
0x469: {  	v3 =	vld [tilespmem:s12+$0x5460];
	v2 =	vmax.f32 v2, $0.0e+00  }
0x46a: {  	v1 =	vmul.f32 v2, v1;
	v2 =	vld [tilespmem:s12+$0x460];
	_ =	sdelay $0x1  }
0x46b: {  	[tilespmem:s12+$0x450] =	vst v1  }
0x46c: {  	v1 =	vld [tilespmem:$0xA7E0];
	_ =	sdelay $0x1  }
0x46d: {  	v2 =	vadd.f32 v3, v2;
	_ =	sdelay $0x1  }
0x46e: {  	v3 =	vld [tilespmem:s12+$0x5470];
	v2 =	vmax.f32 v2, $0.0e+00  }
0x46f: {  	v1 =	vmul.f32 v2, v1;
	v2 =	vld [tilespmem:s12+$0x470];
	_ =	sdelay $0x1  }
0x470: {  	[tilespmem:s12+$0x460] =	vst v1  }
0x471: {  	v1 =	vld [tilespmem:$0xA7F0];
	_ =	sdelay $0x1  }
0x472: {  	v2 =	vadd.f32 v3, v2  }
.Ltmp17:
0x473: {  	_ = 	snop;
	(pc) =	sbr.rel .LBB2_30-.Ltmp17, $3  }
0x474: {  	v2 =	vmax.f32 v2, $0.0e+00  }
0x475: {  	v1 =	vmul.f32 v2, v1;
	_ =	sdelay $0x1  }
0x476: {  	s21 =	sld [smem:$0x7FB];
	[tilespmem:s12+$0x470] =	vst v1  }
.LBB2_26:
0x477: {  	p2 =	slt.u32 @!p1 s5, $0x80000002  }
0x478: {  	p1 =	por p1, p2  }
.Ltmp18:
0x479: {  	_ = 	snop;
	(pc) =	sbr.rel @p1 .LBB2_30-.Ltmp18, $3  }
0x47a: {  	_ =	sdelay $0x1  }
0x47b: {  	s25 =	rddreg [dreg:$0x13]  }
0x47c: {  	s18 =	simm.s32 $0xB;
	s21 =	sld [smem:$0x7FB]  }
0x47d: {  	s11 =	simm.s32 $0x0;
	s12 =	simm.s32 $0x440  }
0x47e: {  	s5 =	simm.s32 $0x5440;
	v1 =	vmov s11;
	v2 =	vld [tilespmem:s12+$0xFFFFFFC0]  }
0x47f: {  	v3 =	vld [tilespmem:s5+$0xFFFFFFC0];
	_ =	sdelay $0x2  }
0x480: {  	v4 =	vld [tilespmem:$0xA780]  }
0x481: {  	v1 =	vld.idx.msk [tilespmem:v1+s20+$0x0], $0xffff  }
0x482: {  	v3 =	vadd.f32 v3, v2;
	_ =	sdelay $0x1  }
0x483: {  	v3 =	vmax.f32 v3, $0.0e+00  }
0x484: {  	v3 =	vmul.f32 v3, v4  }
0x485: {  	vm0 =	veq.s32 v1, $0x1  }
0x486: {  	v1 =	vsel vm0, v3, v2  }
0x487: {  	[tilespmem:s12+$0xFFFFFFC0] =	vst v1;
	v1 =	vld [tilespmem:s12+$0xFFFFFFD0]  }
0x488: {  	v2 =	vld [tilespmem:s5+$0xFFFFFFD0];
	_ =	sdelay $0x2  }
0x489: {  	v3 =	vld [tilespmem:$0xA790];
	_ =	sdelay $0x1  }
0x48a: {  	v2 =	vadd.f32 v2, v1;
	_ =	sdelay $0x1  }
0x48b: {  	v2 =	vmax.f32 v2, $0.0e+00  }
0x48c: {  	v2 =	vmul.f32 v2, v3;
	_ =	sdelay $0x1  }
0x48d: {  	v1 =	vsel vm0, v2, v1  }
0x48e: {  	[tilespmem:s12+$0xFFFFFFD0] =	vst v1;
	v1 =	vld [tilespmem:s12+$0xFFFFFFE0]  }
0x48f: {  	v2 =	vld [tilespmem:s5+$0xFFFFFFE0];
	_ =	sdelay $0x2  }
0x490: {  	v3 =	vld [tilespmem:$0xA7A0];
	_ =	sdelay $0x1  }
0x491: {  	v2 =	vadd.f32 v2, v1;
	_ =	sdelay $0x1  }
0x492: {  	v2 =	vmax.f32 v2, $0.0e+00  }
0x493: {  	v2 =	vmul.f32 v2, v3;
	_ =	sdelay $0x1  }
0x494: {  	v1 =	vsel vm0, v2, v1  }
0x495: {  	[tilespmem:s12+$0xFFFFFFE0] =	vst v1;
	v1 =	vld [tilespmem:s12+$0xFFFFFFF0]  }
0x496: {  	v2 =	vld [tilespmem:s5+$0xFFFFFFF0];
	_ =	sdelay $0x2  }
0x497: {  	v3 =	vld [tilespmem:$0xA7B0];
	_ =	sdelay $0x1  }
0x498: {  	v2 =	vadd.f32 v2, v1;
	_ =	sdelay $0x1  }
0x499: {  	v2 =	vmax.f32 v2, $0.0e+00  }
0x49a: {  	v2 =	vmul.f32 v2, v3;
	_ =	sdelay $0x1  }
0x49b: {  	v1 =	vsel vm0, v2, v1  }
0x49c: {  	[tilespmem:s12+$0xFFFFFFF0] =	vst v1;
	v1 =	vld [tilespmem:s12+$0x0]  }
0x49d: {  	v2 =	vld [tilespmem:s5+$0x0];
	_ =	sdelay $0x2  }
0x49e: {  	v3 =	vld [tilespmem:$0xA7C0];
	_ =	sdelay $0x1  }
0x49f: {  	v2 =	vadd.f32 v2, v1;
	_ =	sdelay $0x1  }
0x4a0: {  	v2 =	vmax.f32 v2, $0.0e+00  }
0x4a1: {  	v2 =	vmul.f32 v2, v3;
	_ =	sdelay $0x1  }
0x4a2: {  	v1 =	vsel vm0, v2, v1  }
0x4a3: {  	[tilespmem:s12+$0x0] =	vst v1;
	v1 =	vld [tilespmem:s12+$0x10]  }
0x4a4: {  	v2 =	vld [tilespmem:s5+$0x10];
	_ =	sdelay $0x2  }
0x4a5: {  	v3 =	vld [tilespmem:$0xA7D0];
	_ =	sdelay $0x1  }
0x4a6: {  	v2 =	vadd.f32 v2, v1;
	_ =	sdelay $0x1  }
0x4a7: {  	v2 =	vmax.f32 v2, $0.0e+00  }
0x4a8: {  	v2 =	vmul.f32 v2, v3;
	_ =	sdelay $0x1  }
0x4a9: {  	v1 =	vsel vm0, v2, v1  }
0x4aa: {  	[tilespmem:s12+$0x10] =	vst v1;
	v1 =	vld [tilespmem:s12+$0x20]  }
0x4ab: {  	v2 =	vld [tilespmem:s5+$0x20];
	_ =	sdelay $0x2  }
0x4ac: {  	v3 =	vld [tilespmem:$0xA7E0];
	_ =	sdelay $0x1  }
0x4ad: {  	v2 =	vadd.f32 v2, v1;
	_ =	sdelay $0x1  }
0x4ae: {  	v2 =	vmax.f32 v2, $0.0e+00  }
0x4af: {  	v2 =	vmul.f32 v2, v3;
	_ =	sdelay $0x1  }
0x4b0: {  	v1 =	vsel vm0, v2, v1  }
0x4b1: {  	v2 =	vld [tilespmem:s12+$0x30];
	[tilespmem:s12+$0x20] =	vst v1  }
0x4b2: {  	v1 =	vld [tilespmem:s5+$0x30];
	_ =	sdelay $0x2  }
0x4b3: {  	v3 =	vld [tilespmem:$0xA7F0];
	_ =	sdelay $0x1  }
0x4b4: {  	v1 =	vadd.f32 v1, v2;
	_ =	sdelay $0x1  }
0x4b5: {  	v1 =	vmax.f32 v1, $0.0e+00  }
0x4b6: {  	v3 =	vmul.f32 v1, v3  }
0x4b7: {  	s31 =	simm.s32 $0x1  }
0x4b8: {  	s18 =	simm.s32 $0x2;
	s11 =	simm.s32 $0x4C0;
	v1 =	vmov s31;
	v2 =	vsel vm0, v3, v2  }
.LBB2_28:
0x4b9: {  	p1 =	sne.s32 s18, $0x4F;
	s5 =	sadd.s32 $0x80, s5  }
0x4ba: {  	v3 =	vld [tilespmem:s11+$0xFFFFFFC0];
	[tilespmem:s12+$0x30] =	vst v2;
	s21 =	smov.u32 s18;
	s18 =	sadd.s32 $0x1, s18;
	s12 =	smov.u32 s11  }
0x4bb: {  	v2 =	vld [tilespmem:s5+$0xFFFFFFC0];
	_ =	sdelay $0x1  }
0x4bc: {  	v4 =	vld [tilespmem:$0xA780]  }
0x4bd: {  	v1 =	vld.idx.msk [tilespmem:v1+s20+$0x0], $0xffff;
	_ =	sdelay $0x1  }
0x4be: {  	v2 =	vadd.f32 v2, v3;
	_ =	sdelay $0x1  }
0x4bf: {  	v2 =	vmax.f32 v2, $0.0e+00  }
0x4c0: {  	v2 =	vmul.f32 v2, v4  }
0x4c1: {  	vm0 =	veq.s32 v1, $0x1  }
0x4c2: {  	v1 =	vsel vm0, v2, v3  }
0x4c3: {  	[tilespmem:s11+$0xFFFFFFC0] =	vst v1;
	v1 =	vld [tilespmem:s11+$0xFFFFFFD0]  }
0x4c4: {  	v2 =	vld [tilespmem:s5+$0xFFFFFFD0];
	_ =	sdelay $0x2  }
0x4c5: {  	v3 =	vld [tilespmem:$0xA790];
	_ =	sdelay $0x1  }
0x4c6: {  	v2 =	vadd.f32 v2, v1;
	_ =	sdelay $0x1  }
0x4c7: {  	v2 =	vmax.f32 v2, $0.0e+00  }
0x4c8: {  	v2 =	vmul.f32 v2, v3;
	_ =	sdelay $0x1  }
0x4c9: {  	v1 =	vsel vm0, v2, v1  }
0x4ca: {  	[tilespmem:s11+$0xFFFFFFD0] =	vst v1;
	v1 =	vld [tilespmem:s11+$0xFFFFFFE0]  }
0x4cb: {  	v2 =	vld [tilespmem:s5+$0xFFFFFFE0];
	_ =	sdelay $0x2  }
0x4cc: {  	v3 =	vld [tilespmem:$0xA7A0];
	_ =	sdelay $0x1  }
0x4cd: {  	v2 =	vadd.f32 v2, v1;
	_ =	sdelay $0x1  }
0x4ce: {  	v2 =	vmax.f32 v2, $0.0e+00  }
0x4cf: {  	v2 =	vmul.f32 v2, v3;
	_ =	sdelay $0x1  }
0x4d0: {  	v1 =	vsel vm0, v2, v1  }
0x4d1: {  	[tilespmem:s11+$0xFFFFFFE0] =	vst v1;
	v1 =	vld [tilespmem:s11+$0xFFFFFFF0]  }
0x4d2: {  	v2 =	vld [tilespmem:s5+$0xFFFFFFF0];
	_ =	sdelay $0x2  }
0x4d3: {  	v3 =	vld [tilespmem:$0xA7B0];
	_ =	sdelay $0x1  }
0x4d4: {  	v2 =	vadd.f32 v2, v1;
	_ =	sdelay $0x1  }
0x4d5: {  	v2 =	vmax.f32 v2, $0.0e+00  }
0x4d6: {  	v2 =	vmul.f32 v2, v3;
	_ =	sdelay $0x1  }
0x4d7: {  	v1 =	vsel vm0, v2, v1  }
0x4d8: {  	[tilespmem:s11+$0xFFFFFFF0] =	vst v1;
	v1 =	vld [tilespmem:s11+$0x0]  }
0x4d9: {  	v2 =	vld [tilespmem:s5+$0x0];
	_ =	sdelay $0x2  }
0x4da: {  	v3 =	vld [tilespmem:$0xA7C0];
	_ =	sdelay $0x1  }
0x4db: {  	v2 =	vadd.f32 v2, v1;
	_ =	sdelay $0x1  }
0x4dc: {  	v2 =	vmax.f32 v2, $0.0e+00  }
0x4dd: {  	v2 =	vmul.f32 v2, v3;
	_ =	sdelay $0x1  }
0x4de: {  	v1 =	vsel vm0, v2, v1  }
0x4df: {  	[tilespmem:s11+$0x0] =	vst v1;
	v1 =	vld [tilespmem:s11+$0x10]  }
0x4e0: {  	v2 =	vld [tilespmem:s5+$0x10]  }
0x4e1: {  	v3 =	vld [tilespmem:$0xA7D0];
	_ =	sdelay $0x3  }
0x4e2: {  	v2 =	vadd.f32 v2, v1;
	_ =	sdelay $0x1  }
0x4e3: {  	v2 =	vmax.f32 v2, $0.0e+00  }
0x4e4: {  	v2 =	vmul.f32 v2, v3;
	_ =	sdelay $0x1  }
0x4e5: {  	v1 =	vsel vm0, v2, v1  }
0x4e6: {  	[tilespmem:s11+$0x10] =	vst v1;
	v1 =	vld [tilespmem:s11+$0x20]  }
0x4e7: {  	v2 =	vld [tilespmem:s5+$0x20]  }
0x4e8: {  	v3 =	vld [tilespmem:$0xA7E0];
	_ =	sdelay $0x3  }
0x4e9: {  	v2 =	vadd.f32 v2, v1;
	_ =	sdelay $0x1  }
0x4ea: {  	v2 =	vmax.f32 v2, $0.0e+00  }
0x4eb: {  	v2 =	vmul.f32 v2, v3;
	_ =	sdelay $0x1  }
0x4ec: {  	v1 =	vsel vm0, v2, v1  }
0x4ed: {  	[tilespmem:s11+$0x20] =	vst v1;
	v2 =	vld [tilespmem:s11+$0x30]  }
0x4ee: {  	v1 =	vld [tilespmem:s5+$0x30]  }
0x4ef: {  	v3 =	vld [tilespmem:$0xA7F0];
	_ =	sdelay $0x3  }
0x4f0: {  	v1 =	vadd.f32 v1, v2  }
.Ltmp19:
0x4f1: {  	(pc) =	sbr.rel @p1 .LBB2_28-.Ltmp19, $3  }
0x4f2: {  	v1 =	vmax.f32 v1, $0.0e+00  }
0x4f3: {  	v3 =	vmul.f32 v1, v3;
	_ =	sdelay $0x1  }
0x4f4: {  	s11 =	sadd.s32 $0x80, s11;
	v1 =	vmov s21;
	v2 =	vsel vm0, v3, v2  }
0x4f5: {  	v3 =	vld [tilespmem:s11+$0xFFFFFFC0];
	[tilespmem:s12+$0x30] =	vst v2;
	s5 =	sadd.s32 $0x80, s5  }
0x4f6: {  	v2 =	vld [tilespmem:s5+$0xFFFFFFC0];
	_ =	sdelay $0x2  }
0x4f7: {  	v4 =	vld [tilespmem:$0xA780]  }
0x4f8: {  	v1 =	vld.idx.msk [tilespmem:v1+s20+$0x0], $0xffff  }
0x4f9: {  	v2 =	vadd.f32 v2, v3;
	_ =	sdelay $0x1  }
0x4fa: {  	v2 =	vmax.f32 v2, $0.0e+00  }
0x4fb: {  	v2 =	vmul.f32 v2, v4  }
0x4fc: {  	vm0 =	veq.s32 v1, $0x1  }
0x4fd: {  	v1 =	vsel vm0, v2, v3  }
0x4fe: {  	[tilespmem:s11+$0xFFFFFFC0] =	vst v1;
	v1 =	vld [tilespmem:s11+$0xFFFFFFD0]  }
0x4ff: {  	v2 =	vld [tilespmem:s5+$0xFFFFFFD0];
	_ =	sdelay $0x2  }
0x500: {  	v3 =	vld [tilespmem:$0xA790];
	_ =	sdelay $0x1  }
0x501: {  	v2 =	vadd.f32 v2, v1;
	_ =	sdelay $0x1  }
0x502: {  	v2 =	vmax.f32 v2, $0.0e+00  }
0x503: {  	v2 =	vmul.f32 v2, v3;
	_ =	sdelay $0x1  }
0x504: {  	v1 =	vsel vm0, v2, v1  }
0x505: {  	[tilespmem:s11+$0xFFFFFFD0] =	vst v1;
	v1 =	vld [tilespmem:s11+$0xFFFFFFE0]  }
0x506: {  	v2 =	vld [tilespmem:s5+$0xFFFFFFE0];
	_ =	sdelay $0x2  }
0x507: {  	v3 =	vld [tilespmem:$0xA7A0];
	_ =	sdelay $0x1  }
0x508: {  	v2 =	vadd.f32 v2, v1;
	_ =	sdelay $0x1  }
0x509: {  	v2 =	vmax.f32 v2, $0.0e+00  }
0x50a: {  	v2 =	vmul.f32 v2, v3;
	_ =	sdelay $0x1  }
0x50b: {  	v1 =	vsel vm0, v2, v1  }
0x50c: {  	[tilespmem:s11+$0xFFFFFFE0] =	vst v1;
	v1 =	vld [tilespmem:s11+$0xFFFFFFF0]  }
0x50d: {  	v2 =	vld [tilespmem:s5+$0xFFFFFFF0];
	_ =	sdelay $0x2  }
0x50e: {  	v3 =	vld [tilespmem:$0xA7B0];
	_ =	sdelay $0x1  }
0x50f: {  	v2 =	vadd.f32 v2, v1;
	_ =	sdelay $0x1  }
0x510: {  	v2 =	vmax.f32 v2, $0.0e+00  }
0x511: {  	v2 =	vmul.f32 v2, v3;
	_ =	sdelay $0x1  }
0x512: {  	v1 =	vsel vm0, v2, v1  }
0x513: {  	[tilespmem:s11+$0xFFFFFFF0] =	vst v1;
	v1 =	vld [tilespmem:s11+$0x0]  }
0x514: {  	v2 =	vld [tilespmem:s5+$0x0];
	_ =	sdelay $0x2  }
0x515: {  	v3 =	vld [tilespmem:$0xA7C0];
	_ =	sdelay $0x1  }
0x516: {  	v2 =	vadd.f32 v2, v1;
	_ =	sdelay $0x1  }
0x517: {  	v2 =	vmax.f32 v2, $0.0e+00  }
0x518: {  	v2 =	vmul.f32 v2, v3;
	_ =	sdelay $0x1  }
0x519: {  	v1 =	vsel vm0, v2, v1  }
0x51a: {  	[tilespmem:s11+$0x0] =	vst v1;
	v1 =	vld [tilespmem:s11+$0x10]  }
0x51b: {  	v2 =	vld [tilespmem:s5+$0x10];
	_ =	sdelay $0x2  }
0x51c: {  	v3 =	vld [tilespmem:$0xA7D0];
	_ =	sdelay $0x1  }
0x51d: {  	v2 =	vadd.f32 v2, v1;
	_ =	sdelay $0x1  }
0x51e: {  	v2 =	vmax.f32 v2, $0.0e+00  }
0x51f: {  	v2 =	vmul.f32 v2, v3;
	_ =	sdelay $0x1  }
0x520: {  	v1 =	vsel vm0, v2, v1  }
0x521: {  	[tilespmem:s11+$0x10] =	vst v1;
	v1 =	vld [tilespmem:s11+$0x20]  }
0x522: {  	v2 =	vld [tilespmem:s5+$0x20];
	_ =	sdelay $0x2  }
0x523: {  	v3 =	vld [tilespmem:$0xA7E0];
	_ =	sdelay $0x1  }
0x524: {  	v2 =	vadd.f32 v2, v1;
	_ =	sdelay $0x1  }
0x525: {  	v2 =	vmax.f32 v2, $0.0e+00  }
0x526: {  	v2 =	vmul.f32 v2, v3;
	_ =	sdelay $0x1  }
0x527: {  	v1 =	vsel vm0, v2, v1  }
0x528: {  	[tilespmem:s11+$0x20] =	vst v1;
	v1 =	vld [tilespmem:s11+$0x30]  }
0x529: {  	v2 =	vld [tilespmem:s5+$0x30];
	_ =	sdelay $0x2  }
0x52a: {  	v3 =	vld [tilespmem:$0xA7F0];
	_ =	sdelay $0x1  }
0x52b: {  	v2 =	vadd.f32 v2, v1;
	_ =	sdelay $0x1  }
.Ltmp20:
0x52c: {  	v2 =	vmax.f32 v2, $0.0e+00;
	(pc) =	sbr.rel .LBB2_30-.Ltmp20, $3  }
0x52d: {  	v2 =	vmul.f32 v2, v3;
	_ =	sdelay $0x1  }
0x52e: {  	v1 =	vsel vm0, v2, v1  }
0x52f: {  	s18 =	simm.s32 $0xB;
	s21 =	sld [smem:$0x7FB];
	[tilespmem:s11+$0x30] =	vst v1  }
.LBB2_31:
0x530: {  	_ =	sfence.sel $0x180000  }
0x531: {  	[bflag:$0x0] =	sbarrier.arrive $0xFFFF  }
0x532: {  	_ =	strace $0x90000047  }
0x533: {  	s0 =	stileid.u32;
	[bflag:$0x2] =	sbarrier.arrive $0xFFFF  }
0x534: {  	p0 =	sne.s32 s0, $0x0;
	s0 =	rddreg [dreg:$0x6]  }
0x535: {  	s0 =	sadd.s32 @!p0 $0x100000, s0  }
0x536: {  	[sflag:s0] =	ssyncadd.tile.s32 @!p0 $0x1;
	_ =	shalt  }
.Lfunc_end2:
_tile_overlayer_lowered:
.L_overlay_start_2:
0x537: {  	(tag) =	ssettag $0x2  }
0x538: {  	s0 =	rddreg [dreg:$0x0];
	s2 =	stileid.u32  }
0x539: {  	s1 =	rddreg [dreg:$0x1];
	p0 =	sne.s32 s2, $0x0  }
0x53a: {  	s3 =	rddreg [dreg:$0x2];
	[bflag:$0x3] =	sbarrier.arrive $0xFFFF;
	s2 =	simm.s32 @!p0 $0x1C0B  }
0x53b: {  	[timem:s3], [sflag:s2] =	dma.local @!p0 [hbm:s0], s1  }
0x53c: {  	s0 =	simm.s32 @!p0 $0xB  }
0x53d: {  	_ =	swait.ge @!p0 [sflag:s0], s1  }
0x53e: {  	s1 =	ssub.s32 @!p0 $0x0, s1;
	[sflag:s0] =	ssyncset.done @!p0 $0x0  }
0x53f: {  	[sflag:s0] =	ssyncadd.s32 @!p0 s1  }
0x540: {  	[bflag:$0x3] =	sbarrier.arrive $0xFFFF  }
0x541: {  	_ =	shalt  }

</sc_bundles>
